<compile_context>
chip_gen: v7x
topology: tpu7x:2x2x1
jax: 0.10.2.dev20260603
libtpu: 0.0.44.dev20260713+nightly
codegen_flags: <defaults>
</compile_context>

<pallas_src>
import functools

import jax
import jax.numpy as jnp
from jax import lax
from jax.experimental import pallas as pl
from jax.experimental.pallas import tpu as pltpu
from jax.experimental.pallas import tpu_sc as plsc

NQ = 4
CHUNK = 128
LANES = 16
TBLK = 8192


def _fuse_tables(tabs_t):
    dim, vocab = tabs_t[0].shape
    grid = (vocab + TBLK - 1) // TBLK

    def body(t0_ref, t1_ref, t2_ref, t3_ref, o_ref):
        eye = jnp.where(
            lax.broadcasted_iota(jnp.int32, (128, 128), 0)
            == lax.broadcasted_iota(jnp.int32, (128, 128), 1),
            jnp.float32(1.0), jnp.float32(0.0))
        for q, t_ref in enumerate((t0_ref, t1_ref, t2_ref, t3_ref)):
            x = t_ref[...]
            for c in range(TBLK // 128):
                o_ref[pl.ds(c * 128, 128), pl.ds(q * dim, dim)] = (
                    lax.dot_general(eye, x[:, c * 128:(c + 1) * 128],
                                    (((1,), (1,)), ((), ())),
                                    preferred_element_type=jnp.float32))

    in_spec = pl.BlockSpec((dim, TBLK), lambda i: (0, i))
    return pl.pallas_call(
        body,
        grid=(grid,),
        in_specs=[in_spec, in_spec, in_spec, in_spec],
        out_specs=pl.BlockSpec((TBLK, NQ * dim), lambda i: (i, 0)),
        out_shape=jax.ShapeDtypeStruct((vocab, NQ * dim), jnp.float32),
    )(*tabs_t)


def _make_sc_kernel(l_seq, b, dim, nc, ns):
    nw = nc * ns
    assert b == nw * CHUNK

    mesh = plsc.VectorSubcoreMesh(core_axis_name="c", subcore_axis_name="s")

    @functools.partial(
        pl.kernel,
        out_type=jax.ShapeDtypeStruct((l_seq, b, dim * NQ), jnp.float32),
        mesh=mesh,
        compiler_params=pltpu.CompilerParams(needs_layout_passes=False),
        scratch_types=[
            pltpu.VMEM((l_seq, CHUNK), jnp.int32),
            pltpu.VMEM((CHUNK,), jnp.int32),
            pltpu.VMEM((CHUNK,), jnp.int32),
            pltpu.VMEM((CHUNK, NQ * dim), jnp.float32),
            pltpu.VMEM((CHUNK, NQ * dim), jnp.float32),
            pltpu.VMEM((CHUNK, dim * NQ), jnp.float32),
            pltpu.SemaphoreType.DMA,
            pltpu.SemaphoreType.DMA,
        ],
    )
    def qembed(xt_ref, tab_ref, out_ref, idx_v, idxg_a, idxg_b,
               g_a, g_b, o_v, sem_a, sem_b):
        wid = lax.axis_index("c") * ns + lax.axis_index("s")
        col0 = wid * CHUNK
        pltpu.sync_copy(xt_ref.at[:, pl.ds(col0, CHUNK)], idx_v)

        iota = lax.iota(jnp.int32, LANES)
        pats = [[iota * NQ + (h * LANES * NQ + q) for h in range(dim // LANES)]
                for q in range(NQ)]
        nj = CHUNK // LANES

        def fire(t, idxg, sem):
            for j in range(nj):
                idxg[pl.ds(j * LANES, LANES)] = idx_v[t, pl.ds(j * LANES, LANES)]
            pltpu.async_copy(tab_ref.at[idxg], g_a, sem)

        def fire_b(t, idxg, sem):
            for j in range(nj):
                idxg[pl.ds(j * LANES, LANES)] = idx_v[t, pl.ds(j * LANES, LANES)]
            pltpu.async_copy(tab_ref.at[idxg], g_b, sem)

        def drain(g_v, sem, t):
            pltpu.make_async_copy(tab_ref.at[idxg_a], g_v, sem).wait()

            def interleave(i, carry2):
                row = jnp.full((LANES,), 0, jnp.int32) + i
                for q in range(NQ):
                    for h in range(dim // LANES):
                        vals = g_v[i, pl.ds(q * dim + h * LANES, LANES)]
                        plsc.store_scatter(o_v, [row, pats[q][h]], vals)
                return carry2

            lax.fori_loop(0, CHUNK, interleave, 0, unroll=2)
            pltpu.sync_copy(o_v, out_ref.at[t, pl.ds(col0, CHUNK), :])

        fire(0, idxg_a, sem_a)

        def do_pair(p, carry):
            ta = p * 2
            fire_b(ta + 1, idxg_b, sem_b)
            drain(g_a, sem_a, ta)

            @pl.when(p < (l_seq // 2) - 1)
            def _():
                fire(ta + 2, idxg_a, sem_a)

            drain(g_b, sem_b, ta + 1)
            return carry

        lax.fori_loop(0, l_seq // 2, do_pair, 0)

    return qembed


@jax.jit
def kernel(x, scalar, vector_i, vector_j, vector_k):
    b, l_seq = x.shape
    vocab, dim = scalar.shape
    info = plsc.get_sparse_core_info()
    k = _make_sc_kernel(l_seq, b, dim, info.num_cores, info.num_subcores)
    fused = _fuse_tables([t.T for t in (scalar, vector_i, vector_j, vector_k)])
    out = k(x.T.astype(jnp.int32), fused)
    return out.reshape(l_seq, b, dim, NQ).transpose(1, 0, 2, 3)

# --- scband reference (transcript-rebuilt; emitter-appended) ---
"""Pipeline reference for scband-quaternion-embedding-7361573945754 (READ-ONLY COPY).

The authoritative reference and input builder live on the scoring server;
editing this copy changes nothing except your own understanding.
"""

import jax, jax.numpy as jnp
import numpy as np

VOCAB = 1000000
DIM = 32
B = 4096
L = 50

def setup_inputs(seed: int = 0) -> dict:
    key = jax.random.key(seed)
    k_x, k_s, k_i, k_j, k_k = jax.random.split(key, 5)
    x = jax.random.randint(k_x, (B, L), 0, VOCAB, dtype=jnp.int64 if jax.config.jax_enable_x64 else jnp.int32)
    scalar = jax.random.normal(k_s, (VOCAB, DIM), dtype=jnp.float32)
    vector_i = jax.random.normal(k_i, (VOCAB, DIM), dtype=jnp.float32)
    vector_j = jax.random.normal(k_j, (VOCAB, DIM), dtype=jnp.float32)
    vector_k = jax.random.normal(k_k, (VOCAB, DIM), dtype=jnp.float32)
    return {"x": x, "scalar": scalar, "vector_i": vector_i, "vector_j": vector_j, "vector_k": vector_k}

def reference(x, scalar, vector_i, vector_j, vector_k):
    a = jnp.take(scalar, x, axis=0)
    b = jnp.take(vector_i, x, axis=0)
    c = jnp.take(vector_j, x, axis=0)
    d = jnp.take(vector_k, x, axis=0)
    return jnp.stack([a, b, c, d], axis=-1)

if __name__ == "__main__":
    import jax
    _d = setup_inputs()
    print(jax.jit(kernel)(*tuple(_d.values())))

</pallas_src>

<mosaic_0001>
#map = affine_map<(d0, d1) -> (0, 0)>
#map1 = affine_map<(d0, d1) -> (0, 0, 0)>
module attributes {stable_mosaic.version = 14 : i64} {
  func.func @qembed(%arg0: i32, %arg1: i32, %arg2: memref<50x4096xi32, #tpu.memory_space<hbm>>, %arg3: memref<1000000x128xf32, #tpu.memory_space<hbm>>, %arg4: memref<50x4096x128xf32, #tpu.memory_space<hbm>>, %arg5: memref<50x128xi32, #tpu.memory_space<vmem>>, %arg6: memref<128xi32, #tpu.memory_space<vmem>>, %arg7: memref<128xi32, #tpu.memory_space<vmem>>, %arg8: memref<128x128xf32, #tpu.memory_space<vmem>>, %arg9: memref<128x128xf32, #tpu.memory_space<vmem>>, %arg10: memref<128x128xf32, #tpu.memory_space<vmem>>, %arg11: memref<!tpu.dma_semaphore, #tpu.memory_space<semaphore_mem>>, %arg12: memref<!tpu.dma_semaphore, #tpu.memory_space<semaphore_mem>>) attributes {dimension_semantics = [#tpu.dimension_semantics<core_parallel>, #tpu.dimension_semantics<subcore_parallel>], iteration_bounds = array<i64: 2, 16>, scalar_prefetch = 0 : i64, scratch_operands = 8 : i64, tpu.core_type = #tpu.core_type<sc_vector_subcore>, window_params = [{transform_indices = #map}, {transform_indices = #map}, {transform_indices = #map1}]} {
    %mul3A = arith.constant 16 : i32
    %mul3A_0 = arith.muli %arg0, %mul3A : i32
    %add3A = arith.addi %mul3A_0, %arg1 : i32
    %mul3A_1 = arith.constant 128 : i32
    %mul3A_2 = arith.muli %add3A, %mul3A_1 : i32
    "tpu.region"() ({
      %run_scoped3A = tpu.sem_alloc : memref<!tpu.dma_semaphore, #tpu.memory_space<semaphore_mem>>
      %dma_start3A_104 = arith.constant 0 : i32
      %dma_start3A_105 = tpu.memref_slice %arg2[%dma_start3A_104, %mul3A_2] : memref<50x4096xi32, #tpu.memory_space<hbm>> -> memref<50x128xi32, #tpu.memory_space<hbm>>
      %dma_start3A_106 = arith.constant 0 : i32
      %dma_start3A_107 = tpu.memref_slice %arg2[%dma_start3A_106, %mul3A_2] : memref<50x4096xi32, #tpu.memory_space<hbm>> -> memref<50x128xi32, #tpu.memory_space<hbm>>
      tpu.enqueue_dma source(%dma_start3A_107 : memref<50x128xi32, #tpu.memory_space<hbm>>) target(%arg5 : memref<50x128xi32, #tpu.memory_space<vmem>>) target_semaphore(%run_scoped3A : memref<!tpu.dma_semaphore, #tpu.memory_space<semaphore_mem>>)
      %dma_wait3A = arith.constant 0 : i32
      %dma_wait3A_108 = tpu.memref_slice %arg2[%dma_wait3A, %mul3A_2] : memref<50x4096xi32, #tpu.memory_space<hbm>> -> memref<50x128xi32, #tpu.memory_space<hbm>>
      %dma_wait3A_109 = arith.constant 0 : i32
      %dma_wait3A_110 = tpu.memref_slice %arg2[%dma_wait3A_109, %mul3A_2] : memref<50x4096xi32, #tpu.memory_space<hbm>> -> memref<50x128xi32, #tpu.memory_space<hbm>>
      tpu.wait_dma2 semaphore(%run_scoped3A : memref<!tpu.dma_semaphore, #tpu.memory_space<semaphore_mem>>) src(%dma_wait3A_110 : memref<50x128xi32, #tpu.memory_space<hbm>>) dst(%arg5 : memref<50x128xi32, #tpu.memory_space<vmem>>)
      tpu.yield
    }) : () -> ()
    %iota3A = tpu.iota {dimensions = array<i32: 0>} : vector<16xi32>
    %mul3A_3 = arith.constant 4 : i32
    %mul3A_4 = vector.broadcast %mul3A_3 : i32 to vector<16xi32>
    %mul3A_5 = arith.muli %iota3A, %mul3A_4 : vector<16xi32>
    %add3A_6 = arith.constant 0 : i32
    %add3A_7 = vector.broadcast %add3A_6 : i32 to vector<16xi32>
    %add3A_8 = arith.addi %mul3A_5, %add3A_7 : vector<16xi32>
    %mul3A_9 = arith.constant 4 : i32
    %mul3A_10 = vector.broadcast %mul3A_9 : i32 to vector<16xi32>
    %mul3A_11 = arith.muli %iota3A, %mul3A_10 : vector<16xi32>
    %add3A_12 = arith.constant 64 : i32
    %add3A_13 = vector.broadcast %add3A_12 : i32 to vector<16xi32>
    %add3A_14 = arith.addi %mul3A_11, %add3A_13 : vector<16xi32>
    %mul3A_15 = arith.constant 4 : i32
    %mul3A_16 = vector.broadcast %mul3A_15 : i32 to vector<16xi32>
    %mul3A_17 = arith.muli %iota3A, %mul3A_16 : vector<16xi32>
    %add3A_18 = arith.constant 1 : i32
    %add3A_19 = vector.broadcast %add3A_18 : i32 to vector<16xi32>
    %add3A_20 = arith.addi %mul3A_17, %add3A_19 : vector<16xi32>
    %mul3A_21 = arith.constant 4 : i32
    %mul3A_22 = vector.broadcast %mul3A_21 : i32 to vector<16xi32>
    %mul3A_23 = arith.muli %iota3A, %mul3A_22 : vector<16xi32>
    %add3A_24 = arith.constant 65 : i32
    %add3A_25 = vector.broadcast %add3A_24 : i32 to vector<16xi32>
    %add3A_26 = arith.addi %mul3A_23, %add3A_25 : vector<16xi32>
    %mul3A_27 = arith.constant 4 : i32
    %mul3A_28 = vector.broadcast %mul3A_27 : i32 to vector<16xi32>
    %mul3A_29 = arith.muli %iota3A, %mul3A_28 : vector<16xi32>
    %add3A_30 = arith.constant 2 : i32
    %add3A_31 = vector.broadcast %add3A_30 : i32 to vector<16xi32>
    %add3A_32 = arith.addi %mul3A_29, %add3A_31 : vector<16xi32>
    %mul3A_33 = arith.constant 4 : i32
    %mul3A_34 = vector.broadcast %mul3A_33 : i32 to vector<16xi32>
    %mul3A_35 = arith.muli %iota3A, %mul3A_34 : vector<16xi32>
    %add3A_36 = arith.constant 66 : i32
    %add3A_37 = vector.broadcast %add3A_36 : i32 to vector<16xi32>
    %add3A_38 = arith.addi %mul3A_35, %add3A_37 : vector<16xi32>
    %mul3A_39 = arith.constant 4 : i32
    %mul3A_40 = vector.broadcast %mul3A_39 : i32 to vector<16xi32>
    %mul3A_41 = arith.muli %iota3A, %mul3A_40 : vector<16xi32>
    %add3A_42 = arith.constant 3 : i32
    %add3A_43 = vector.broadcast %add3A_42 : i32 to vector<16xi32>
    %add3A_44 = arith.addi %mul3A_41, %add3A_43 : vector<16xi32>
    %mul3A_45 = arith.constant 4 : i32
    %mul3A_46 = vector.broadcast %mul3A_45 : i32 to vector<16xi32>
    %mul3A_47 = arith.muli %iota3A, %mul3A_46 : vector<16xi32>
    %add3A_48 = arith.constant 67 : i32
    %add3A_49 = vector.broadcast %add3A_48 : i32 to vector<16xi32>
    %add3A_50 = arith.addi %mul3A_47, %add3A_49 : vector<16xi32>
    %get3A = arith.constant 0 : i32
    %get3A_51 = arith.index_cast %get3A : i32 to index
    %get3A_52 = arith.constant 0 : index
    %get3A_53 = tpu.vector_load %arg5[%get3A_51, %get3A_52] {strides = array<i32>} : memref<50x128xi32, #tpu.memory_space<vmem>>, vector<16xi32>,
    %swap3A = arith.constant 0 : index
    %swap3A_54 = tpu.vector_load %arg6[%swap3A] {strides = array<i32>} : memref<128xi32, #tpu.memory_space<vmem>>, vector<16xi32>,
    tpu.vector_store %arg6[%swap3A], %get3A_53 {strides = array<i32>} : memref<128xi32, #tpu.memory_space<vmem>>, vector<16xi32>,
    %get3A_55 = arith.constant 0 : i32
    %get3A_56 = arith.index_cast %get3A_55 : i32 to index
    %get3A_57 = arith.constant 16 : index
    %get3A_58 = tpu.vector_load %arg5[%get3A_56, %get3A_57] {strides = array<i32>} : memref<50x128xi32, #tpu.memory_space<vmem>>, vector<16xi32>,
    %swap3A_59 = arith.constant 16 : index
    %swap3A_60 = tpu.vector_load %arg6[%swap3A_59] {strides = array<i32>} : memref<128xi32, #tpu.memory_space<vmem>>, vector<16xi32>,
    tpu.vector_store %arg6[%swap3A_59], %get3A_58 {strides = array<i32>} : memref<128xi32, #tpu.memory_space<vmem>>, vector<16xi32>,
    %get3A_61 = arith.constant 0 : i32
    %get3A_62 = arith.index_cast %get3A_61 : i32 to index
    %get3A_63 = arith.constant 32 : index
    %get3A_64 = tpu.vector_load %arg5[%get3A_62, %get3A_63] {strides = array<i32>} : memref<50x128xi32, #tpu.memory_space<vmem>>, vector<16xi32>,
    %swap3A_65 = arith.constant 32 : index
    %swap3A_66 = tpu.vector_load %arg6[%swap3A_65] {strides = array<i32>} : memref<128xi32, #tpu.memory_space<vmem>>, vector<16xi32>,
    tpu.vector_store %arg6[%swap3A_65], %get3A_64 {strides = array<i32>} : memref<128xi32, #tpu.memory_space<vmem>>, vector<16xi32>,
    %get3A_67 = arith.constant 0 : i32
    %get3A_68 = arith.index_cast %get3A_67 : i32 to index
    %get3A_69 = arith.constant 48 : index
    %get3A_70 = tpu.vector_load %arg5[%get3A_68, %get3A_69] {strides = array<i32>} : memref<50x128xi32, #tpu.memory_space<vmem>>, vector<16xi32>,
    %swap3A_71 = arith.constant 48 : index
    %swap3A_72 = tpu.vector_load %arg6[%swap3A_71] {strides = array<i32>} : memref<128xi32, #tpu.memory_space<vmem>>, vector<16xi32>,
    tpu.vector_store %arg6[%swap3A_71], %get3A_70 {strides = array<i32>} : memref<128xi32, #tpu.memory_space<vmem>>, vector<16xi32>,
    %get3A_73 = arith.constant 0 : i32
    %get3A_74 = arith.index_cast %get3A_73 : i32 to index
    %get3A_75 = arith.constant 64 : index
    %get3A_76 = tpu.vector_load %arg5[%get3A_74, %get3A_75] {strides = array<i32>} : memref<50x128xi32, #tpu.memory_space<vmem>>, vector<16xi32>,
    %swap3A_77 = arith.constant 64 : index
    %swap3A_78 = tpu.vector_load %arg6[%swap3A_77] {strides = array<i32>} : memref<128xi32, #tpu.memory_space<vmem>>, vector<16xi32>,
    tpu.vector_store %arg6[%swap3A_77], %get3A_76 {strides = array<i32>} : memref<128xi32, #tpu.memory_space<vmem>>, vector<16xi32>,
    %get3A_79 = arith.constant 0 : i32
    %get3A_80 = arith.index_cast %get3A_79 : i32 to index
    %get3A_81 = arith.constant 80 : index
    %get3A_82 = tpu.vector_load %arg5[%get3A_80, %get3A_81] {strides = array<i32>} : memref<50x128xi32, #tpu.memory_space<vmem>>, vector<16xi32>,
    %swap3A_83 = arith.constant 80 : index
    %swap3A_84 = tpu.vector_load %arg6[%swap3A_83] {strides = array<i32>} : memref<128xi32, #tpu.memory_space<vmem>>, vector<16xi32>,
    tpu.vector_store %arg6[%swap3A_83], %get3A_82 {strides = array<i32>} : memref<128xi32, #tpu.memory_space<vmem>>, vector<16xi32>,
    %get3A_85 = arith.constant 0 : i32
    %get3A_86 = arith.index_cast %get3A_85 : i32 to index
    %get3A_87 = arith.constant 96 : index
    %get3A_88 = tpu.vector_load %arg5[%get3A_86, %get3A_87] {strides = array<i32>} : memref<50x128xi32, #tpu.memory_space<vmem>>, vector<16xi32>,
    %swap3A_89 = arith.constant 96 : index
    %swap3A_90 = tpu.vector_load %arg6[%swap3A_89] {strides = array<i32>} : memref<128xi32, #tpu.memory_space<vmem>>, vector<16xi32>,
    tpu.vector_store %arg6[%swap3A_89], %get3A_88 {strides = array<i32>} : memref<128xi32, #tpu.memory_space<vmem>>, vector<16xi32>,
    %get3A_91 = arith.constant 0 : i32
    %get3A_92 = arith.index_cast %get3A_91 : i32 to index
    %get3A_93 = arith.constant 112 : index
    %get3A_94 = tpu.vector_load %arg5[%get3A_92, %get3A_93] {strides = array<i32>} : memref<50x128xi32, #tpu.memory_space<vmem>>, vector<16xi32>,
    %swap3A_95 = arith.constant 112 : index
    %swap3A_96 = tpu.vector_load %arg6[%swap3A_95] {strides = array<i32>} : memref<128xi32, #tpu.memory_space<vmem>>, vector<16xi32>,
    tpu.vector_store %arg6[%swap3A_95], %get3A_94 {strides = array<i32>} : memref<128xi32, #tpu.memory_space<vmem>>, vector<16xi32>,
    %dma_start3A = arith.constant 0 : i32
    %dma_start3A_97 = arith.constant 0 : i32
    %dma_start3A_98 = tpu.memref_slice %arg3[%dma_start3A, %dma_start3A_97] : memref<1000000x128xf32, #tpu.memory_space<hbm>> -> memref<1000000x128xf32, #tpu.memory_space<hbm>>
    tpu.enqueue_indirect_dma source(%dma_start3A_98 : memref<1000000x128xf32, #tpu.memory_space<hbm>>) target(%arg8 : memref<128x128xf32, #tpu.memory_space<vmem>>) offsets(%arg6 : memref<128xi32, #tpu.memory_space<vmem>>) semaphore(%arg11 : memref<!tpu.dma_semaphore, #tpu.memory_space<semaphore_mem>>)
    %scan3A = arith.constant 0 : i32
    %scan3A_99 = arith.constant 0 : i32
    %scan3A_100 = arith.constant 25 : i32
    %scan3A_101 = arith.addi %scan3A_99, %scan3A_100 : i32
    %scan3A_102 = arith.constant 1 : i32
    scf.for %scan3A_104 = %scan3A_99 to %scan3A_101 step %scan3A_102  : i32 {
      %mul3A_105 = arith.constant 2 : i32
      %mul3A_106 = arith.muli %scan3A_104, %mul3A_105 : i32
      %add3A_107 = arith.constant 1 : i32
      %add3A_108 = arith.addi %mul3A_106, %add3A_107 : i32
      %get3A_109 = arith.index_cast %add3A_108 : i32 to index
      %get3A_110 = arith.constant 0 : index
      %get3A_111 = tpu.vector_load %arg5[%get3A_109, %get3A_110] {strides = array<i32>} : memref<50x128xi32, #tpu.memory_space<vmem>>, vector<16xi32>,
      %swap3A_112 = arith.constant 0 : index
      %swap3A_113 = tpu.vector_load %arg7[%swap3A_112] {strides = array<i32>} : memref<128xi32, #tpu.memory_space<vmem>>, vector<16xi32>,
      tpu.vector_store %arg7[%swap3A_112], %get3A_111 {strides = array<i32>} : memref<128xi32, #tpu.memory_space<vmem>>, vector<16xi32>,
      %get3A_114 = arith.index_cast %add3A_108 : i32 to index
      %get3A_115 = arith.constant 16 : index
      %get3A_116 = tpu.vector_load %arg5[%get3A_114, %get3A_115] {strides = array<i32>} : memref<50x128xi32, #tpu.memory_space<vmem>>, vector<16xi32>,
      %swap3A_117 = arith.constant 16 : index
      %swap3A_118 = tpu.vector_load %arg7[%swap3A_117] {strides = array<i32>} : memref<128xi32, #tpu.memory_space<vmem>>, vector<16xi32>,
      tpu.vector_store %arg7[%swap3A_117], %get3A_116 {strides = array<i32>} : memref<128xi32, #tpu.memory_space<vmem>>, vector<16xi32>,
      %get3A_119 = arith.index_cast %add3A_108 : i32 to index
      %get3A_120 = arith.constant 32 : index
      %get3A_121 = tpu.vector_load %arg5[%get3A_119, %get3A_120] {strides = array<i32>} : memref<50x128xi32, #tpu.memory_space<vmem>>, vector<16xi32>,
      %swap3A_122 = arith.constant 32 : index
      %swap3A_123 = tpu.vector_load %arg7[%swap3A_122] {strides = array<i32>} : memref<128xi32, #tpu.memory_space<vmem>>, vector<16xi32>,
      tpu.vector_store %arg7[%swap3A_122], %get3A_121 {strides = array<i32>} : memref<128xi32, #tpu.memory_space<vmem>>, vector<16xi32>,
      %get3A_124 = arith.index_cast %add3A_108 : i32 to index
      %get3A_125 = arith.constant 48 : index
      %get3A_126 = tpu.vector_load %arg5[%get3A_124, %get3A_125] {strides = array<i32>} : memref<50x128xi32, #tpu.memory_space<vmem>>, vector<16xi32>,
      %swap3A_127 = arith.constant 48 : index
      %swap3A_128 = tpu.vector_load %arg7[%swap3A_127] {strides = array<i32>} : memref<128xi32, #tpu.memory_space<vmem>>, vector<16xi32>,
      tpu.vector_store %arg7[%swap3A_127], %get3A_126 {strides = array<i32>} : memref<128xi32, #tpu.memory_space<vmem>>, vector<16xi32>,
      %get3A_129 = arith.index_cast %add3A_108 : i32 to index
      %get3A_130 = arith.constant 64 : index
      %get3A_131 = tpu.vector_load %arg5[%get3A_129, %get3A_130] {strides = array<i32>} : memref<50x128xi32, #tpu.memory_space<vmem>>, vector<16xi32>,
      %swap3A_132 = arith.constant 64 : index
      %swap3A_133 = tpu.vector_load %arg7[%swap3A_132] {strides = array<i32>} : memref<128xi32, #tpu.memory_space<vmem>>, vector<16xi32>,
      tpu.vector_store %arg7[%swap3A_132], %get3A_131 {strides = array<i32>} : memref<128xi32, #tpu.memory_space<vmem>>, vector<16xi32>,
      %get3A_134 = arith.index_cast %add3A_108 : i32 to index
      %get3A_135 = arith.constant 80 : index
      %get3A_136 = tpu.vector_load %arg5[%get3A_134, %get3A_135] {strides = array<i32>} : memref<50x128xi32, #tpu.memory_space<vmem>>, vector<16xi32>,
      %swap3A_137 = arith.constant 80 : index
      %swap3A_138 = tpu.vector_load %arg7[%swap3A_137] {strides = array<i32>} : memref<128xi32, #tpu.memory_space<vmem>>, vector<16xi32>,
      tpu.vector_store %arg7[%swap3A_137], %get3A_136 {strides = array<i32>} : memref<128xi32, #tpu.memory_space<vmem>>, vector<16xi32>,
      %get3A_139 = arith.index_cast %add3A_108 : i32 to index
      %get3A_140 = arith.constant 96 : index
      %get3A_141 = tpu.vector_load %arg5[%get3A_139, %get3A_140] {strides = array<i32>} : memref<50x128xi32, #tpu.memory_space<vmem>>, vector<16xi32>,
      %swap3A_142 = arith.constant 96 : index
      %swap3A_143 = tpu.vector_load %arg7[%swap3A_142] {strides = array<i32>} : memref<128xi32, #tpu.memory_space<vmem>>, vector<16xi32>,
      tpu.vector_store %arg7[%swap3A_142], %get3A_141 {strides = array<i32>} : memref<128xi32, #tpu.memory_space<vmem>>, vector<16xi32>,
      %get3A_144 = arith.index_cast %add3A_108 : i32 to index
      %get3A_145 = arith.constant 112 : index
      %get3A_146 = tpu.vector_load %arg5[%get3A_144, %get3A_145] {strides = array<i32>} : memref<50x128xi32, #tpu.memory_space<vmem>>, vector<16xi32>,
      %swap3A_147 = arith.constant 112 : index
      %swap3A_148 = tpu.vector_load %arg7[%swap3A_147] {strides = array<i32>} : memref<128xi32, #tpu.memory_space<vmem>>, vector<16xi32>,
      tpu.vector_store %arg7[%swap3A_147], %get3A_146 {strides = array<i32>} : memref<128xi32, #tpu.memory_space<vmem>>, vector<16xi32>,
      %dma_start3A_149 = arith.constant 0 : i32
      %dma_start3A_150 = arith.constant 0 : i32
      %dma_start3A_151 = tpu.memref_slice %arg3[%dma_start3A_149, %dma_start3A_150] : memref<1000000x128xf32, #tpu.memory_space<hbm>> -> memref<1000000x128xf32, #tpu.memory_space<hbm>>
      tpu.enqueue_indirect_dma source(%dma_start3A_151 : memref<1000000x128xf32, #tpu.memory_space<hbm>>) target(%arg9 : memref<128x128xf32, #tpu.memory_space<vmem>>) offsets(%arg7 : memref<128xi32, #tpu.memory_space<vmem>>) semaphore(%arg12 : memref<!tpu.dma_semaphore, #tpu.memory_space<semaphore_mem>>)
      %dma_wait3A = arith.constant 0 : i32
      %dma_wait3A_152 = arith.constant 0 : i32
      %dma_wait3A_153 = tpu.memref_slice %arg3[%dma_wait3A, %dma_wait3A_152] : memref<1000000x128xf32, #tpu.memory_space<hbm>> -> memref<1000000x128xf32, #tpu.memory_space<hbm>>
      tpu.wait_indirect_dma semaphore(%arg11 : memref<!tpu.dma_semaphore, #tpu.memory_space<semaphore_mem>>) src(%dma_wait3A_153 : memref<1000000x128xf32, #tpu.memory_space<hbm>>) dst(%arg8 : memref<128x128xf32, #tpu.memory_space<vmem>>)
      %scan3A_154 = arith.constant 0 : i32
      %scan3A_155 = arith.constant 0 : i32
      %scan3A_156 = arith.constant 128 : i32
      %scan3A_157 = arith.addi %scan3A_155, %scan3A_156 : i32
      %scan3A_158 = arith.constant 2 : i32
      scf.for %scan3A_173 = %scan3A_155 to %scan3A_157 step %scan3A_158  : i32 {
        %broadcast_in_dim3A = arith.constant 0 : i32
        %broadcast_in_dim3A_174 = vector.broadcast %broadcast_in_dim3A : i32 to vector<16xi32>
        %add3A_175 = vector.broadcast %scan3A_173 : i32 to vector<16xi32>
        %add3A_176 = arith.addi %broadcast_in_dim3A_174, %add3A_175 : vector<16xi32>
        %get3A_177 = arith.index_cast %scan3A_173 : i32 to index
        %get3A_178 = arith.constant 0 : index
        %get3A_179 = tpu.vector_load %arg8[%get3A_177, %get3A_178] {strides = array<i32>} : memref<128x128xf32, #tpu.memory_space<vmem>>, vector<16xf32>,
        tpu.vector_store_idx %arg10[%add3A_176, %add3A_8], %get3A_179 : memref<128x128xf32, #tpu.memory_space<vmem>>[vector<16xi32>, vector<16xi32>], vector<16xf32>,
        %get3A_180 = arith.index_cast %scan3A_173 : i32 to index
        %get3A_181 = arith.constant 16 : index
        %get3A_182 = tpu.vector_load %arg8[%get3A_180, %get3A_181] {strides = array<i32>} : memref<128x128xf32, #tpu.memory_space<vmem>>, vector<16xf32>,
        tpu.vector_store_idx %arg10[%add3A_176, %add3A_14], %get3A_182 : memref<128x128xf32, #tpu.memory_space<vmem>>[vector<16xi32>, vector<16xi32>], vector<16xf32>,
        %get3A_183 = arith.index_cast %scan3A_173 : i32 to index
        %get3A_184 = arith.constant 32 : index
        %get3A_185 = tpu.vector_load %arg8[%get3A_183, %get3A_184] {strides = array<i32>} : memref<128x128xf32, #tpu.memory_space<vmem>>, vector<16xf32>,
        tpu.vector_store_idx %arg10[%add3A_176, %add3A_20], %get3A_185 : memref<128x128xf32, #tpu.memory_space<vmem>>[vector<16xi32>, vector<16xi32>], vector<16xf32>,
        %get3A_186 = arith.index_cast %scan3A_173 : i32 to index
        %get3A_187 = arith.constant 48 : index
        %get3A_188 = tpu.vector_load %arg8[%get3A_186, %get3A_187] {strides = array<i32>} : memref<128x128xf32, #tpu.memory_space<vmem>>, vector<16xf32>,
        tpu.vector_store_idx %arg10[%add3A_176, %add3A_26], %get3A_188 : memref<128x128xf32, #tpu.memory_space<vmem>>[vector<16xi32>, vector<16xi32>], vector<16xf32>,
        %get3A_189 = arith.index_cast %scan3A_173 : i32 to index
        %get3A_190 = arith.constant 64 : index
        %get3A_191 = tpu.vector_load %arg8[%get3A_189, %get3A_190] {strides = array<i32>} : memref<128x128xf32, #tpu.memory_space<vmem>>, vector<16xf32>,
        tpu.vector_store_idx %arg10[%add3A_176, %add3A_32], %get3A_191 : memref<128x128xf32, #tpu.memory_space<vmem>>[vector<16xi32>, vector<16xi32>], vector<16xf32>,
        %get3A_192 = arith.index_cast %scan3A_173 : i32 to index
        %get3A_193 = arith.constant 80 : index
        %get3A_194 = tpu.vector_load %arg8[%get3A_192, %get3A_193] {strides = array<i32>} : memref<128x128xf32, #tpu.memory_space<vmem>>, vector<16xf32>,
        tpu.vector_store_idx %arg10[%add3A_176, %add3A_38], %get3A_194 : memref<128x128xf32, #tpu.memory_space<vmem>>[vector<16xi32>, vector<16xi32>], vector<16xf32>,
        %get3A_195 = arith.index_cast %scan3A_173 : i32 to index
        %get3A_196 = arith.constant 96 : index
        %get3A_197 = tpu.vector_load %arg8[%get3A_195, %get3A_196] {strides = array<i32>} : memref<128x128xf32, #tpu.memory_space<vmem>>, vector<16xf32>,
        tpu.vector_store_idx %arg10[%add3A_176, %add3A_44], %get3A_197 : memref<128x128xf32, #tpu.memory_space<vmem>>[vector<16xi32>, vector<16xi32>], vector<16xf32>,
        %get3A_198 = arith.index_cast %scan3A_173 : i32 to index
        %get3A_199 = arith.constant 112 : index
        %get3A_200 = tpu.vector_load %arg8[%get3A_198, %get3A_199] {strides = array<i32>} : memref<128x128xf32, #tpu.memory_space<vmem>>, vector<16xf32>,
        tpu.vector_store_idx %arg10[%add3A_176, %add3A_50], %get3A_200 : memref<128x128xf32, #tpu.memory_space<vmem>>[vector<16xi32>, vector<16xi32>], vector<16xf32>,
        %scan3A_201 = arith.constant 1 : i32
        %scan3A_202 = arith.addi %scan3A_173, %scan3A_201 : i32
        %broadcast_in_dim3A_203 = arith.constant 0 : i32
        %broadcast_in_dim3A_204 = vector.broadcast %broadcast_in_dim3A_203 : i32 to vector<16xi32>
        %add3A_205 = vector.broadcast %scan3A_202 : i32 to vector<16xi32>
        %add3A_206 = arith.addi %broadcast_in_dim3A_204, %add3A_205 : vector<16xi32>
        %get3A_207 = arith.index_cast %scan3A_202 : i32 to index
        %get3A_208 = arith.constant 0 : index
        %get3A_209 = tpu.vector_load %arg8[%get3A_207, %get3A_208] {strides = array<i32>} : memref<128x128xf32, #tpu.memory_space<vmem>>, vector<16xf32>,
        tpu.vector_store_idx %arg10[%add3A_206, %add3A_8], %get3A_209 : memref<128x128xf32, #tpu.memory_space<vmem>>[vector<16xi32>, vector<16xi32>], vector<16xf32>,
        %get3A_210 = arith.index_cast %scan3A_202 : i32 to index
        %get3A_211 = arith.constant 16 : index
        %get3A_212 = tpu.vector_load %arg8[%get3A_210, %get3A_211] {strides = array<i32>} : memref<128x128xf32, #tpu.memory_space<vmem>>, vector<16xf32>,
        tpu.vector_store_idx %arg10[%add3A_206, %add3A_14], %get3A_212 : memref<128x128xf32, #tpu.memory_space<vmem>>[vector<16xi32>, vector<16xi32>], vector<16xf32>,
        %get3A_213 = arith.index_cast %scan3A_202 : i32 to index
        %get3A_214 = arith.constant 32 : index
        %get3A_215 = tpu.vector_load %arg8[%get3A_213, %get3A_214] {strides = array<i32>} : memref<128x128xf32, #tpu.memory_space<vmem>>, vector<16xf32>,
        tpu.vector_store_idx %arg10[%add3A_206, %add3A_20], %get3A_215 : memref<128x128xf32, #tpu.memory_space<vmem>>[vector<16xi32>, vector<16xi32>], vector<16xf32>,
        %get3A_216 = arith.index_cast %scan3A_202 : i32 to index
        %get3A_217 = arith.constant 48 : index
        %get3A_218 = tpu.vector_load %arg8[%get3A_216, %get3A_217] {strides = array<i32>} : memref<128x128xf32, #tpu.memory_space<vmem>>, vector<16xf32>,
        tpu.vector_store_idx %arg10[%add3A_206, %add3A_26], %get3A_218 : memref<128x128xf32, #tpu.memory_space<vmem>>[vector<16xi32>, vector<16xi32>], vector<16xf32>,
        %get3A_219 = arith.index_cast %scan3A_202 : i32 to index
        %get3A_220 = arith.constant 64 : index
        %get3A_221 = tpu.vector_load %arg8[%get3A_219, %get3A_220] {strides = array<i32>} : memref<128x128xf32, #tpu.memory_space<vmem>>, vector<16xf32>,
        tpu.vector_store_idx %arg10[%add3A_206, %add3A_32], %get3A_221 : memref<128x128xf32, #tpu.memory_space<vmem>>[vector<16xi32>, vector<16xi32>], vector<16xf32>,
        %get3A_222 = arith.index_cast %scan3A_202 : i32 to index
        %get3A_223 = arith.constant 80 : index
        %get3A_224 = tpu.vector_load %arg8[%get3A_222, %get3A_223] {strides = array<i32>} : memref<128x128xf32, #tpu.memory_space<vmem>>, vector<16xf32>,
        tpu.vector_store_idx %arg10[%add3A_206, %add3A_38], %get3A_224 : memref<128x128xf32, #tpu.memory_space<vmem>>[vector<16xi32>, vector<16xi32>], vector<16xf32>,
        %get3A_225 = arith.index_cast %scan3A_202 : i32 to index
        %get3A_226 = arith.constant 96 : index
        %get3A_227 = tpu.vector_load %arg8[%get3A_225, %get3A_226] {strides = array<i32>} : memref<128x128xf32, #tpu.memory_space<vmem>>, vector<16xf32>,
        tpu.vector_store_idx %arg10[%add3A_206, %add3A_44], %get3A_227 : memref<128x128xf32, #tpu.memory_space<vmem>>[vector<16xi32>, vector<16xi32>], vector<16xf32>,
        %get3A_228 = arith.index_cast %scan3A_202 : i32 to index
        %get3A_229 = arith.constant 112 : index
        %get3A_230 = tpu.vector_load %arg8[%get3A_228, %get3A_229] {strides = array<i32>} : memref<128x128xf32, #tpu.memory_space<vmem>>, vector<16xf32>,
        tpu.vector_store_idx %arg10[%add3A_206, %add3A_50], %get3A_230 : memref<128x128xf32, #tpu.memory_space<vmem>>[vector<16xi32>, vector<16xi32>], vector<16xf32>,
      }
      %scan3A_159 = arith.constant 128 : i32
      "tpu.region"() ({
        %run_scoped3A = tpu.sem_alloc : memref<!tpu.dma_semaphore, #tpu.memory_space<semaphore_mem>>
        %dma_start3A_173 = arith.constant 0 : i32
        %dma_start3A_174 = tpu.memref_slice %arg4[%mul3A_106, %mul3A_2, %dma_start3A_173] : memref<50x4096x128xf32, #tpu.memory_space<hbm>> -> memref<1x128x128xf32, #tpu.memory_space<hbm>>
        %dma_start3A_175 = tpu.memref_squeeze %dma_start3A_174 : memref<1x128x128xf32, #tpu.memory_space<hbm>> -> memref<128x128xf32, #tpu.memory_space<hbm>>
        %dma_start3A_176 = arith.constant 0 : i32
        %dma_start3A_177 = tpu.memref_slice %arg4[%mul3A_106, %mul3A_2, %dma_start3A_176] : memref<50x4096x128xf32, #tpu.memory_space<hbm>> -> memref<1x128x128xf32, #tpu.memory_space<hbm>>
        %dma_start3A_178 = tpu.memref_squeeze %dma_start3A_177 : memref<1x128x128xf32, #tpu.memory_space<hbm>> -> memref<128x128xf32, #tpu.memory_space<hbm>>
        tpu.enqueue_dma source(%arg10 : memref<128x128xf32, #tpu.memory_space<vmem>>) target(%dma_start3A_178 : memref<128x128xf32, #tpu.memory_space<hbm>>) target_semaphore(%run_scoped3A : memref<!tpu.dma_semaphore, #tpu.memory_space<semaphore_mem>>)
        %dma_wait3A_179 = arith.constant 0 : i32
        %dma_wait3A_180 = tpu.memref_slice %arg4[%mul3A_106, %mul3A_2, %dma_wait3A_179] : memref<50x4096x128xf32, #tpu.memory_space<hbm>> -> memref<1x128x128xf32, #tpu.memory_space<hbm>>
        %dma_wait3A_181 = tpu.memref_squeeze %dma_wait3A_180 : memref<1x128x128xf32, #tpu.memory_space<hbm>> -> memref<128x128xf32, #tpu.memory_space<hbm>>
        %dma_wait3A_182 = arith.constant 0 : i32
        %dma_wait3A_183 = tpu.memref_slice %arg4[%mul3A_106, %mul3A_2, %dma_wait3A_182] : memref<50x4096x128xf32, #tpu.memory_space<hbm>> -> memref<1x128x128xf32, #tpu.memory_space<hbm>>
        %dma_wait3A_184 = tpu.memref_squeeze %dma_wait3A_183 : memref<1x128x128xf32, #tpu.memory_space<hbm>> -> memref<128x128xf32, #tpu.memory_space<hbm>>
        tpu.wait_dma2 semaphore(%run_scoped3A : memref<!tpu.dma_semaphore, #tpu.memory_space<semaphore_mem>>) src(%arg10 : memref<128x128xf32, #tpu.memory_space<vmem>>) dst(%dma_wait3A_184 : memref<128x128xf32, #tpu.memory_space<hbm>>)
        tpu.yield
      }) : () -> ()
      %lt3A = arith.constant 24 : i32
      %lt3A_160 = arith.cmpi slt, %scan3A_104, %lt3A : i32
      %convert_element_type3A = arith.extui %lt3A_160 : i1 to i32
      %cond3A = arith.constant 0 : i32
      %cond3A_161 = arith.cmpi ne, %convert_element_type3A, %cond3A : i32
      scf.if %cond3A_161 {
        %add3A_173 = arith.constant 2 : i32
        %add3A_174 = arith.addi %mul3A_106, %add3A_173 : i32
        %get3A_175 = arith.index_cast %add3A_174 : i32 to index
        %get3A_176 = arith.constant 0 : index
        %get3A_177 = tpu.vector_load %arg5[%get3A_175, %get3A_176] {strides = array<i32>} : memref<50x128xi32, #tpu.memory_space<vmem>>, vector<16xi32>,
        %swap3A_178 = arith.constant 0 : index
        %swap3A_179 = tpu.vector_load %arg6[%swap3A_178] {strides = array<i32>} : memref<128xi32, #tpu.memory_space<vmem>>, vector<16xi32>,
        tpu.vector_store %arg6[%swap3A_178], %get3A_177 {strides = array<i32>} : memref<128xi32, #tpu.memory_space<vmem>>, vector<16xi32>,
        %get3A_180 = arith.index_cast %add3A_174 : i32 to index
        %get3A_181 = arith.constant 16 : index
        %get3A_182 = tpu.vector_load %arg5[%get3A_180, %get3A_181] {strides = array<i32>} : memref<50x128xi32, #tpu.memory_space<vmem>>, vector<16xi32>,
        %swap3A_183 = arith.constant 16 : index
        %swap3A_184 = tpu.vector_load %arg6[%swap3A_183] {strides = array<i32>} : memref<128xi32, #tpu.memory_space<vmem>>, vector<16xi32>,
        tpu.vector_store %arg6[%swap3A_183], %get3A_182 {strides = array<i32>} : memref<128xi32, #tpu.memory_space<vmem>>, vector<16xi32>,
        %get3A_185 = arith.index_cast %add3A_174 : i32 to index
        %get3A_186 = arith.constant 32 : index
        %get3A_187 = tpu.vector_load %arg5[%get3A_185, %get3A_186] {strides = array<i32>} : memref<50x128xi32, #tpu.memory_space<vmem>>, vector<16xi32>,
        %swap3A_188 = arith.constant 32 : index
        %swap3A_189 = tpu.vector_load %arg6[%swap3A_188] {strides = array<i32>} : memref<128xi32, #tpu.memory_space<vmem>>, vector<16xi32>,
        tpu.vector_store %arg6[%swap3A_188], %get3A_187 {strides = array<i32>} : memref<128xi32, #tpu.memory_space<vmem>>, vector<16xi32>,
        %get3A_190 = arith.index_cast %add3A_174 : i32 to index
        %get3A_191 = arith.constant 48 : index
        %get3A_192 = tpu.vector_load %arg5[%get3A_190, %get3A_191] {strides = array<i32>} : memref<50x128xi32, #tpu.memory_space<vmem>>, vector<16xi32>,
        %swap3A_193 = arith.constant 48 : index
        %swap3A_194 = tpu.vector_load %arg6[%swap3A_193] {strides = array<i32>} : memref<128xi32, #tpu.memory_space<vmem>>, vector<16xi32>,
        tpu.vector_store %arg6[%swap3A_193], %get3A_192 {strides = array<i32>} : memref<128xi32, #tpu.memory_space<vmem>>, vector<16xi32>,
        %get3A_195 = arith.index_cast %add3A_174 : i32 to index
        %get3A_196 = arith.constant 64 : index
        %get3A_197 = tpu.vector_load %arg5[%get3A_195, %get3A_196] {strides = array<i32>} : memref<50x128xi32, #tpu.memory_space<vmem>>, vector<16xi32>,
        %swap3A_198 = arith.constant 64 : index
        %swap3A_199 = tpu.vector_load %arg6[%swap3A_198] {strides = array<i32>} : memref<128xi32, #tpu.memory_space<vmem>>, vector<16xi32>,
        tpu.vector_store %arg6[%swap3A_198], %get3A_197 {strides = array<i32>} : memref<128xi32, #tpu.memory_space<vmem>>, vector<16xi32>,
        %get3A_200 = arith.index_cast %add3A_174 : i32 to index
        %get3A_201 = arith.constant 80 : index
        %get3A_202 = tpu.vector_load %arg5[%get3A_200, %get3A_201] {strides = array<i32>} : memref<50x128xi32, #tpu.memory_space<vmem>>, vector<16xi32>,
        %swap3A_203 = arith.constant 80 : index
        %swap3A_204 = tpu.vector_load %arg6[%swap3A_203] {strides = array<i32>} : memref<128xi32, #tpu.memory_space<vmem>>, vector<16xi32>,
        tpu.vector_store %arg6[%swap3A_203], %get3A_202 {strides = array<i32>} : memref<128xi32, #tpu.memory_space<vmem>>, vector<16xi32>,
        %get3A_205 = arith.index_cast %add3A_174 : i32 to index
        %get3A_206 = arith.constant 96 : index
        %get3A_207 = tpu.vector_load %arg5[%get3A_205, %get3A_206] {strides = array<i32>} : memref<50x128xi32, #tpu.memory_space<vmem>>, vector<16xi32>,
        %swap3A_208 = arith.constant 96 : index
        %swap3A_209 = tpu.vector_load %arg6[%swap3A_208] {strides = array<i32>} : memref<128xi32, #tpu.memory_space<vmem>>, vector<16xi32>,
        tpu.vector_store %arg6[%swap3A_208], %get3A_207 {strides = array<i32>} : memref<128xi32, #tpu.memory_space<vmem>>, vector<16xi32>,
        %get3A_210 = arith.index_cast %add3A_174 : i32 to index
        %get3A_211 = arith.constant 112 : index
        %get3A_212 = tpu.vector_load %arg5[%get3A_210, %get3A_211] {strides = array<i32>} : memref<50x128xi32, #tpu.memory_space<vmem>>, vector<16xi32>,
        %swap3A_213 = arith.constant 112 : index
        %swap3A_214 = tpu.vector_load %arg6[%swap3A_213] {strides = array<i32>} : memref<128xi32, #tpu.memory_space<vmem>>, vector<16xi32>,
        tpu.vector_store %arg6[%swap3A_213], %get3A_212 {strides = array<i32>} : memref<128xi32, #tpu.memory_space<vmem>>, vector<16xi32>,
        %dma_start3A_215 = arith.constant 0 : i32
        %dma_start3A_216 = arith.constant 0 : i32
        %dma_start3A_217 = tpu.memref_slice %arg3[%dma_start3A_215, %dma_start3A_216] : memref<1000000x128xf32, #tpu.memory_space<hbm>> -> memref<1000000x128xf32, #tpu.memory_space<hbm>>
        tpu.enqueue_indirect_dma source(%dma_start3A_217 : memref<1000000x128xf32, #tpu.memory_space<hbm>>) target(%arg8 : memref<128x128xf32, #tpu.memory_space<vmem>>) offsets(%arg6 : memref<128xi32, #tpu.memory_space<vmem>>) semaphore(%arg11 : memref<!tpu.dma_semaphore, #tpu.memory_space<semaphore_mem>>)
      } else {
      }
      %add3A_162 = arith.constant 1 : i32
      %add3A_163 = arith.addi %mul3A_106, %add3A_162 : i32
      %dma_wait3A_164 = arith.constant 0 : i32
      %dma_wait3A_165 = arith.constant 0 : i32
      %dma_wait3A_166 = tpu.memref_slice %arg3[%dma_wait3A_164, %dma_wait3A_165] : memref<1000000x128xf32, #tpu.memory_space<hbm>> -> memref<1000000x128xf32, #tpu.memory_space<hbm>>
      tpu.wait_indirect_dma semaphore(%arg12 : memref<!tpu.dma_semaphore, #tpu.memory_space<semaphore_mem>>) src(%dma_wait3A_166 : memref<1000000x128xf32, #tpu.memory_space<hbm>>) dst(%arg9 : memref<128x128xf32, #tpu.memory_space<vmem>>)
      %scan3A_167 = arith.constant 0 : i32
      %scan3A_168 = arith.constant 0 : i32
      %scan3A_169 = arith.constant 128 : i32
      %scan3A_170 = arith.addi %scan3A_168, %scan3A_169 : i32
      %scan3A_171 = arith.constant 2 : i32
      scf.for %scan3A_173 = %scan3A_168 to %scan3A_170 step %scan3A_171  : i32 {
        %broadcast_in_dim3A = arith.constant 0 : i32
        %broadcast_in_dim3A_174 = vector.broadcast %broadcast_in_dim3A : i32 to vector<16xi32>
        %add3A_175 = vector.broadcast %scan3A_173 : i32 to vector<16xi32>
        %add3A_176 = arith.addi %broadcast_in_dim3A_174, %add3A_175 : vector<16xi32>
        %get3A_177 = arith.index_cast %scan3A_173 : i32 to index
        %get3A_178 = arith.constant 0 : index
        %get3A_179 = tpu.vector_load %arg9[%get3A_177, %get3A_178] {strides = array<i32>} : memref<128x128xf32, #tpu.memory_space<vmem>>, vector<16xf32>,
        tpu.vector_store_idx %arg10[%add3A_176, %add3A_8], %get3A_179 : memref<128x128xf32, #tpu.memory_space<vmem>>[vector<16xi32>, vector<16xi32>], vector<16xf32>,
        %get3A_180 = arith.index_cast %scan3A_173 : i32 to index
        %get3A_181 = arith.constant 16 : index
        %get3A_182 = tpu.vector_load %arg9[%get3A_180, %get3A_181] {strides = array<i32>} : memref<128x128xf32, #tpu.memory_space<vmem>>, vector<16xf32>,
        tpu.vector_store_idx %arg10[%add3A_176, %add3A_14], %get3A_182 : memref<128x128xf32, #tpu.memory_space<vmem>>[vector<16xi32>, vector<16xi32>], vector<16xf32>,
        %get3A_183 = arith.index_cast %scan3A_173 : i32 to index
        %get3A_184 = arith.constant 32 : index
        %get3A_185 = tpu.vector_load %arg9[%get3A_183, %get3A_184] {strides = array<i32>} : memref<128x128xf32, #tpu.memory_space<vmem>>, vector<16xf32>,
        tpu.vector_store_idx %arg10[%add3A_176, %add3A_20], %get3A_185 : memref<128x128xf32, #tpu.memory_space<vmem>>[vector<16xi32>, vector<16xi32>], vector<16xf32>,
        %get3A_186 = arith.index_cast %scan3A_173 : i32 to index
        %get3A_187 = arith.constant 48 : index
        %get3A_188 = tpu.vector_load %arg9[%get3A_186, %get3A_187] {strides = array<i32>} : memref<128x128xf32, #tpu.memory_space<vmem>>, vector<16xf32>,
        tpu.vector_store_idx %arg10[%add3A_176, %add3A_26], %get3A_188 : memref<128x128xf32, #tpu.memory_space<vmem>>[vector<16xi32>, vector<16xi32>], vector<16xf32>,
        %get3A_189 = arith.index_cast %scan3A_173 : i32 to index
        %get3A_190 = arith.constant 64 : index
        %get3A_191 = tpu.vector_load %arg9[%get3A_189, %get3A_190] {strides = array<i32>} : memref<128x128xf32, #tpu.memory_space<vmem>>, vector<16xf32>,
        tpu.vector_store_idx %arg10[%add3A_176, %add3A_32], %get3A_191 : memref<128x128xf32, #tpu.memory_space<vmem>>[vector<16xi32>, vector<16xi32>], vector<16xf32>,
        %get3A_192 = arith.index_cast %scan3A_173 : i32 to index
        %get3A_193 = arith.constant 80 : index
        %get3A_194 = tpu.vector_load %arg9[%get3A_192, %get3A_193] {strides = array<i32>} : memref<128x128xf32, #tpu.memory_space<vmem>>, vector<16xf32>,
        tpu.vector_store_idx %arg10[%add3A_176, %add3A_38], %get3A_194 : memref<128x128xf32, #tpu.memory_space<vmem>>[vector<16xi32>, vector<16xi32>], vector<16xf32>,
        %get3A_195 = arith.index_cast %scan3A_173 : i32 to index
        %get3A_196 = arith.constant 96 : index
        %get3A_197 = tpu.vector_load %arg9[%get3A_195, %get3A_196] {strides = array<i32>} : memref<128x128xf32, #tpu.memory_space<vmem>>, vector<16xf32>,
        tpu.vector_store_idx %arg10[%add3A_176, %add3A_44], %get3A_197 : memref<128x128xf32, #tpu.memory_space<vmem>>[vector<16xi32>, vector<16xi32>], vector<16xf32>,
        %get3A_198 = arith.index_cast %scan3A_173 : i32 to index
        %get3A_199 = arith.constant 112 : index
        %get3A_200 = tpu.vector_load %arg9[%get3A_198, %get3A_199] {strides = array<i32>} : memref<128x128xf32, #tpu.memory_space<vmem>>, vector<16xf32>,
        tpu.vector_store_idx %arg10[%add3A_176, %add3A_50], %get3A_200 : memref<128x128xf32, #tpu.memory_space<vmem>>[vector<16xi32>, vector<16xi32>], vector<16xf32>,
        %scan3A_201 = arith.constant 1 : i32
        %scan3A_202 = arith.addi %scan3A_173, %scan3A_201 : i32
        %broadcast_in_dim3A_203 = arith.constant 0 : i32
        %broadcast_in_dim3A_204 = vector.broadcast %broadcast_in_dim3A_203 : i32 to vector<16xi32>
        %add3A_205 = vector.broadcast %scan3A_202 : i32 to vector<16xi32>
        %add3A_206 = arith.addi %broadcast_in_dim3A_204, %add3A_205 : vector<16xi32>
        %get3A_207 = arith.index_cast %scan3A_202 : i32 to index
        %get3A_208 = arith.constant 0 : index
        %get3A_209 = tpu.vector_load %arg9[%get3A_207, %get3A_208] {strides = array<i32>} : memref<128x128xf32, #tpu.memory_space<vmem>>, vector<16xf32>,
        tpu.vector_store_idx %arg10[%add3A_206, %add3A_8], %get3A_209 : memref<128x128xf32, #tpu.memory_space<vmem>>[vector<16xi32>, vector<16xi32>], vector<16xf32>,
        %get3A_210 = arith.index_cast %scan3A_202 : i32 to index
        %get3A_211 = arith.constant 16 : index
        %get3A_212 = tpu.vector_load %arg9[%get3A_210, %get3A_211] {strides = array<i32>} : memref<128x128xf32, #tpu.memory_space<vmem>>, vector<16xf32>,
        tpu.vector_store_idx %arg10[%add3A_206, %add3A_14], %get3A_212 : memref<128x128xf32, #tpu.memory_space<vmem>>[vector<16xi32>, vector<16xi32>], vector<16xf32>,
        %get3A_213 = arith.index_cast %scan3A_202 : i32 to index
        %get3A_214 = arith.constant 32 : index
        %get3A_215 = tpu.vector_load %arg9[%get3A_213, %get3A_214] {strides = array<i32>} : memref<128x128xf32, #tpu.memory_space<vmem>>, vector<16xf32>,
        tpu.vector_store_idx %arg10[%add3A_206, %add3A_20], %get3A_215 : memref<128x128xf32, #tpu.memory_space<vmem>>[vector<16xi32>, vector<16xi32>], vector<16xf32>,
        %get3A_216 = arith.index_cast %scan3A_202 : i32 to index
        %get3A_217 = arith.constant 48 : index
        %get3A_218 = tpu.vector_load %arg9[%get3A_216, %get3A_217] {strides = array<i32>} : memref<128x128xf32, #tpu.memory_space<vmem>>, vector<16xf32>,
        tpu.vector_store_idx %arg10[%add3A_206, %add3A_26], %get3A_218 : memref<128x128xf32, #tpu.memory_space<vmem>>[vector<16xi32>, vector<16xi32>], vector<16xf32>,
        %get3A_219 = arith.index_cast %scan3A_202 : i32 to index
        %get3A_220 = arith.constant 64 : index
        %get3A_221 = tpu.vector_load %arg9[%get3A_219, %get3A_220] {strides = array<i32>} : memref<128x128xf32, #tpu.memory_space<vmem>>, vector<16xf32>,
        tpu.vector_store_idx %arg10[%add3A_206, %add3A_32], %get3A_221 : memref<128x128xf32, #tpu.memory_space<vmem>>[vector<16xi32>, vector<16xi32>], vector<16xf32>,
        %get3A_222 = arith.index_cast %scan3A_202 : i32 to index
        %get3A_223 = arith.constant 80 : index
        %get3A_224 = tpu.vector_load %arg9[%get3A_222, %get3A_223] {strides = array<i32>} : memref<128x128xf32, #tpu.memory_space<vmem>>, vector<16xf32>,
        tpu.vector_store_idx %arg10[%add3A_206, %add3A_38], %get3A_224 : memref<128x128xf32, #tpu.memory_space<vmem>>[vector<16xi32>, vector<16xi32>], vector<16xf32>,
        %get3A_225 = arith.index_cast %scan3A_202 : i32 to index
        %get3A_226 = arith.constant 96 : index
        %get3A_227 = tpu.vector_load %arg9[%get3A_225, %get3A_226] {strides = array<i32>} : memref<128x128xf32, #tpu.memory_space<vmem>>, vector<16xf32>,
        tpu.vector_store_idx %arg10[%add3A_206, %add3A_44], %get3A_227 : memref<128x128xf32, #tpu.memory_space<vmem>>[vector<16xi32>, vector<16xi32>], vector<16xf32>,
        %get3A_228 = arith.index_cast %scan3A_202 : i32 to index
        %get3A_229 = arith.constant 112 : index
        %get3A_230 = tpu.vector_load %arg9[%get3A_228, %get3A_229] {strides = array<i32>} : memref<128x128xf32, #tpu.memory_space<vmem>>, vector<16xf32>,
        tpu.vector_store_idx %arg10[%add3A_206, %add3A_50], %get3A_230 : memref<128x128xf32, #tpu.memory_space<vmem>>[vector<16xi32>, vector<16xi32>], vector<16xf32>,
      }
      %scan3A_172 = arith.constant 128 : i32
      "tpu.region"() ({
        %run_scoped3A = tpu.sem_alloc : memref<!tpu.dma_semaphore, #tpu.memory_space<semaphore_mem>>
        %dma_start3A_173 = arith.constant 0 : i32
        %dma_start3A_174 = tpu.memref_slice %arg4[%add3A_163, %mul3A_2, %dma_start3A_173] : memref<50x4096x128xf32, #tpu.memory_space<hbm>> -> memref<1x128x128xf32, #tpu.memory_space<hbm>>
        %dma_start3A_175 = tpu.memref_squeeze %dma_start3A_174 : memref<1x128x128xf32, #tpu.memory_space<hbm>> -> memref<128x128xf32, #tpu.memory_space<hbm>>
        %dma_start3A_176 = arith.constant 0 : i32
        %dma_start3A_177 = tpu.memref_slice %arg4[%add3A_163, %mul3A_2, %dma_start3A_176] : memref<50x4096x128xf32, #tpu.memory_space<hbm>> -> memref<1x128x128xf32, #tpu.memory_space<hbm>>
        %dma_start3A_178 = tpu.memref_squeeze %dma_start3A_177 : memref<1x128x128xf32, #tpu.memory_space<hbm>> -> memref<128x128xf32, #tpu.memory_space<hbm>>
        tpu.enqueue_dma source(%arg10 : memref<128x128xf32, #tpu.memory_space<vmem>>) target(%dma_start3A_178 : memref<128x128xf32, #tpu.memory_space<hbm>>) target_semaphore(%run_scoped3A : memref<!tpu.dma_semaphore, #tpu.memory_space<semaphore_mem>>)
        %dma_wait3A_179 = arith.constant 0 : i32
        %dma_wait3A_180 = tpu.memref_slice %arg4[%add3A_163, %mul3A_2, %dma_wait3A_179] : memref<50x4096x128xf32, #tpu.memory_space<hbm>> -> memref<1x128x128xf32, #tpu.memory_space<hbm>>
        %dma_wait3A_181 = tpu.memref_squeeze %dma_wait3A_180 : memref<1x128x128xf32, #tpu.memory_space<hbm>> -> memref<128x128xf32, #tpu.memory_space<hbm>>
        %dma_wait3A_182 = arith.constant 0 : i32
        %dma_wait3A_183 = tpu.memref_slice %arg4[%add3A_163, %mul3A_2, %dma_wait3A_182] : memref<50x4096x128xf32, #tpu.memory_space<hbm>> -> memref<1x128x128xf32, #tpu.memory_space<hbm>>
        %dma_wait3A_184 = tpu.memref_squeeze %dma_wait3A_183 : memref<1x128x128xf32, #tpu.memory_space<hbm>> -> memref<128x128xf32, #tpu.memory_space<hbm>>
        tpu.wait_dma2 semaphore(%run_scoped3A : memref<!tpu.dma_semaphore, #tpu.memory_space<semaphore_mem>>) src(%arg10 : memref<128x128xf32, #tpu.memory_space<vmem>>) dst(%dma_wait3A_184 : memref<128x128xf32, #tpu.memory_space<hbm>>)
        tpu.yield
      }) : () -> ()
    }
    %scan3A_103 = arith.constant 25 : i32
    return
  }
}

module attributes {stable_mosaic.version = 14 : i64} {
  func.func @body(%arg0: i32, %arg1: memref<32x8192xf32, #tpu.memory_space<vmem>>, %arg2: memref<32x8192xf32, #tpu.memory_space<vmem>>, %arg3: memref<32x8192xf32, #tpu.memory_space<vmem>>, %arg4: memref<32x8192xf32, #tpu.memory_space<vmem>>, %arg5: memref<8192x128xf32, #tpu.memory_space<vmem>>) attributes {dimension_semantics = [#tpu.dimension_semantics<arbitrary>], iteration_bounds = array<i64: 123>, scalar_prefetch = 0 : i64, scratch_operands = 0 : i64, tpu.core_type = #tpu.core_type<tc>, window_params = [{transform_indices = @transform_0, window_bounds = array<i64: 32, 8192>}, {transform_indices = @transform_1, window_bounds = array<i64: 32, 8192>}, {transform_indices = @transform_2, window_bounds = array<i64: 32, 8192>}, {transform_indices = @transform_3, window_bounds = array<i64: 32, 8192>}, {transform_indices = @transform_4, window_bounds = array<i64: 8192, 128>}]} {
    %iota3A = tpu.iota {dimensions = array<i32: 0>} : vector<128x128xi32>
    %iota3A_0 = tpu.iota {dimensions = array<i32: 1>} : vector<128x128xi32>
    %eq3A = arith.cmpi eq, %iota3A, %iota3A_0 : vector<128x128xi32>
    %jit3A = arith.constant 1.000000e+00 : f32
    %jit3A_1 = arith.constant 0.000000e+00 : f32
    %broadcast_in_dim3A = vector.broadcast %jit3A : f32 to vector<128x128xf32>
    %broadcast_in_dim3A_2 = vector.broadcast %jit3A_1 : f32 to vector<128x128xf32>
    %select_n3A = arith.select %eq3A, %broadcast_in_dim3A, %broadcast_in_dim3A_2 : vector<128x128xi1>, vector<128x128xf32>
    %get3A = arith.constant 0 : index
    %get3A_3 = arith.constant 0 : index
    %get3A_4 = vector.load %arg1[%get3A, %get3A_3] : memref<32x8192xf32, #tpu.memory_space<vmem>>, vector<32x8192xf32>
    %slice3A = vector.extract_strided_slice %get3A_4 {offsets = [0, 0], sizes = [32, 128], strides = [1, 1]} : vector<32x8192xf32> to vector<32x128xf32>
    %dot_general3A = arith.constant dense<0.000000e+00> : vector<128x32xf32>
    %dot_general3A_5 = tpu.matmul %select_n3A, %slice3A, %dot_general3A {dimension_numbers = #tpu.dot_dimension_numbers<[1], [1], [0], [0], [0, 0, 1, 0], [], []>, transpose_lhs_hint = false} : vector<128x128xf32>, vector<32x128xf32>, vector<128x32xf32> -> vector<128x32xf32>
    %swap3A = arith.constant 0 : index
    %swap3A_6 = arith.constant 0 : index
    %swap3A_7 = vector.load %arg5[%swap3A, %swap3A_6] : memref<8192x128xf32, #tpu.memory_space<vmem>>, vector<128x32xf32>
    tpu.vector_store %arg5[%swap3A, %swap3A_6], %dot_general3A_5 {strides = array<i32>} : memref<8192x128xf32, #tpu.memory_space<vmem>>, vector<128x32xf32>,
    %slice3A_8 = vector.extract_strided_slice %get3A_4 {offsets = [0, 128], sizes = [32, 128], strides = [1, 1]} : vector<32x8192xf32> to vector<32x128xf32>
    %dot_general3A_9 = arith.constant dense<0.000000e+00> : vector<128x32xf32>
    %dot_general3A_10 = tpu.matmul %select_n3A, %slice3A_8, %dot_general3A_9 {dimension_numbers = #tpu.dot_dimension_numbers<[1], [1], [0], [0], [0, 0, 1, 0], [], []>, transpose_lhs_hint = false} : vector<128x128xf32>, vector<32x128xf32>, vector<128x32xf32> -> vector<128x32xf32>
    %swap3A_11 = arith.constant 128 : index
    %swap3A_12 = arith.constant 0 : index
    %swap3A_13 = vector.load %arg5[%swap3A_11, %swap3A_12] : memref<8192x128xf32, #tpu.memory_space<vmem>>, vector<128x32xf32>
    tpu.vector_store %arg5[%swap3A_11, %swap3A_12], %dot_general3A_10 {strides = array<i32>} : memref<8192x128xf32, #tpu.memory_space<vmem>>, vector<128x32xf32>,
    %slice3A_14 = vector.extract_strided_slice %get3A_4 {offsets = [0, 256], sizes = [32, 128], strides = [1, 1]} : vector<32x8192xf32> to vector<32x128xf32>
    %dot_general3A_15 = arith.constant dense<0.000000e+00> : vector<128x32xf32>
    %dot_general3A_16 = tpu.matmul %select_n3A, %slice3A_14, %dot_general3A_15 {dimension_numbers = #tpu.dot_dimension_numbers<[1], [1], [0], [0], [0, 0, 1, 0], [], []>, transpose_lhs_hint = false} : vector<128x128xf32>, vector<32x128xf32>, vector<128x32xf32> -> vector<128x32xf32>
    %swap3A_17 = arith.constant 256 : index
    %swap3A_18 = arith.constant 0 : index
    %swap3A_19 = vector.load %arg5[%swap3A_17, %swap3A_18] : memref<8192x128xf32, #tpu.memory_space<vmem>>, vector<128x32xf32>
    tpu.vector_store %arg5[%swap3A_17, %swap3A_18], %dot_general3A_16 {strides = array<i32>} : memref<8192x128xf32, #tpu.memory_space<vmem>>, vector<128x32xf32>,
    %slice3A_20 = vector.extract_strided_slice %get3A_4 {offsets = [0, 384], sizes = [32, 128], strides = [1, 1]} : vector<32x8192xf32> to vector<32x128xf32>
    %dot_general3A_21 = arith.constant dense<0.000000e+00> : vector<128x32xf32>
    %dot_general3A_22 = tpu.matmul %select_n3A, %slice3A_20, %dot_general3A_21 {dimension_numbers = #tpu.dot_dimension_numbers<[1], [1], [0], [0], [0, 0, 1, 0], [], []>, transpose_lhs_hint = false} : vector<128x128xf32>, vector<32x128xf32>, vector<128x32xf32> -> vector<128x32xf32>
    %swap3A_23 = arith.constant 384 : index
    %swap3A_24 = arith.constant 0 : index
    %swap3A_25 = vector.load %arg5[%swap3A_23, %swap3A_24] : memref<8192x128xf32, #tpu.memory_space<vmem>>, vector<128x32xf32>
    tpu.vector_store %arg5[%swap3A_23, %swap3A_24], %dot_general3A_22 {strides = array<i32>} : memref<8192x128xf32, #tpu.memory_space<vmem>>, vector<128x32xf32>,
    %slice3A_26 = vector.extract_strided_slice %get3A_4 {offsets = [0, 512], sizes = [32, 128], strides = [1, 1]} : vector<32x8192xf32> to vector<32x128xf32>
    %dot_general3A_27 = arith.constant dense<0.000000e+00> : vector<128x32xf32>
    %dot_general3A_28 = tpu.matmul %select_n3A, %slice3A_26, %dot_general3A_27 {dimension_numbers = #tpu.dot_dimension_numbers<[1], [1], [0], [0], [0, 0, 1, 0], [], []>, transpose_lhs_hint = false} : vector<128x128xf32>, vector<32x128xf32>, vector<128x32xf32> -> vector<128x32xf32>
    %swap3A_29 = arith.constant 512 : index
    %swap3A_30 = arith.constant 0 : index
    %swap3A_31 = vector.load %arg5[%swap3A_29, %swap3A_30] : memref<8192x128xf32, #tpu.memory_space<vmem>>, vector<128x32xf32>
    tpu.vector_store %arg5[%swap3A_29, %swap3A_30], %dot_general3A_28 {strides = array<i32>} : memref<8192x128xf32, #tpu.memory_space<vmem>>, vector<128x32xf32>,
    %slice3A_32 = vector.extract_strided_slice %get3A_4 {offsets = [0, 640], sizes = [32, 128], strides = [1, 1]} : vector<32x8192xf32> to vector<32x128xf32>
    %dot_general3A_33 = arith.constant dense<0.000000e+00> : vector<128x32xf32>
    %dot_general3A_34 = tpu.matmul %select_n3A, %slice3A_32, %dot_general3A_33 {dimension_numbers = #tpu.dot_dimension_numbers<[1], [1], [0], [0], [0, 0, 1, 0], [], []>, transpose_lhs_hint = false} : vector<128x128xf32>, vector<32x128xf32>, vector<128x32xf32> -> vector<128x32xf32>
    %swap3A_35 = arith.constant 640 : index
    %swap3A_36 = arith.constant 0 : index
    %swap3A_37 = vector.load %arg5[%swap3A_35, %swap3A_36] : memref<8192x128xf32, #tpu.memory_space<vmem>>, vector<128x32xf32>
    tpu.vector_store %arg5[%swap3A_35, %swap3A_36], %dot_general3A_34 {strides = array<i32>} : memref<8192x128xf32, #tpu.memory_space<vmem>>, vector<128x32xf32>,
    %slice3A_38 = vector.extract_strided_slice %get3A_4 {offsets = [0, 768], sizes = [32, 128], strides = [1, 1]} : vector<32x8192xf32> to vector<32x128xf32>
    %dot_general3A_39 = arith.constant dense<0.000000e+00> : vector<128x32xf32>
    %dot_general3A_40 = tpu.matmul %select_n3A, %slice3A_38, %dot_general3A_39 {dimension_numbers = #tpu.dot_dimension_numbers<[1], [1], [0], [0], [0, 0, 1, 0], [], []>, transpose_lhs_hint = false} : vector<128x128xf32>, vector<32x128xf32>, vector<128x32xf32> -> vector<128x32xf32>
    %swap3A_41 = arith.constant 768 : index
    %swap3A_42 = arith.constant 0 : index
    %swap3A_43 = vector.load %arg5[%swap3A_41, %swap3A_42] : memref<8192x128xf32, #tpu.memory_space<vmem>>, vector<128x32xf32>
    tpu.vector_store %arg5[%swap3A_41, %swap3A_42], %dot_general3A_40 {strides = array<i32>} : memref<8192x128xf32, #tpu.memory_space<vmem>>, vector<128x32xf32>,
    %slice3A_44 = vector.extract_strided_slice %get3A_4 {offsets = [0, 896], sizes = [32, 128], strides = [1, 1]} : vector<32x8192xf32> to vector<32x128xf32>
    %dot_general3A_45 = arith.constant dense<0.000000e+00> : vector<128x32xf32>
    %dot_general3A_46 = tpu.matmul %select_n3A, %slice3A_44, %dot_general3A_45 {dimension_numbers = #tpu.dot_dimension_numbers<[1], [1], [0], [0], [0, 0, 1, 0], [], []>, transpose_lhs_hint = false} : vector<128x128xf32>, vector<32x128xf32>, vector<128x32xf32> -> vector<128x32xf32>
    %swap3A_47 = arith.constant 896 : index
    %swap3A_48 = arith.constant 0 : index
    %swap3A_49 = vector.load %arg5[%swap3A_47, %swap3A_48] : memref<8192x128xf32, #tpu.memory_space<vmem>>, vector<128x32xf32>
    tpu.vector_store %arg5[%swap3A_47, %swap3A_48], %dot_general3A_46 {strides = array<i32>} : memref<8192x128xf32, #tpu.memory_space<vmem>>, vector<128x32xf32>,
    %slice3A_50 = vector.extract_strided_slice %get3A_4 {offsets = [0, 1024], sizes = [32, 128], strides = [1, 1]} : vector<32x8192xf32> to vector<32x128xf32>
    %dot_general3A_51 = arith.constant dense<0.000000e+00> : vector<128x32xf32>
    %dot_general3A_52 = tpu.matmul %select_n3A, %slice3A_50, %dot_general3A_51 {dimension_numbers = #tpu.dot_dimension_numbers<[1], [1], [0], [0], [0, 0, 1, 0], [], []>, transpose_lhs_hint = false} : vector<128x128xf32>, vector<32x128xf32>, vector<128x32xf32> -> vector<128x32xf32>
    %swap3A_53 = arith.constant 1024 : index
    %swap3A_54 = arith.constant 0 : index
    %swap3A_55 = vector.load %arg5[%swap3A_53, %swap3A_54] : memref<8192x128xf32, #tpu.memory_space<vmem>>, vector<128x32xf32>
    tpu.vector_store %arg5[%swap3A_53, %swap3A_54], %dot_general3A_52 {strides = array<i32>} : memref<8192x128xf32, #tpu.memory_space<vmem>>, vector<128x32xf32>,
    %slice3A_56 = vector.extract_strided_slice %get3A_4 {offsets = [0, 1152], sizes = [32, 128], strides = [1, 1]} : vector<32x8192xf32> to vector<32x128xf32>
    %dot_general3A_57 = arith.constant dense<0.000000e+00> : vector<128x32xf32>
    %dot_general3A_58 = tpu.matmul %select_n3A, %slice3A_56, %dot_general3A_57 {dimension_numbers = #tpu.dot_dimension_numbers<[1], [1], [0], [0], [0, 0, 1, 0], [], []>, transpose_lhs_hint = false} : vector<128x128xf32>, vector<32x128xf32>, vector<128x32xf32> -> vector<128x32xf32>
    %swap3A_59 = arith.constant 1152 : index
    %swap3A_60 = arith.constant 0 : index
    %swap3A_61 = vector.load %arg5[%swap3A_59, %swap3A_60] : memref<8192x128xf32, #tpu.memory_space<vmem>>, vector<128x32xf32>
    tpu.vector_store %arg5[%swap3A_59, %swap3A_60], %dot_general3A_58 {strides = array<i32>} : memref<8192x128xf32, #tpu.memory_space<vmem>>, vector<128x32xf32>,
    %slice3A_62 = vector.extract_strided_slice %get3A_4 {offsets = [0, 1280], sizes = [32, 128], strides = [1, 1]} : vector<32x8192xf32> to vector<32x128xf32>
    %dot_general3A_63 = arith.constant dense<0.000000e+00> : vector<128x32xf32>
    %dot_general3A_64 = tpu.matmul %select_n3A, %slice3A_62, %dot_general3A_63 {dimension_numbers = #tpu.dot_dimension_numbers<[1], [1], [0], [0], [0, 0, 1, 0], [], []>, transpose_lhs_hint = false} : vector<128x128xf32>, vector<32x128xf32>, vector<128x32xf32> -> vector<128x32xf32>
    %swap3A_65 = arith.constant 1280 : index
    %swap3A_66 = arith.constant 0 : index
    %swap3A_67 = vector.load %arg5[%swap3A_65, %swap3A_66] : memref<8192x128xf32, #tpu.memory_space<vmem>>, vector<128x32xf32>
    tpu.vector_store %arg5[%swap3A_65, %swap3A_66], %dot_general3A_64 {strides = array<i32>} : memref<8192x128xf32, #tpu.memory_space<vmem>>, vector<128x32xf32>,
    %slice3A_68 = vector.extract_strided_slice %get3A_4 {offsets = [0, 1408], sizes = [32, 128], strides = [1, 1]} : vector<32x8192xf32> to vector<32x128xf32>
    %dot_general3A_69 = arith.constant dense<0.000000e+00> : vector<128x32xf32>
    %dot_general3A_70 = tpu.matmul %select_n3A, %slice3A_68, %dot_general3A_69 {dimension_numbers = #tpu.dot_dimension_numbers<[1], [1], [0], [0], [0, 0, 1, 0], [], []>, transpose_lhs_hint = false} : vector<128x128xf32>, vector<32x128xf32>, vector<128x32xf32> -> vector<128x32xf32>
    %swap3A_71 = arith.constant 1408 : index
    %swap3A_72 = arith.constant 0 : index
    %swap3A_73 = vector.load %arg5[%swap3A_71, %swap3A_72] : memref<8192x128xf32, #tpu.memory_space<vmem>>, vector<128x32xf32>
    tpu.vector_store %arg5[%swap3A_71, %swap3A_72], %dot_general3A_70 {strides = array<i32>} : memref<8192x128xf32, #tpu.memory_space<vmem>>, vector<128x32xf32>,
    %slice3A_74 = vector.extract_strided_slice %get3A_4 {offsets = [0, 1536], sizes = [32, 128], strides = [1, 1]} : vector<32x8192xf32> to vector<32x128xf32>
    %dot_general3A_75 = arith.constant dense<0.000000e+00> : vector<128x32xf32>
    %dot_general3A_76 = tpu.matmul %select_n3A, %slice3A_74, %dot_general3A_75 {dimension_numbers = #tpu.dot_dimension_numbers<[1], [1], [0], [0], [0, 0, 1, 0], [], []>, transpose_lhs_hint = false} : vector<128x128xf32>, vector<32x128xf32>, vector<128x32xf32> -> vector<128x32xf32>
    %swap3A_77 = arith.constant 1536 : index
    %swap3A_78 = arith.constant 0 : index
    %swap3A_79 = vector.load %arg5[%swap3A_77, %swap3A_78] : memref<8192x128xf32, #tpu.memory_space<vmem>>, vector<128x32xf32>
    tpu.vector_store %arg5[%swap3A_77, %swap3A_78], %dot_general3A_76 {strides = array<i32>} : memref<8192x128xf32, #tpu.memory_space<vmem>>, vector<128x32xf32>,
    %slice3A_80 = vector.extract_strided_slice %get3A_4 {offsets = [0, 1664], sizes = [32, 128], strides = [1, 1]} : vector<32x8192xf32> to vector<32x128xf32>
    %dot_general3A_81 = arith.constant dense<0.000000e+00> : vector<128x32xf32>
    %dot_general3A_82 = tpu.matmul %select_n3A, %slice3A_80, %dot_general3A_81 {dimension_numbers = #tpu.dot_dimension_numbers<[1], [1], [0], [0], [0, 0, 1, 0], [], []>, transpose_lhs_hint = false} : vector<128x128xf32>, vector<32x128xf32>, vector<128x32xf32> -> vector<128x32xf32>
    %swap3A_83 = arith.constant 1664 : index
    %swap3A_84 = arith.constant 0 : index
    %swap3A_85 = vector.load %arg5[%swap3A_83, %swap3A_84] : memref<8192x128xf32, #tpu.memory_space<vmem>>, vector<128x32xf32>
    tpu.vector_store %arg5[%swap3A_83, %swap3A_84], %dot_general3A_82 {strides = array<i32>} : memref<8192x128xf32, #tpu.memory_space<vmem>>, vector<128x32xf32>,
    %slice3A_86 = vector.extract_strided_slice %get3A_4 {offsets = [0, 1792], sizes = [32, 128], strides = [1, 1]} : vector<32x8192xf32> to vector<32x128xf32>
    %dot_general3A_87 = arith.constant dense<0.000000e+00> : vector<128x32xf32>
    %dot_general3A_88 = tpu.matmul %select_n3A, %slice3A_86, %dot_general3A_87 {dimension_numbers = #tpu.dot_dimension_numbers<[1], [1], [0], [0], [0, 0, 1, 0], [], []>, transpose_lhs_hint = false} : vector<128x128xf32>, vector<32x128xf32>, vector<128x32xf32> -> vector<128x32xf32>
    %swap3A_89 = arith.constant 1792 : index
    %swap3A_90 = arith.constant 0 : index
    %swap3A_91 = vector.load %arg5[%swap3A_89, %swap3A_90] : memref<8192x128xf32, #tpu.memory_space<vmem>>, vector<128x32xf32>
    tpu.vector_store %arg5[%swap3A_89, %swap3A_90], %dot_general3A_88 {strides = array<i32>} : memref<8192x128xf32, #tpu.memory_space<vmem>>, vector<128x32xf32>,
    %slice3A_92 = vector.extract_strided_slice %get3A_4 {offsets = [0, 1920], sizes = [32, 128], strides = [1, 1]} : vector<32x8192xf32> to vector<32x128xf32>
    %dot_general3A_93 = arith.constant dense<0.000000e+00> : vector<128x32xf32>
    %dot_general3A_94 = tpu.matmul %select_n3A, %slice3A_92, %dot_general3A_93 {dimension_numbers = #tpu.dot_dimension_numbers<[1], [1], [0], [0], [0, 0, 1, 0], [], []>, transpose_lhs_hint = false} : vector<128x128xf32>, vector<32x128xf32>, vector<128x32xf32> -> vector<128x32xf32>
    %swap3A_95 = arith.constant 1920 : index
    %swap3A_96 = arith.constant 0 : index
    %swap3A_97 = vector.load %arg5[%swap3A_95, %swap3A_96] : memref<8192x128xf32, #tpu.memory_space<vmem>>, vector<128x32xf32>
    tpu.vector_store %arg5[%swap3A_95, %swap3A_96], %dot_general3A_94 {strides = array<i32>} : memref<8192x128xf32, #tpu.memory_space<vmem>>, vector<128x32xf32>,
    %slice3A_98 = vector.extract_strided_slice %get3A_4 {offsets = [0, 2048], sizes = [32, 128], strides = [1, 1]} : vector<32x8192xf32> to vector<32x128xf32>
    %dot_general3A_99 = arith.constant dense<0.000000e+00> : vector<128x32xf32>
    %dot_general3A_100 = tpu.matmul %select_n3A, %slice3A_98, %dot_general3A_99 {dimension_numbers = #tpu.dot_dimension_numbers<[1], [1], [0], [0], [0, 0, 1, 0], [], []>, transpose_lhs_hint = false} : vector<128x128xf32>, vector<32x128xf32>, vector<128x32xf32> -> vector<128x32xf32>
    %swap3A_101 = arith.constant 2048 : index
    %swap3A_102 = arith.constant 0 : index
    %swap3A_103 = vector.load %arg5[%swap3A_101, %swap3A_102] : memref<8192x128xf32, #tpu.memory_space<vmem>>, vector<128x32xf32>
    tpu.vector_store %arg5[%swap3A_101, %swap3A_102], %dot_general3A_100 {strides = array<i32>} : memref<8192x128xf32, #tpu.memory_space<vmem>>, vector<128x32xf32>,
    %slice3A_104 = vector.extract_strided_slice %get3A_4 {offsets = [0, 2176], sizes = [32, 128], strides = [1, 1]} : vector<32x8192xf32> to vector<32x128xf32>
    %dot_general3A_105 = arith.constant dense<0.000000e+00> : vector<128x32xf32>
    %dot_general3A_106 = tpu.matmul %select_n3A, %slice3A_104, %dot_general3A_105 {dimension_numbers = #tpu.dot_dimension_numbers<[1], [1], [0], [0], [0, 0, 1, 0], [], []>, transpose_lhs_hint = false} : vector<128x128xf32>, vector<32x128xf32>, vector<128x32xf32> -> vector<128x32xf32>
    %swap3A_107 = arith.constant 2176 : index
    %swap3A_108 = arith.constant 0 : index
    %swap3A_109 = vector.load %arg5[%swap3A_107, %swap3A_108] : memref<8192x128xf32, #tpu.memory_space<vmem>>, vector<128x32xf32>
    tpu.vector_store %arg5[%swap3A_107, %swap3A_108], %dot_general3A_106 {strides = array<i32>} : memref<8192x128xf32, #tpu.memory_space<vmem>>, vector<128x32xf32>,
    %slice3A_110 = vector.extract_strided_slice %get3A_4 {offsets = [0, 2304], sizes = [32, 128], strides = [1, 1]} : vector<32x8192xf32> to vector<32x128xf32>
    %dot_general3A_111 = arith.constant dense<0.000000e+00> : vector<128x32xf32>
    %dot_general3A_112 = tpu.matmul %select_n3A, %slice3A_110, %dot_general3A_111 {dimension_numbers = #tpu.dot_dimension_numbers<[1], [1], [0], [0], [0, 0, 1, 0], [], []>, transpose_lhs_hint = false} : vector<128x128xf32>, vector<32x128xf32>, vector<128x32xf32> -> vector<128x32xf32>
    %swap3A_113 = arith.constant 2304 : index
    %swap3A_114 = arith.constant 0 : index
    %swap3A_115 = vector.load %arg5[%swap3A_113, %swap3A_114] : memref<8192x128xf32, #tpu.memory_space<vmem>>, vector<128x32xf32>
    tpu.vector_store %arg5[%swap3A_113, %swap3A_114], %dot_general3A_112 {strides = array<i32>} : memref<8192x128xf32, #tpu.memory_space<vmem>>, vector<128x32xf32>,
    %slice3A_116 = vector.extract_strided_slice %get3A_4 {offsets = [0, 2432], sizes = [32, 128], strides = [1, 1]} : vector<32x8192xf32> to vector<32x128xf32>
    %dot_general3A_117 = arith.constant dense<0.000000e+00> : vector<128x32xf32>
    %dot_general3A_118 = tpu.matmul %select_n3A, %slice3A_116, %dot_general3A_117 {dimension_numbers = #tpu.dot_dimension_numbers<[1], [1], [0], [0], [0, 0, 1, 0], [], []>, transpose_lhs_hint = false} : vector<128x128xf32>, vector<32x128xf32>, vector<128x32xf32> -> vector<128x32xf32>
    %swap3A_119 = arith.constant 2432 : index
    %swap3A_120 = arith.constant 0 : index
    %swap3A_121 = vector.load %arg5[%swap3A_119, %swap3A_120] : memref<8192x128xf32, #tpu.memory_space<vmem>>, vector<128x32xf32>
    tpu.vector_store %arg5[%swap3A_119, %swap3A_120], %dot_general3A_118 {strides = array<i32>} : memref<8192x128xf32, #tpu.memory_space<vmem>>, vector<128x32xf32>,
    %slice3A_122 = vector.extract_strided_slice %get3A_4 {offsets = [0, 2560], sizes = [32, 128], strides = [1, 1]} : vector<32x8192xf32> to vector<32x128xf32>
    %dot_general3A_123 = arith.constant dense<0.000000e+00> : vector<128x32xf32>
    %dot_general3A_124 = tpu.matmul %select_n3A, %slice3A_122, %dot_general3A_123 {dimension_numbers = #tpu.dot_dimension_numbers<[1], [1], [0], [0], [0, 0, 1, 0], [], []>, transpose_lhs_hint = false} : vector<128x128xf32>, vector<32x128xf32>, vector<128x32xf32> -> vector<128x32xf32>
    %swap3A_125 = arith.constant 2560 : index
    %swap3A_126 = arith.constant 0 : index
    %swap3A_127 = vector.load %arg5[%swap3A_125, %swap3A_126] : memref<8192x128xf32, #tpu.memory_space<vmem>>, vector<128x32xf32>
    tpu.vector_store %arg5[%swap3A_125, %swap3A_126], %dot_general3A_124 {strides = array<i32>} : memref<8192x128xf32, #tpu.memory_space<vmem>>, vector<128x32xf32>,
    %slice3A_128 = vector.extract_strided_slice %get3A_4 {offsets = [0, 2688], sizes = [32, 128], strides = [1, 1]} : vector<32x8192xf32> to vector<32x128xf32>
    %dot_general3A_129 = arith.constant dense<0.000000e+00> : vector<128x32xf32>
    %dot_general3A_130 = tpu.matmul %select_n3A, %slice3A_128, %dot_general3A_129 {dimension_numbers = #tpu.dot_dimension_numbers<[1], [1], [0], [0], [0, 0, 1, 0], [], []>, transpose_lhs_hint = false} : vector<128x128xf32>, vector<32x128xf32>, vector<128x32xf32> -> vector<128x32xf32>
    %swap3A_131 = arith.constant 2688 : index
    %swap3A_132 = arith.constant 0 : index
    %swap3A_133 = vector.load %arg5[%swap3A_131, %swap3A_132] : memref<8192x128xf32, #tpu.memory_space<vmem>>, vector<128x32xf32>
    tpu.vector_store %arg5[%swap3A_131, %swap3A_132], %dot_general3A_130 {strides = array<i32>} : memref<8192x128xf32, #tpu.memory_space<vmem>>, vector<128x32xf32>,
    %slice3A_134 = vector.extract_strided_slice %get3A_4 {offsets = [0, 2816], sizes = [32, 128], strides = [1, 1]} : vector<32x8192xf32> to vector<32x128xf32>
    %dot_general3A_135 = arith.constant dense<0.000000e+00> : vector<128x32xf32>
    %dot_general3A_136 = tpu.matmul %select_n3A, %slice3A_134, %dot_general3A_135 {dimension_numbers = #tpu.dot_dimension_numbers<[1], [1], [0], [0], [0, 0, 1, 0], [], []>, transpose_lhs_hint = false} : vector<128x128xf32>, vector<32x128xf32>, vector<128x32xf32> -> vector<128x32xf32>
    %swap3A_137 = arith.constant 2816 : index
    %swap3A_138 = arith.constant 0 : index
    %swap3A_139 = vector.load %arg5[%swap3A_137, %swap3A_138] : memref<8192x128xf32, #tpu.memory_space<vmem>>, vector<128x32xf32>
    tpu.vector_store %arg5[%swap3A_137, %swap3A_138], %dot_general3A_136 {strides = array<i32>} : memref<8192x128xf32, #tpu.memory_space<vmem>>, vector<128x32xf32>,
    %slice3A_140 = vector.extract_strided_slice %get3A_4 {offsets = [0, 2944], sizes = [32, 128], strides = [1, 1]} : vector<32x8192xf32> to vector<32x128xf32>
    %dot_general3A_141 = arith.constant dense<0.000000e+00> : vector<128x32xf32>
    %dot_general3A_142 = tpu.matmul %select_n3A, %slice3A_140, %dot_general3A_141 {dimension_numbers = #tpu.dot_dimension_numbers<[1], [1], [0], [0], [0, 0, 1, 0], [], []>, transpose_lhs_hint = false} : vector<128x128xf32>, vector<32x128xf32>, vector<128x32xf32> -> vector<128x32xf32>
    %swap3A_143 = arith.constant 2944 : index
    %swap3A_144 = arith.constant 0 : index
    %swap3A_145 = vector.load %arg5[%swap3A_143, %swap3A_144] : memref<8192x128xf32, #tpu.memory_space<vmem>>, vector<128x32xf32>
    tpu.vector_store %arg5[%swap3A_143, %swap3A_144], %dot_general3A_142 {strides = array<i32>} : memref<8192x128xf32, #tpu.memory_space<vmem>>, vector<128x32xf32>,
    %slice3A_146 = vector.extract_strided_slice %get3A_4 {offsets = [0, 3072], sizes = [32, 128], strides = [1, 1]} : vector<32x8192xf32> to vector<32x128xf32>
    %dot_general3A_147 = arith.constant dense<0.000000e+00> : vector<128x32xf32>
    %dot_general3A_148 = tpu.matmul %select_n3A, %slice3A_146, %dot_general3A_147 {dimension_numbers = #tpu.dot_dimension_numbers<[1], [1], [0], [0], [0, 0, 1, 0], [], []>, transpose_lhs_hint = false} : vector<128x128xf32>, vector<32x128xf32>, vector<128x32xf32> -> vector<128x32xf32>
    %swap3A_149 = arith.constant 3072 : index
    %swap3A_150 = arith.constant 0 : index
    %swap3A_151 = vector.load %arg5[%swap3A_149, %swap3A_150] : memref<8192x128xf32, #tpu.memory_space<vmem>>, vector<128x32xf32>
    tpu.vector_store %arg5[%swap3A_149, %swap3A_150], %dot_general3A_148 {strides = array<i32>} : memref<8192x128xf32, #tpu.memory_space<vmem>>, vector<128x32xf32>,
    %slice3A_152 = vector.extract_strided_slice %get3A_4 {offsets = [0, 3200], sizes = [32, 128], strides = [1, 1]} : vector<32x8192xf32> to vector<32x128xf32>
    %dot_general3A_153 = arith.constant dense<0.000000e+00> : vector<128x32xf32>
    %dot_general3A_154 = tpu.matmul %select_n3A, %slice3A_152, %dot_general3A_153 {dimension_numbers = #tpu.dot_dimension_numbers<[1], [1], [0], [0], [0, 0, 1, 0], [], []>, transpose_lhs_hint = false} : vector<128x128xf32>, vector<32x128xf32>, vector<128x32xf32> -> vector<128x32xf32>
    %swap3A_155 = arith.constant 3200 : index
    %swap3A_156 = arith.constant 0 : index
    %swap3A_157 = vector.load %arg5[%swap3A_155, %swap3A_156] : memref<8192x128xf32, #tpu.memory_space<vmem>>, vector<128x32xf32>
    tpu.vector_store %arg5[%swap3A_155, %swap3A_156], %dot_general3A_154 {strides = array<i32>} : memref<8192x128xf32, #tpu.memory_space<vmem>>, vector<128x32xf32>,
    %slice3A_158 = vector.extract_strided_slice %get3A_4 {offsets = [0, 3328], sizes = [32, 128], strides = [1, 1]} : vector<32x8192xf32> to vector<32x128xf32>
    %dot_general3A_159 = arith.constant dense<0.000000e+00> : vector<128x32xf32>
    %dot_general3A_160 = tpu.matmul %select_n3A, %slice3A_158, %dot_general3A_159 {dimension_numbers = #tpu.dot_dimension_numbers<[1], [1], [0], [0], [0, 0, 1, 0], [], []>, transpose_lhs_hint = false} : vector<128x128xf32>, vector<32x128xf32>, vector<128x32xf32> -> vector<128x32xf32>
    %swap3A_161 = arith.constant 3328 : index
    %swap3A_162 = arith.constant 0 : index
    %swap3A_163 = vector.load %arg5[%swap3A_161, %swap3A_162] : memref<8192x128xf32, #tpu.memory_space<vmem>>, vector<128x32xf32>
    tpu.vector_store %arg5[%swap3A_161, %swap3A_162], %dot_general3A_160 {strides = array<i32>} : memref<8192x128xf32, #tpu.memory_space<vmem>>, vector<128x32xf32>,
    %slice3A_164 = vector.extract_strided_slice %get3A_4 {offsets = [0, 3456], sizes = [32, 128], strides = [1, 1]} : vector<32x8192xf32> to vector<32x128xf32>
    %dot_general3A_165 = arith.constant dense<0.000000e+00> : vector<128x32xf32>
    %dot_general3A_166 = tpu.matmul %select_n3A, %slice3A_164, %dot_general3A_165 {dimension_numbers = #tpu.dot_dimension_numbers<[1], [1], [0], [0], [0, 0, 1, 0], [], []>, transpose_lhs_hint = false} : vector<128x128xf32>, vector<32x128xf32>, vector<128x32xf32> -> vector<128x32xf32>
    %swap3A_167 = arith.constant 3456 : index
    %swap3A_168 = arith.constant 0 : index
    %swap3A_169 = vector.load %arg5[%swap3A_167, %swap3A_168] : memref<8192x128xf32, #tpu.memory_space<vmem>>, vector<128x32xf32>
    tpu.vector_store %arg5[%swap3A_167, %swap3A_168], %dot_general3A_166 {strides = array<i32>} : memref<8192x128xf32, #tpu.memory_space<vmem>>, vector<128x32xf32>,
    %slice3A_170 = vector.extract_strided_slice %get3A_4 {offsets = [0, 3584], sizes = [32, 128], strides = [1, 1]} : vector<32x8192xf32> to vector<32x128xf32>
    %dot_general3A_171 = arith.constant dense<0.000000e+00> : vector<128x32xf32>
    %dot_general3A_172 = tpu.matmul %select_n3A, %slice3A_170, %dot_general3A_171 {dimension_numbers = #tpu.dot_dimension_numbers<[1], [1], [0], [0], [0, 0, 1, 0], [], []>, transpose_lhs_hint = false} : vector<128x128xf32>, vector<32x128xf32>, vector<128x32xf32> -> vector<128x32xf32>
    %swap3A_173 = arith.constant 3584 : index
    %swap3A_174 = arith.constant 0 : index
    %swap3A_175 = vector.load %arg5[%swap3A_173, %swap3A_174] : memref<8192x128xf32, #tpu.memory_space<vmem>>, vector<128x32xf32>
    tpu.vector_store %arg5[%swap3A_173, %swap3A_174], %dot_general3A_172 {strides = array<i32>} : memref<8192x128xf32, #tpu.memory_space<vmem>>, vector<128x32xf32>,
    %slice3A_176 = vector.extract_strided_slice %get3A_4 {offsets = [0, 3712], sizes = [32, 128], strides = [1, 1]} : vector<32x8192xf32> to vector<32x128xf32>
    %dot_general3A_177 = arith.constant dense<0.000000e+00> : vector<128x32xf32>
    %dot_general3A_178 = tpu.matmul %select_n3A, %slice3A_176, %dot_general3A_177 {dimension_numbers = #tpu.dot_dimension_numbers<[1], [1], [0], [0], [0, 0, 1, 0], [], []>, transpose_lhs_hint = false} : vector<128x128xf32>, vector<32x128xf32>, vector<128x32xf32> -> vector<128x32xf32>
    %swap3A_179 = arith.constant 3712 : index
    %swap3A_180 = arith.constant 0 : index
    %swap3A_181 = vector.load %arg5[%swap3A_179, %swap3A_180] : memref<8192x128xf32, #tpu.memory_space<vmem>>, vector<128x32xf32>
    tpu.vector_store %arg5[%swap3A_179, %swap3A_180], %dot_general3A_178 {strides = array<i32>} : memref<8192x128xf32, #tpu.memory_space<vmem>>, vector<128x32xf32>,
    %slice3A_182 = vector.extract_strided_slice %get3A_4 {offsets = [0, 3840], sizes = [32, 128], strides = [1, 1]} : vector<32x8192xf32> to vector<32x128xf32>
    %dot_general3A_183 = arith.constant dense<0.000000e+00> : vector<128x32xf32>
    %dot_general3A_184 = tpu.matmul %select_n3A, %slice3A_182, %dot_general3A_183 {dimension_numbers = #tpu.dot_dimension_numbers<[1], [1], [0], [0], [0, 0, 1, 0], [], []>, transpose_lhs_hint = false} : vector<128x128xf32>, vector<32x128xf32>, vector<128x32xf32> -> vector<128x32xf32>
    %swap3A_185 = arith.constant 3840 : index
    %swap3A_186 = arith.constant 0 : index
    %swap3A_187 = vector.load %arg5[%swap3A_185, %swap3A_186] : memref<8192x128xf32, #tpu.memory_space<vmem>>, vector<128x32xf32>
    tpu.vector_store %arg5[%swap3A_185, %swap3A_186], %dot_general3A_184 {strides = array<i32>} : memref<8192x128xf32, #tpu.memory_space<vmem>>, vector<128x32xf32>,
    %slice3A_188 = vector.extract_strided_slice %get3A_4 {offsets = [0, 3968], sizes = [32, 128], strides = [1, 1]} : vector<32x8192xf32> to vector<32x128xf32>
    %dot_general3A_189 = arith.constant dense<0.000000e+00> : vector<128x32xf32>
    %dot_general3A_190 = tpu.matmul %select_n3A, %slice3A_188, %dot_general3A_189 {dimension_numbers = #tpu.dot_dimension_numbers<[1], [1], [0], [0], [0, 0, 1, 0], [], []>, transpose_lhs_hint = false} : vector<128x128xf32>, vector<32x128xf32>, vector<128x32xf32> -> vector<128x32xf32>
    %swap3A_191 = arith.constant 3968 : index
    %swap3A_192 = arith.constant 0 : index
    %swap3A_193 = vector.load %arg5[%swap3A_191, %swap3A_192] : memref<8192x128xf32, #tpu.memory_space<vmem>>, vector<128x32xf32>
    tpu.vector_store %arg5[%swap3A_191, %swap3A_192], %dot_general3A_190 {strides = array<i32>} : memref<8192x128xf32, #tpu.memory_space<vmem>>, vector<128x32xf32>,
    %slice3A_194 = vector.extract_strided_slice %get3A_4 {offsets = [0, 4096], sizes = [32, 128], strides = [1, 1]} : vector<32x8192xf32> to vector<32x128xf32>
    %dot_general3A_195 = arith.constant dense<0.000000e+00> : vector<128x32xf32>
    %dot_general3A_196 = tpu.matmul %select_n3A, %slice3A_194, %dot_general3A_195 {dimension_numbers = #tpu.dot_dimension_numbers<[1], [1], [0], [0], [0, 0, 1, 0], [], []>, transpose_lhs_hint = false} : vector<128x128xf32>, vector<32x128xf32>, vector<128x32xf32> -> vector<128x32xf32>
    %swap3A_197 = arith.constant 4096 : index
    %swap3A_198 = arith.constant 0 : index
    %swap3A_199 = vector.load %arg5[%swap3A_197, %swap3A_198] : memref<8192x128xf32, #tpu.memory_space<vmem>>, vector<128x32xf32>
    tpu.vector_store %arg5[%swap3A_197, %swap3A_198], %dot_general3A_196 {strides = array<i32>} : memref<8192x128xf32, #tpu.memory_space<vmem>>, vector<128x32xf32>,
    %slice3A_200 = vector.extract_strided_slice %get3A_4 {offsets = [0, 4224], sizes = [32, 128], strides = [1, 1]} : vector<32x8192xf32> to vector<32x128xf32>
    %dot_general3A_201 = arith.constant dense<0.000000e+00> : vector<128x32xf32>
    %dot_general3A_202 = tpu.matmul %select_n3A, %slice3A_200, %dot_general3A_201 {dimension_numbers = #tpu.dot_dimension_numbers<[1], [1], [0], [0], [0, 0, 1, 0], [], []>, transpose_lhs_hint = false} : vector<128x128xf32>, vector<32x128xf32>, vector<128x32xf32> -> vector<128x32xf32>
    %swap3A_203 = arith.constant 4224 : index
    %swap3A_204 = arith.constant 0 : index
    %swap3A_205 = vector.load %arg5[%swap3A_203, %swap3A_204] : memref<8192x128xf32, #tpu.memory_space<vmem>>, vector<128x32xf32>
    tpu.vector_store %arg5[%swap3A_203, %swap3A_204], %dot_general3A_202 {strides = array<i32>} : memref<8192x128xf32, #tpu.memory_space<vmem>>, vector<128x32xf32>,
    %slice3A_206 = vector.extract_strided_slice %get3A_4 {offsets = [0, 4352], sizes = [32, 128], strides = [1, 1]} : vector<32x8192xf32> to vector<32x128xf32>
    %dot_general3A_207 = arith.constant dense<0.000000e+00> : vector<128x32xf32>
    %dot_general3A_208 = tpu.matmul %select_n3A, %slice3A_206, %dot_general3A_207 {dimension_numbers = #tpu.dot_dimension_numbers<[1], [1], [0], [0], [0, 0, 1, 0], [], []>, transpose_lhs_hint = false} : vector<128x128xf32>, vector<32x128xf32>, vector<128x32xf32> -> vector<128x32xf32>
    %swap3A_209 = arith.constant 4352 : index
    %swap3A_210 = arith.constant 0 : index
    %swap3A_211 = vector.load %arg5[%swap3A_209, %swap3A_210] : memref<8192x128xf32, #tpu.memory_space<vmem>>, vector<128x32xf32>
    tpu.vector_store %arg5[%swap3A_209, %swap3A_210], %dot_general3A_208 {strides = array<i32>} : memref<8192x128xf32, #tpu.memory_space<vmem>>, vector<128x32xf32>,
    %slice3A_212 = vector.extract_strided_slice %get3A_4 {offsets = [0, 4480], sizes = [32, 128], strides = [1, 1]} : vector<32x8192xf32> to vector<32x128xf32>
    %dot_general3A_213 = arith.constant dense<0.000000e+00> : vector<128x32xf32>
    %dot_general3A_214 = tpu.matmul %select_n3A, %slice3A_212, %dot_general3A_213 {dimension_numbers = #tpu.dot_dimension_numbers<[1], [1], [0], [0], [0, 0, 1, 0], [], []>, transpose_lhs_hint = false} : vector<128x128xf32>, vector<32x128xf32>, vector<128x32xf32> -> vector<128x32xf32>
    %swap3A_215 = arith.constant 4480 : index
    %swap3A_216 = arith.constant 0 : index
    %swap3A_217 = vector.load %arg5[%swap3A_215, %swap3A_216] : memref<8192x128xf32, #tpu.memory_space<vmem>>, vector<128x32xf32>
    tpu.vector_store %arg5[%swap3A_215, %swap3A_216], %dot_general3A_214 {strides = array<i32>} : memref<8192x128xf32, #tpu.memory_space<vmem>>, vector<128x32xf32>,
    %slice3A_218 = vector.extract_strided_slice %get3A_4 {offsets = [0, 4608], sizes = [32, 128], strides = [1, 1]} : vector<32x8192xf32> to vector<32x128xf32>
    %dot_general3A_219 = arith.constant dense<0.000000e+00> : vector<128x32xf32>
    %dot_general3A_220 = tpu.matmul %select_n3A, %slice3A_218, %dot_general3A_219 {dimension_numbers = #tpu.dot_dimension_numbers<[1], [1], [0], [0], [0, 0, 1, 0], [], []>, transpose_lhs_hint = false} : vector<128x128xf32>, vector<32x128xf32>, vector<128x32xf32> -> vector<128x32xf32>
    %swap3A_221 = arith.constant 4608 : index
    %swap3A_222 = arith.constant 0 : index
    %swap3A_223 = vector.load %arg5[%swap3A_221, %swap3A_222] : memref<8192x128xf32, #tpu.memory_space<vmem>>, vector<128x32xf32>
    tpu.vector_store %arg5[%swap3A_221, %swap3A_222], %dot_general3A_220 {strides = array<i32>} : memref<8192x128xf32, #tpu.memory_space<vmem>>, vector<128x32xf32>,
    %slice3A_224 = vector.extract_strided_slice %get3A_4 {offsets = [0, 4736], sizes = [32, 128], strides = [1, 1]} : vector<32x8192xf32> to vector<32x128xf32>
    %dot_general3A_225 = arith.constant dense<0.000000e+00> : vector<128x32xf32>
    %dot_general3A_226 = tpu.matmul %select_n3A, %slice3A_224, %dot_general3A_225 {dimension_numbers = #tpu.dot_dimension_numbers<[1], [1], [0], [0], [0, 0, 1, 0], [], []>, transpose_lhs_hint = false} : vector<128x128xf32>, vector<32x128xf32>, vector<128x32xf32> -> vector<128x32xf32>
    %swap3A_227 = arith.constant 4736 : index
    %swap3A_228 = arith.constant 0 : index
    %swap3A_229 = vector.load %arg5[%swap3A_227, %swap3A_228] : memref<8192x128xf32, #tpu.memory_space<vmem>>, vector<128x32xf32>
    tpu.vector_store %arg5[%swap3A_227, %swap3A_228], %dot_general3A_226 {strides = array<i32>} : memref<8192x128xf32, #tpu.memory_space<vmem>>, vector<128x32xf32>,
    %slice3A_230 = vector.extract_strided_slice %get3A_4 {offsets = [0, 4864], sizes = [32, 128], strides = [1, 1]} : vector<32x8192xf32> to vector<32x128xf32>
    %dot_general3A_231 = arith.constant dense<0.000000e+00> : vector<128x32xf32>
    %dot_general3A_232 = tpu.matmul %select_n3A, %slice3A_230, %dot_general3A_231 {dimension_numbers = #tpu.dot_dimension_numbers<[1], [1], [0], [0], [0, 0, 1, 0], [], []>, transpose_lhs_hint = false} : vector<128x128xf32>, vector<32x128xf32>, vector<128x32xf32> -> vector<128x32xf32>
    %swap3A_233 = arith.constant 4864 : index
    %swap3A_234 = arith.constant 0 : index
    %swap3A_235 = vector.load %arg5[%swap3A_233, %swap3A_234] : memref<8192x128xf32, #tpu.memory_space<vmem>>, vector<128x32xf32>
    tpu.vector_store %arg5[%swap3A_233, %swap3A_234], %dot_general3A_232 {strides = array<i32>} : memref<8192x128xf32, #tpu.memory_space<vmem>>, vector<128x32xf32>,
    %slice3A_236 = vector.extract_strided_slice %get3A_4 {offsets = [0, 4992], sizes = [32, 128], strides = [1, 1]} : vector<32x8192xf32> to vector<32x128xf32>
    %dot_general3A_237 = arith.constant dense<0.000000e+00> : vector<128x32xf32>
    %dot_general3A_238 = tpu.matmul %select_n3A, %slice3A_236, %dot_general3A_237 {dimension_numbers = #tpu.dot_dimension_numbers<[1], [1], [0], [0], [0, 0, 1, 0], [], []>, transpose_lhs_hint = false} : vector<128x128xf32>, vector<32x128xf32>, vector<128x32xf32> -> vector<128x32xf32>
    %swap3A_239 = arith.constant 4992 : index
    %swap3A_240 = arith.constant 0 : index
    %swap3A_241 = vector.load %arg5[%swap3A_239, %swap3A_240] : memref<8192x128xf32, #tpu.memory_space<vmem>>, vector<128x32xf32>
    tpu.vector_store %arg5[%swap3A_239, %swap3A_240], %dot_general3A_238 {strides = array<i32>} : memref<8192x128xf32, #tpu.memory_space<vmem>>, vector<128x32xf32>,
    %slice3A_242 = vector.extract_strided_slice %get3A_4 {offsets = [0, 5120], sizes = [32, 128], strides = [1, 1]} : vector<32x8192xf32> to vector<32x128xf32>
    %dot_general3A_243 = arith.constant dense<0.000000e+00> : vector<128x32xf32>
    %dot_general3A_244 = tpu.matmul %select_n3A, %slice3A_242, %dot_general3A_243 {dimension_numbers = #tpu.dot_dimension_numbers<[1], [1], [0], [0], [0, 0, 1, 0], [], []>, transpose_lhs_hint = false} : vector<128x128xf32>, vector<32x128xf32>, vector<128x32xf32> -> vector<128x32xf32>
    %swap3A_245 = arith.constant 5120 : index
    %swap3A_246 = arith.constant 0 : index
    %swap3A_247 = vector.load %arg5[%swap3A_245, %swap3A_246] : memref<8192x128xf32, #tpu.memory_space<vmem>>, vector<128x32xf32>
    tpu.vector_store %arg5[%swap3A_245, %swap3A_246], %dot_general3A_244 {strides = array<i32>} : memref<8192x128xf32, #tpu.memory_space<vmem>>, vector<128x32xf32>,
    %slice3A_248 = vector.extract_strided_slice %get3A_4 {offsets = [0, 5248], sizes = [32, 128], strides = [1, 1]} : vector<32x8192xf32> to vector<32x128xf32>
    %dot_general3A_249 = arith.constant dense<0.000000e+00> : vector<128x32xf32>
    %dot_general3A_250 = tpu.matmul %select_n3A, %slice3A_248, %dot_general3A_249 {dimension_numbers = #tpu.dot_dimension_numbers<[1], [1], [0], [0], [0, 0, 1, 0], [], []>, transpose_lhs_hint = false} : vector<128x128xf32>, vector<32x128xf32>, vector<128x32xf32> -> vector<128x32xf32>
    %swap3A_251 = arith.constant 5248 : index
    %swap3A_252 = arith.constant 0 : index
    %swap3A_253 = vector.load %arg5[%swap3A_251, %swap3A_252] : memref<8192x128xf32, #tpu.memory_space<vmem>>, vector<128x32xf32>
    tpu.vector_store %arg5[%swap3A_251, %swap3A_252], %dot_general3A_250 {strides = array<i32>} : memref<8192x128xf32, #tpu.memory_space<vmem>>, vector<128x32xf32>,
    %slice3A_254 = vector.extract_strided_slice %get3A_4 {offsets = [0, 5376], sizes = [32, 128], strides = [1, 1]} : vector<32x8192xf32> to vector<32x128xf32>
    %dot_general3A_255 = arith.constant dense<0.000000e+00> : vector<128x32xf32>
    %dot_general3A_256 = tpu.matmul %select_n3A, %slice3A_254, %dot_general3A_255 {dimension_numbers = #tpu.dot_dimension_numbers<[1], [1], [0], [0], [0, 0, 1, 0], [], []>, transpose_lhs_hint = false} : vector<128x128xf32>, vector<32x128xf32>, vector<128x32xf32> -> vector<128x32xf32>
    %swap3A_257 = arith.constant 5376 : index
    %swap3A_258 = arith.constant 0 : index
    %swap3A_259 = vector.load %arg5[%swap3A_257, %swap3A_258] : memref<8192x128xf32, #tpu.memory_space<vmem>>, vector<128x32xf32>
    tpu.vector_store %arg5[%swap3A_257, %swap3A_258], %dot_general3A_256 {strides = array<i32>} : memref<8192x128xf32, #tpu.memory_space<vmem>>, vector<128x32xf32>,
    %slice3A_260 = vector.extract_strided_slice %get3A_4 {offsets = [0, 5504], sizes = [32, 128], strides = [1, 1]} : vector<32x8192xf32> to vector<32x128xf32>
    %dot_general3A_261 = arith.constant dense<0.000000e+00> : vector<128x32xf32>
    %dot_general3A_262 = tpu.matmul %select_n3A, %slice3A_260, %dot_general3A_261 {dimension_numbers = #tpu.dot_dimension_numbers<[1], [1], [0], [0], [0, 0, 1, 0], [], []>, transpose_lhs_hint = false} : vector<128x128xf32>, vector<32x128xf32>, vector<128x32xf32> -> vector<128x32xf32>
    %swap3A_263 = arith.constant 5504 : index
    %swap3A_264 = arith.constant 0 : index
    %swap3A_265 = vector.load %arg5[%swap3A_263, %swap3A_264] : memref<8192x128xf32, #tpu.memory_space<vmem>>, vector<128x32xf32>
    tpu.vector_store %arg5[%swap3A_263, %swap3A_264], %dot_general3A_262 {strides = array<i32>} : memref<8192x128xf32, #tpu.memory_space<vmem>>, vector<128x32xf32>,
    %slice3A_266 = vector.extract_strided_slice %get3A_4 {offsets = [0, 5632], sizes = [32, 128], strides = [1, 1]} : vector<32x8192xf32> to vector<32x128xf32>
    %dot_general3A_267 = arith.constant dense<0.000000e+00> : vector<128x32xf32>
    %dot_general3A_268 = tpu.matmul %select_n3A, %slice3A_266, %dot_general3A_267 {dimension_numbers = #tpu.dot_dimension_numbers<[1], [1], [0], [0], [0, 0, 1, 0], [], []>, transpose_lhs_hint = false} : vector<128x128xf32>, vector<32x128xf32>, vector<128x32xf32> -> vector<128x32xf32>
    %swap3A_269 = arith.constant 5632 : index
    %swap3A_270 = arith.constant 0 : index
    %swap3A_271 = vector.load %arg5[%swap3A_269, %swap3A_270] : memref<8192x128xf32, #tpu.memory_space<vmem>>, vector<128x32xf32>
    tpu.vector_store %arg5[%swap3A_269, %swap3A_270], %dot_general3A_268 {strides = array<i32>} : memref<8192x128xf32, #tpu.memory_space<vmem>>, vector<128x32xf32>,
    %slice3A_272 = vector.extract_strided_slice %get3A_4 {offsets = [0, 5760], sizes = [32, 128], strides = [1, 1]} : vector<32x8192xf32> to vector<32x128xf32>
    %dot_general3A_273 = arith.constant dense<0.000000e+00> : vector<128x32xf32>
    %dot_general3A_274 = tpu.matmul %select_n3A, %slice3A_272, %dot_general3A_273 {dimension_numbers = #tpu.dot_dimension_numbers<[1], [1], [0], [0], [0, 0, 1, 0], [], []>, transpose_lhs_hint = false} : vector<128x128xf32>, vector<32x128xf32>, vector<128x32xf32> -> vector<128x32xf32>
    %swap3A_275 = arith.constant 5760 : index
    %swap3A_276 = arith.constant 0 : index
    %swap3A_277 = vector.load %arg5[%swap3A_275, %swap3A_276] : memref<8192x128xf32, #tpu.memory_space<vmem>>, vector<128x32xf32>
    tpu.vector_store %arg5[%swap3A_275, %swap3A_276], %dot_general3A_274 {strides = array<i32>} : memref<8192x128xf32, #tpu.memory_space<vmem>>, vector<128x32xf32>,
    %slice3A_278 = vector.extract_strided_slice %get3A_4 {offsets = [0, 5888], sizes = [32, 128], strides = [1, 1]} : vector<32x8192xf32> to vector<32x128xf32>
    %dot_general3A_279 = arith.constant dense<0.000000e+00> : vector<128x32xf32>
    %dot_general3A_280 = tpu.matmul %select_n3A, %slice3A_278, %dot_general3A_279 {dimension_numbers = #tpu.dot_dimension_numbers<[1], [1], [0], [0], [0, 0, 1, 0], [], []>, transpose_lhs_hint = false} : vector<128x128xf32>, vector<32x128xf32>, vector<128x32xf32> -> vector<128x32xf32>
    %swap3A_281 = arith.constant 5888 : index
    %swap3A_282 = arith.constant 0 : index
    %swap3A_283 = vector.load %arg5[%swap3A_281, %swap3A_282] : memref<8192x128xf32, #tpu.memory_space<vmem>>, vector<128x32xf32>
    tpu.vector_store %arg5[%swap3A_281, %swap3A_282], %dot_general3A_280 {strides = array<i32>} : memref<8192x128xf32, #tpu.memory_space<vmem>>, vector<128x32xf32>,
    %slice3A_284 = vector.extract_strided_slice %get3A_4 {offsets = [0, 6016], sizes = [32, 128], strides = [1, 1]} : vector<32x8192xf32> to vector<32x128xf32>
    %dot_general3A_285 = arith.constant dense<0.000000e+00> : vector<128x32xf32>
    %dot_general3A_286 = tpu.matmul %select_n3A, %slice3A_284, %dot_general3A_285 {dimension_numbers = #tpu.dot_dimension_numbers<[1], [1], [0], [0], [0, 0, 1, 0], [], []>, transpose_lhs_hint = false} : vector<128x128xf32>, vector<32x128xf32>, vector<128x32xf32> -> vector<128x32xf32>
    %swap3A_287 = arith.constant 6016 : index
    %swap3A_288 = arith.constant 0 : index
    %swap3A_289 = vector.load %arg5[%swap3A_287, %swap3A_288] : memref<8192x128xf32, #tpu.memory_space<vmem>>, vector<128x32xf32>
    tpu.vector_store %arg5[%swap3A_287, %swap3A_288], %dot_general3A_286 {strides = array<i32>} : memref<8192x128xf32, #tpu.memory_space<vmem>>, vector<128x32xf32>,
    %slice3A_290 = vector.extract_strided_slice %get3A_4 {offsets = [0, 6144], sizes = [32, 128], strides = [1, 1]} : vector<32x8192xf32> to vector<32x128xf32>
    %dot_general3A_291 = arith.constant dense<0.000000e+00> : vector<128x32xf32>
    %dot_general3A_292 = tpu.matmul %select_n3A, %slice3A_290, %dot_general3A_291 {dimension_numbers = #tpu.dot_dimension_numbers<[1], [1], [0], [0], [0, 0, 1, 0], [], []>, transpose_lhs_hint = false} : vector<128x128xf32>, vector<32x128xf32>, vector<128x32xf32> -> vector<128x32xf32>
    %swap3A_293 = arith.constant 6144 : index
    %swap3A_294 = arith.constant 0 : index
    %swap3A_295 = vector.load %arg5[%swap3A_293, %swap3A_294] : memref<8192x128xf32, #tpu.memory_space<vmem>>, vector<128x32xf32>
    tpu.vector_store %arg5[%swap3A_293, %swap3A_294], %dot_general3A_292 {strides = array<i32>} : memref<8192x128xf32, #tpu.memory_space<vmem>>, vector<128x32xf32>,
    %slice3A_296 = vector.extract_strided_slice %get3A_4 {offsets = [0, 6272], sizes = [32, 128], strides = [1, 1]} : vector<32x8192xf32> to vector<32x128xf32>
    %dot_general3A_297 = arith.constant dense<0.000000e+00> : vector<128x32xf32>
    %dot_general3A_298 = tpu.matmul %select_n3A, %slice3A_296, %dot_general3A_297 {dimension_numbers = #tpu.dot_dimension_numbers<[1], [1], [0], [0], [0, 0, 1, 0], [], []>, transpose_lhs_hint = false} : vector<128x128xf32>, vector<32x128xf32>, vector<128x32xf32> -> vector<128x32xf32>
    %swap3A_299 = arith.constant 6272 : index
    %swap3A_300 = arith.constant 0 : index
    %swap3A_301 = vector.load %arg5[%swap3A_299, %swap3A_300] : memref<8192x128xf32, #tpu.memory_space<vmem>>, vector<128x32xf32>
    tpu.vector_store %arg5[%swap3A_299, %swap3A_300], %dot_general3A_298 {strides = array<i32>} : memref<8192x128xf32, #tpu.memory_space<vmem>>, vector<128x32xf32>,
    %slice3A_302 = vector.extract_strided_slice %get3A_4 {offsets = [0, 6400], sizes = [32, 128], strides = [1, 1]} : vector<32x8192xf32> to vector<32x128xf32>
    %dot_general3A_303 = arith.constant dense<0.000000e+00> : vector<128x32xf32>
    %dot_general3A_304 = tpu.matmul %select_n3A, %slice3A_302, %dot_general3A_303 {dimension_numbers = #tpu.dot_dimension_numbers<[1], [1], [0], [0], [0, 0, 1, 0], [], []>, transpose_lhs_hint = false} : vector<128x128xf32>, vector<32x128xf32>, vector<128x32xf32> -> vector<128x32xf32>
    %swap3A_305 = arith.constant 6400 : index
    %swap3A_306 = arith.constant 0 : index
    %swap3A_307 = vector.load %arg5[%swap3A_305, %swap3A_306] : memref<8192x128xf32, #tpu.memory_space<vmem>>, vector<128x32xf32>
    tpu.vector_store %arg5[%swap3A_305, %swap3A_306], %dot_general3A_304 {strides = array<i32>} : memref<8192x128xf32, #tpu.memory_space<vmem>>, vector<128x32xf32>,
    %slice3A_308 = vector.extract_strided_slice %get3A_4 {offsets = [0, 6528], sizes = [32, 128], strides = [1, 1]} : vector<32x8192xf32> to vector<32x128xf32>
    %dot_general3A_309 = arith.constant dense<0.000000e+00> : vector<128x32xf32>
    %dot_general3A_310 = tpu.matmul %select_n3A, %slice3A_308, %dot_general3A_309 {dimension_numbers = #tpu.dot_dimension_numbers<[1], [1], [0], [0], [0, 0, 1, 0], [], []>, transpose_lhs_hint = false} : vector<128x128xf32>, vector<32x128xf32>, vector<128x32xf32> -> vector<128x32xf32>
    %swap3A_311 = arith.constant 6528 : index
    %swap3A_312 = arith.constant 0 : index
    %swap3A_313 = vector.load %arg5[%swap3A_311, %swap3A_312] : memref<8192x128xf32, #tpu.memory_space<vmem>>, vector<128x32xf32>
    tpu.vector_store %arg5[%swap3A_311, %swap3A_312], %dot_general3A_310 {strides = array<i32>} : memref<8192x128xf32, #tpu.memory_space<vmem>>, vector<128x32xf32>,
    %slice3A_314 = vector.extract_strided_slice %get3A_4 {offsets = [0, 6656], sizes = [32, 128], strides = [1, 1]} : vector<32x8192xf32> to vector<32x128xf32>
    %dot_general3A_315 = arith.constant dense<0.000000e+00> : vector<128x32xf32>
    %dot_general3A_316 = tpu.matmul %select_n3A, %slice3A_314, %dot_general3A_315 {dimension_numbers = #tpu.dot_dimension_numbers<[1], [1], [0], [0], [0, 0, 1, 0], [], []>, transpose_lhs_hint = false} : vector<128x128xf32>, vector<32x128xf32>, vector<128x32xf32> -> vector<128x32xf32>
    %swap3A_317 = arith.constant 6656 : index
    %swap3A_318 = arith.constant 0 : index
    %swap3A_319 = vector.load %arg5[%swap3A_317, %swap3A_318] : memref<8192x128xf32, #tpu.memory_space<vmem>>, vector<128x32xf32>
    tpu.vector_store %arg5[%swap3A_317, %swap3A_318], %dot_general3A_316 {strides = array<i32>} : memref<8192x128xf32, #tpu.memory_space<vmem>>, vector<128x32xf32>,
    %slice3A_320 = vector.extract_strided_slice %get3A_4 {offsets = [0, 6784], sizes = [32, 128], strides = [1, 1]} : vector<32x8192xf32> to vector<32x128xf32>
    %dot_general3A_321 = arith.constant dense<0.000000e+00> : vector<128x32xf32>
    %dot_general3A_322 = tpu.matmul %select_n3A, %slice3A_320, %dot_general3A_321 {dimension_numbers = #tpu.dot_dimension_numbers<[1], [1], [0], [0], [0, 0, 1, 0], [], []>, transpose_lhs_hint = false} : vector<128x128xf32>, vector<32x128xf32>, vector<128x32xf32> -> vector<128x32xf32>
    %swap3A_323 = arith.constant 6784 : index
    %swap3A_324 = arith.constant 0 : index
    %swap3A_325 = vector.load %arg5[%swap3A_323, %swap3A_324] : memref<8192x128xf32, #tpu.memory_space<vmem>>, vector<128x32xf32>
    tpu.vector_store %arg5[%swap3A_323, %swap3A_324], %dot_general3A_322 {strides = array<i32>} : memref<8192x128xf32, #tpu.memory_space<vmem>>, vector<128x32xf32>,
    %slice3A_326 = vector.extract_strided_slice %get3A_4 {offsets = [0, 6912], sizes = [32, 128], strides = [1, 1]} : vector<32x8192xf32> to vector<32x128xf32>
    %dot_general3A_327 = arith.constant dense<0.000000e+00> : vector<128x32xf32>
    %dot_general3A_328 = tpu.matmul %select_n3A, %slice3A_326, %dot_general3A_327 {dimension_numbers = #tpu.dot_dimension_numbers<[1], [1], [0], [0], [0, 0, 1, 0], [], []>, transpose_lhs_hint = false} : vector<128x128xf32>, vector<32x128xf32>, vector<128x32xf32> -> vector<128x32xf32>
    %swap3A_329 = arith.constant 6912 : index
    %swap3A_330 = arith.constant 0 : index
    %swap3A_331 = vector.load %arg5[%swap3A_329, %swap3A_330] : memref<8192x128xf32, #tpu.memory_space<vmem>>, vector<128x32xf32>
    tpu.vector_store %arg5[%swap3A_329, %swap3A_330], %dot_general3A_328 {strides = array<i32>} : memref<8192x128xf32, #tpu.memory_space<vmem>>, vector<128x32xf32>,
    %slice3A_332 = vector.extract_strided_slice %get3A_4 {offsets = [0, 7040], sizes = [32, 128], strides = [1, 1]} : vector<32x8192xf32> to vector<32x128xf32>
    %dot_general3A_333 = arith.constant dense<0.000000e+00> : vector<128x32xf32>
    %dot_general3A_334 = tpu.matmul %select_n3A, %slice3A_332, %dot_general3A_333 {dimension_numbers = #tpu.dot_dimension_numbers<[1], [1], [0], [0], [0, 0, 1, 0], [], []>, transpose_lhs_hint = false} : vector<128x128xf32>, vector<32x128xf32>, vector<128x32xf32> -> vector<128x32xf32>
    %swap3A_335 = arith.constant 7040 : index
    %swap3A_336 = arith.constant 0 : index
    %swap3A_337 = vector.load %arg5[%swap3A_335, %swap3A_336] : memref<8192x128xf32, #tpu.memory_space<vmem>>, vector<128x32xf32>
    tpu.vector_store %arg5[%swap3A_335, %swap3A_336], %dot_general3A_334 {strides = array<i32>} : memref<8192x128xf32, #tpu.memory_space<vmem>>, vector<128x32xf32>,
    %slice3A_338 = vector.extract_strided_slice %get3A_4 {offsets = [0, 7168], sizes = [32, 128], strides = [1, 1]} : vector<32x8192xf32> to vector<32x128xf32>
    %dot_general3A_339 = arith.constant dense<0.000000e+00> : vector<128x32xf32>
    %dot_general3A_340 = tpu.matmul %select_n3A, %slice3A_338, %dot_general3A_339 {dimension_numbers = #tpu.dot_dimension_numbers<[1], [1], [0], [0], [0, 0, 1, 0], [], []>, transpose_lhs_hint = false} : vector<128x128xf32>, vector<32x128xf32>, vector<128x32xf32> -> vector<128x32xf32>
    %swap3A_341 = arith.constant 7168 : index
    %swap3A_342 = arith.constant 0 : index
    %swap3A_343 = vector.load %arg5[%swap3A_341, %swap3A_342] : memref<8192x128xf32, #tpu.memory_space<vmem>>, vector<128x32xf32>
    tpu.vector_store %arg5[%swap3A_341, %swap3A_342], %dot_general3A_340 {strides = array<i32>} : memref<8192x128xf32, #tpu.memory_space<vmem>>, vector<128x32xf32>,
    %slice3A_344 = vector.extract_strided_slice %get3A_4 {offsets = [0, 7296], sizes = [32, 128], strides = [1, 1]} : vector<32x8192xf32> to vector<32x128xf32>
    %dot_general3A_345 = arith.constant dense<0.000000e+00> : vector<128x32xf32>
    %dot_general3A_346 = tpu.matmul %select_n3A, %slice3A_344, %dot_general3A_345 {dimension_numbers = #tpu.dot_dimension_numbers<[1], [1], [0], [0], [0, 0, 1, 0], [], []>, transpose_lhs_hint = false} : vector<128x128xf32>, vector<32x128xf32>, vector<128x32xf32> -> vector<128x32xf32>
    %swap3A_347 = arith.constant 7296 : index
    %swap3A_348 = arith.constant 0 : index
    %swap3A_349 = vector.load %arg5[%swap3A_347, %swap3A_348] : memref<8192x128xf32, #tpu.memory_space<vmem>>, vector<128x32xf32>
    tpu.vector_store %arg5[%swap3A_347, %swap3A_348], %dot_general3A_346 {strides = array<i32>} : memref<8192x128xf32, #tpu.memory_space<vmem>>, vector<128x32xf32>,
    %slice3A_350 = vector.extract_strided_slice %get3A_4 {offsets = [0, 7424], sizes = [32, 128], strides = [1, 1]} : vector<32x8192xf32> to vector<32x128xf32>
    %dot_general3A_351 = arith.constant dense<0.000000e+00> : vector<128x32xf32>
    %dot_general3A_352 = tpu.matmul %select_n3A, %slice3A_350, %dot_general3A_351 {dimension_numbers = #tpu.dot_dimension_numbers<[1], [1], [0], [0], [0, 0, 1, 0], [], []>, transpose_lhs_hint = false} : vector<128x128xf32>, vector<32x128xf32>, vector<128x32xf32> -> vector<128x32xf32>
    %swap3A_353 = arith.constant 7424 : index
    %swap3A_354 = arith.constant 0 : index
    %swap3A_355 = vector.load %arg5[%swap3A_353, %swap3A_354] : memref<8192x128xf32, #tpu.memory_space<vmem>>, vector<128x32xf32>
    tpu.vector_store %arg5[%swap3A_353, %swap3A_354], %dot_general3A_352 {strides = array<i32>} : memref<8192x128xf32, #tpu.memory_space<vmem>>, vector<128x32xf32>,
    %slice3A_356 = vector.extract_strided_slice %get3A_4 {offsets = [0, 7552], sizes = [32, 128], strides = [1, 1]} : vector<32x8192xf32> to vector<32x128xf32>
    %dot_general3A_357 = arith.constant dense<0.000000e+00> : vector<128x32xf32>
    %dot_general3A_358 = tpu.matmul %select_n3A, %slice3A_356, %dot_general3A_357 {dimension_numbers = #tpu.dot_dimension_numbers<[1], [1], [0], [0], [0, 0, 1, 0], [], []>, transpose_lhs_hint = false} : vector<128x128xf32>, vector<32x128xf32>, vector<128x32xf32> -> vector<128x32xf32>
    %swap3A_359 = arith.constant 7552 : index
    %swap3A_360 = arith.constant 0 : index
    %swap3A_361 = vector.load %arg5[%swap3A_359, %swap3A_360] : memref<8192x128xf32, #tpu.memory_space<vmem>>, vector<128x32xf32>
    tpu.vector_store %arg5[%swap3A_359, %swap3A_360], %dot_general3A_358 {strides = array<i32>} : memref<8192x128xf32, #tpu.memory_space<vmem>>, vector<128x32xf32>,
    %slice3A_362 = vector.extract_strided_slice %get3A_4 {offsets = [0, 7680], sizes = [32, 128], strides = [1, 1]} : vector<32x8192xf32> to vector<32x128xf32>
    %dot_general3A_363 = arith.constant dense<0.000000e+00> : vector<128x32xf32>
    %dot_general3A_364 = tpu.matmul %select_n3A, %slice3A_362, %dot_general3A_363 {dimension_numbers = #tpu.dot_dimension_numbers<[1], [1], [0], [0], [0, 0, 1, 0], [], []>, transpose_lhs_hint = false} : vector<128x128xf32>, vector<32x128xf32>, vector<128x32xf32> -> vector<128x32xf32>
    %swap3A_365 = arith.constant 7680 : index
    %swap3A_366 = arith.constant 0 : index
    %swap3A_367 = vector.load %arg5[%swap3A_365, %swap3A_366] : memref<8192x128xf32, #tpu.memory_space<vmem>>, vector<128x32xf32>
    tpu.vector_store %arg5[%swap3A_365, %swap3A_366], %dot_general3A_364 {strides = array<i32>} : memref<8192x128xf32, #tpu.memory_space<vmem>>, vector<128x32xf32>,
    %slice3A_368 = vector.extract_strided_slice %get3A_4 {offsets = [0, 7808], sizes = [32, 128], strides = [1, 1]} : vector<32x8192xf32> to vector<32x128xf32>
    %dot_general3A_369 = arith.constant dense<0.000000e+00> : vector<128x32xf32>
    %dot_general3A_370 = tpu.matmul %select_n3A, %slice3A_368, %dot_general3A_369 {dimension_numbers = #tpu.dot_dimension_numbers<[1], [1], [0], [0], [0, 0, 1, 0], [], []>, transpose_lhs_hint = false} : vector<128x128xf32>, vector<32x128xf32>, vector<128x32xf32> -> vector<128x32xf32>
    %swap3A_371 = arith.constant 7808 : index
    %swap3A_372 = arith.constant 0 : index
    %swap3A_373 = vector.load %arg5[%swap3A_371, %swap3A_372] : memref<8192x128xf32, #tpu.memory_space<vmem>>, vector<128x32xf32>
    tpu.vector_store %arg5[%swap3A_371, %swap3A_372], %dot_general3A_370 {strides = array<i32>} : memref<8192x128xf32, #tpu.memory_space<vmem>>, vector<128x32xf32>,
    %slice3A_374 = vector.extract_strided_slice %get3A_4 {offsets = [0, 7936], sizes = [32, 128], strides = [1, 1]} : vector<32x8192xf32> to vector<32x128xf32>
    %dot_general3A_375 = arith.constant dense<0.000000e+00> : vector<128x32xf32>
    %dot_general3A_376 = tpu.matmul %select_n3A, %slice3A_374, %dot_general3A_375 {dimension_numbers = #tpu.dot_dimension_numbers<[1], [1], [0], [0], [0, 0, 1, 0], [], []>, transpose_lhs_hint = false} : vector<128x128xf32>, vector<32x128xf32>, vector<128x32xf32> -> vector<128x32xf32>
    %swap3A_377 = arith.constant 7936 : index
    %swap3A_378 = arith.constant 0 : index
    %swap3A_379 = vector.load %arg5[%swap3A_377, %swap3A_378] : memref<8192x128xf32, #tpu.memory_space<vmem>>, vector<128x32xf32>
    tpu.vector_store %arg5[%swap3A_377, %swap3A_378], %dot_general3A_376 {strides = array<i32>} : memref<8192x128xf32, #tpu.memory_space<vmem>>, vector<128x32xf32>,
    %slice3A_380 = vector.extract_strided_slice %get3A_4 {offsets = [0, 8064], sizes = [32, 128], strides = [1, 1]} : vector<32x8192xf32> to vector<32x128xf32>
    %dot_general3A_381 = arith.constant dense<0.000000e+00> : vector<128x32xf32>
    %dot_general3A_382 = tpu.matmul %select_n3A, %slice3A_380, %dot_general3A_381 {dimension_numbers = #tpu.dot_dimension_numbers<[1], [1], [0], [0], [0, 0, 1, 0], [], []>, transpose_lhs_hint = false} : vector<128x128xf32>, vector<32x128xf32>, vector<128x32xf32> -> vector<128x32xf32>
    %swap3A_383 = arith.constant 8064 : index
    %swap3A_384 = arith.constant 0 : index
    %swap3A_385 = vector.load %arg5[%swap3A_383, %swap3A_384] : memref<8192x128xf32, #tpu.memory_space<vmem>>, vector<128x32xf32>
    tpu.vector_store %arg5[%swap3A_383, %swap3A_384], %dot_general3A_382 {strides = array<i32>} : memref<8192x128xf32, #tpu.memory_space<vmem>>, vector<128x32xf32>,
    %get3A_386 = arith.constant 0 : index
    %get3A_387 = arith.constant 0 : index
    %get3A_388 = vector.load %arg2[%get3A_386, %get3A_387] : memref<32x8192xf32, #tpu.memory_space<vmem>>, vector<32x8192xf32>
    %slice3A_389 = vector.extract_strided_slice %get3A_388 {offsets = [0, 0], sizes = [32, 128], strides = [1, 1]} : vector<32x8192xf32> to vector<32x128xf32>
    %dot_general3A_390 = arith.constant dense<0.000000e+00> : vector<128x32xf32>
    %dot_general3A_391 = tpu.matmul %select_n3A, %slice3A_389, %dot_general3A_390 {dimension_numbers = #tpu.dot_dimension_numbers<[1], [1], [0], [0], [0, 0, 1, 0], [], []>, transpose_lhs_hint = false} : vector<128x128xf32>, vector<32x128xf32>, vector<128x32xf32> -> vector<128x32xf32>
    %swap3A_392 = arith.constant 0 : index
    %swap3A_393 = arith.constant 32 : index
    %swap3A_394 = vector.load %arg5[%swap3A_392, %swap3A_393] : memref<8192x128xf32, #tpu.memory_space<vmem>>, vector<128x32xf32>
    tpu.vector_store %arg5[%swap3A_392, %swap3A_393], %dot_general3A_391 {strides = array<i32>} : memref<8192x128xf32, #tpu.memory_space<vmem>>, vector<128x32xf32>,
    %slice3A_395 = vector.extract_strided_slice %get3A_388 {offsets = [0, 128], sizes = [32, 128], strides = [1, 1]} : vector<32x8192xf32> to vector<32x128xf32>
    %dot_general3A_396 = arith.constant dense<0.000000e+00> : vector<128x32xf32>
    %dot_general3A_397 = tpu.matmul %select_n3A, %slice3A_395, %dot_general3A_396 {dimension_numbers = #tpu.dot_dimension_numbers<[1], [1], [0], [0], [0, 0, 1, 0], [], []>, transpose_lhs_hint = false} : vector<128x128xf32>, vector<32x128xf32>, vector<128x32xf32> -> vector<128x32xf32>
    %swap3A_398 = arith.constant 128 : index
    %swap3A_399 = arith.constant 32 : index
    %swap3A_400 = vector.load %arg5[%swap3A_398, %swap3A_399] : memref<8192x128xf32, #tpu.memory_space<vmem>>, vector<128x32xf32>
    tpu.vector_store %arg5[%swap3A_398, %swap3A_399], %dot_general3A_397 {strides = array<i32>} : memref<8192x128xf32, #tpu.memory_space<vmem>>, vector<128x32xf32>,
    %slice3A_401 = vector.extract_strided_slice %get3A_388 {offsets = [0, 256], sizes = [32, 128], strides = [1, 1]} : vector<32x8192xf32> to vector<32x128xf32>
    %dot_general3A_402 = arith.constant dense<0.000000e+00> : vector<128x32xf32>
    %dot_general3A_403 = tpu.matmul %select_n3A, %slice3A_401, %dot_general3A_402 {dimension_numbers = #tpu.dot_dimension_numbers<[1], [1], [0], [0], [0, 0, 1, 0], [], []>, transpose_lhs_hint = false} : vector<128x128xf32>, vector<32x128xf32>, vector<128x32xf32> -> vector<128x32xf32>
    %swap3A_404 = arith.constant 256 : index
    %swap3A_405 = arith.constant 32 : index
    %swap3A_406 = vector.load %arg5[%swap3A_404, %swap3A_405] : memref<8192x128xf32, #tpu.memory_space<vmem>>, vector<128x32xf32>
    tpu.vector_store %arg5[%swap3A_404, %swap3A_405], %dot_general3A_403 {strides = array<i32>} : memref<8192x128xf32, #tpu.memory_space<vmem>>, vector<128x32xf32>,
    %slice3A_407 = vector.extract_strided_slice %get3A_388 {offsets = [0, 384], sizes = [32, 128], strides = [1, 1]} : vector<32x8192xf32> to vector<32x128xf32>
    %dot_general3A_408 = arith.constant dense<0.000000e+00> : vector<128x32xf32>
    %dot_general3A_409 = tpu.matmul %select_n3A, %slice3A_407, %dot_general3A_408 {dimension_numbers = #tpu.dot_dimension_numbers<[1], [1], [0], [0], [0, 0, 1, 0], [], []>, transpose_lhs_hint = false} : vector<128x128xf32>, vector<32x128xf32>, vector<128x32xf32> -> vector<128x32xf32>
    %swap3A_410 = arith.constant 384 : index
    %swap3A_411 = arith.constant 32 : index
    %swap3A_412 = vector.load %arg5[%swap3A_410, %swap3A_411] : memref<8192x128xf32, #tpu.memory_space<vmem>>, vector<128x32xf32>
    tpu.vector_store %arg5[%swap3A_410, %swap3A_411], %dot_general3A_409 {strides = array<i32>} : memref<8192x128xf32, #tpu.memory_space<vmem>>, vector<128x32xf32>,
    %slice3A_413 = vector.extract_strided_slice %get3A_388 {offsets = [0, 512], sizes = [32, 128], strides = [1, 1]} : vector<32x8192xf32> to vector<32x128xf32>
    %dot_general3A_414 = arith.constant dense<0.000000e+00> : vector<128x32xf32>
    %dot_general3A_415 = tpu.matmul %select_n3A, %slice3A_413, %dot_general3A_414 {dimension_numbers = #tpu.dot_dimension_numbers<[1], [1], [0], [0], [0, 0, 1, 0], [], []>, transpose_lhs_hint = false} : vector<128x128xf32>, vector<32x128xf32>, vector<128x32xf32> -> vector<128x32xf32>
    %swap3A_416 = arith.constant 512 : index
    %swap3A_417 = arith.constant 32 : index
    %swap3A_418 = vector.load %arg5[%swap3A_416, %swap3A_417] : memref<8192x128xf32, #tpu.memory_space<vmem>>, vector<128x32xf32>
    tpu.vector_store %arg5[%swap3A_416, %swap3A_417], %dot_general3A_415 {strides = array<i32>} : memref<8192x128xf32, #tpu.memory_space<vmem>>, vector<128x32xf32>,
    %slice3A_419 = vector.extract_strided_slice %get3A_388 {offsets = [0, 640], sizes = [32, 128], strides = [1, 1]} : vector<32x8192xf32> to vector<32x128xf32>
    %dot_general3A_420 = arith.constant dense<0.000000e+00> : vector<128x32xf32>
    %dot_general3A_421 = tpu.matmul %select_n3A, %slice3A_419, %dot_general3A_420 {dimension_numbers = #tpu.dot_dimension_numbers<[1], [1], [0], [0], [0, 0, 1, 0], [], []>, transpose_lhs_hint = false} : vector<128x128xf32>, vector<32x128xf32>, vector<128x32xf32> -> vector<128x32xf32>
    %swap3A_422 = arith.constant 640 : index
    %swap3A_423 = arith.constant 32 : index
    %swap3A_424 = vector.load %arg5[%swap3A_422, %swap3A_423] : memref<8192x128xf32, #tpu.memory_space<vmem>>, vector<128x32xf32>
    tpu.vector_store %arg5[%swap3A_422, %swap3A_423], %dot_general3A_421 {strides = array<i32>} : memref<8192x128xf32, #tpu.memory_space<vmem>>, vector<128x32xf32>,
    %slice3A_425 = vector.extract_strided_slice %get3A_388 {offsets = [0, 768], sizes = [32, 128], strides = [1, 1]} : vector<32x8192xf32> to vector<32x128xf32>
    %dot_general3A_426 = arith.constant dense<0.000000e+00> : vector<128x32xf32>
    %dot_general3A_427 = tpu.matmul %select_n3A, %slice3A_425, %dot_general3A_426 {dimension_numbers = #tpu.dot_dimension_numbers<[1], [1], [0], [0], [0, 0, 1, 0], [], []>, transpose_lhs_hint = false} : vector<128x128xf32>, vector<32x128xf32>, vector<128x32xf32> -> vector<128x32xf32>
    %swap3A_428 = arith.constant 768 : index
    %swap3A_429 = arith.constant 32 : index
    %swap3A_430 = vector.load %arg5[%swap3A_428, %swap3A_429] : memref<8192x128xf32, #tpu.memory_space<vmem>>, vector<128x32xf32>
    tpu.vector_store %arg5[%swap3A_428, %swap3A_429], %dot_general3A_427 {strides = array<i32>} : memref<8192x128xf32, #tpu.memory_space<vmem>>, vector<128x32xf32>,
    %slice3A_431 = vector.extract_strided_slice %get3A_388 {offsets = [0, 896], sizes = [32, 128], strides = [1, 1]} : vector<32x8192xf32> to vector<32x128xf32>
    %dot_general3A_432 = arith.constant dense<0.000000e+00> : vector<128x32xf32>
    %dot_general3A_433 = tpu.matmul %select_n3A, %slice3A_431, %dot_general3A_432 {dimension_numbers = #tpu.dot_dimension_numbers<[1], [1], [0], [0], [0, 0, 1, 0], [], []>, transpose_lhs_hint = false} : vector<128x128xf32>, vector<32x128xf32>, vector<128x32xf32> -> vector<128x32xf32>
    %swap3A_434 = arith.constant 896 : index
    %swap3A_435 = arith.constant 32 : index
    %swap3A_436 = vector.load %arg5[%swap3A_434, %swap3A_435] : memref<8192x128xf32, #tpu.memory_space<vmem>>, vector<128x32xf32>
    tpu.vector_store %arg5[%swap3A_434, %swap3A_435], %dot_general3A_433 {strides = array<i32>} : memref<8192x128xf32, #tpu.memory_space<vmem>>, vector<128x32xf32>,
    %slice3A_437 = vector.extract_strided_slice %get3A_388 {offsets = [0, 1024], sizes = [32, 128], strides = [1, 1]} : vector<32x8192xf32> to vector<32x128xf32>
    %dot_general3A_438 = arith.constant dense<0.000000e+00> : vector<128x32xf32>
    %dot_general3A_439 = tpu.matmul %select_n3A, %slice3A_437, %dot_general3A_438 {dimension_numbers = #tpu.dot_dimension_numbers<[1], [1], [0], [0], [0, 0, 1, 0], [], []>, transpose_lhs_hint = false} : vector<128x128xf32>, vector<32x128xf32>, vector<128x32xf32> -> vector<128x32xf32>
    %swap3A_440 = arith.constant 1024 : index
    %swap3A_441 = arith.constant 32 : index
    %swap3A_442 = vector.load %arg5[%swap3A_440, %swap3A_441] : memref<8192x128xf32, #tpu.memory_space<vmem>>, vector<128x32xf32>
    tpu.vector_store %arg5[%swap3A_440, %swap3A_441], %dot_general3A_439 {strides = array<i32>} : memref<8192x128xf32, #tpu.memory_space<vmem>>, vector<128x32xf32>,
    %slice3A_443 = vector.extract_strided_slice %get3A_388 {offsets = [0, 1152], sizes = [32, 128], strides = [1, 1]} : vector<32x8192xf32> to vector<32x128xf32>
    %dot_general3A_444 = arith.constant dense<0.000000e+00> : vector<128x32xf32>
    %dot_general3A_445 = tpu.matmul %select_n3A, %slice3A_443, %dot_general3A_444 {dimension_numbers = #tpu.dot_dimension_numbers<[1], [1], [0], [0], [0, 0, 1, 0], [], []>, transpose_lhs_hint = false} : vector<128x128xf32>, vector<32x128xf32>, vector<128x32xf32> -> vector<128x32xf32>
    %swap3A_446 = arith.constant 1152 : index
    %swap3A_447 = arith.constant 32 : index
    %swap3A_448 = vector.load %arg5[%swap3A_446, %swap3A_447] : memref<8192x128xf32, #tpu.memory_space<vmem>>, vector<128x32xf32>
    tpu.vector_store %arg5[%swap3A_446, %swap3A_447], %dot_general3A_445 {strides = array<i32>} : memref<8192x128xf32, #tpu.memory_space<vmem>>, vector<128x32xf32>,
    %slice3A_449 = vector.extract_strided_slice %get3A_388 {offsets = [0, 1280], sizes = [32, 128], strides = [1, 1]} : vector<32x8192xf32> to vector<32x128xf32>
    %dot_general3A_450 = arith.constant dense<0.000000e+00> : vector<128x32xf32>
    %dot_general3A_451 = tpu.matmul %select_n3A, %slice3A_449, %dot_general3A_450 {dimension_numbers = #tpu.dot_dimension_numbers<[1], [1], [0], [0], [0, 0, 1, 0], [], []>, transpose_lhs_hint = false} : vector<128x128xf32>, vector<32x128xf32>, vector<128x32xf32> -> vector<128x32xf32>
    %swap3A_452 = arith.constant 1280 : index
    %swap3A_453 = arith.constant 32 : index
    %swap3A_454 = vector.load %arg5[%swap3A_452, %swap3A_453] : memref<8192x128xf32, #tpu.memory_space<vmem>>, vector<128x32xf32>
    tpu.vector_store %arg5[%swap3A_452, %swap3A_453], %dot_general3A_451 {strides = array<i32>} : memref<8192x128xf32, #tpu.memory_space<vmem>>, vector<128x32xf32>,
    %slice3A_455 = vector.extract_strided_slice %get3A_388 {offsets = [0, 1408], sizes = [32, 128], strides = [1, 1]} : vector<32x8192xf32> to vector<32x128xf32>
    %dot_general3A_456 = arith.constant dense<0.000000e+00> : vector<128x32xf32>
    %dot_general3A_457 = tpu.matmul %select_n3A, %slice3A_455, %dot_general3A_456 {dimension_numbers = #tpu.dot_dimension_numbers<[1], [1], [0], [0], [0, 0, 1, 0], [], []>, transpose_lhs_hint = false} : vector<128x128xf32>, vector<32x128xf32>, vector<128x32xf32> -> vector<128x32xf32>
    %swap3A_458 = arith.constant 1408 : index
    %swap3A_459 = arith.constant 32 : index
    %swap3A_460 = vector.load %arg5[%swap3A_458, %swap3A_459] : memref<8192x128xf32, #tpu.memory_space<vmem>>, vector<128x32xf32>
    tpu.vector_store %arg5[%swap3A_458, %swap3A_459], %dot_general3A_457 {strides = array<i32>} : memref<8192x128xf32, #tpu.memory_space<vmem>>, vector<128x32xf32>,
    %slice3A_461 = vector.extract_strided_slice %get3A_388 {offsets = [0, 1536], sizes = [32, 128], strides = [1, 1]} : vector<32x8192xf32> to vector<32x128xf32>
    %dot_general3A_462 = arith.constant dense<0.000000e+00> : vector<128x32xf32>
    %dot_general3A_463 = tpu.matmul %select_n3A, %slice3A_461, %dot_general3A_462 {dimension_numbers = #tpu.dot_dimension_numbers<[1], [1], [0], [0], [0, 0, 1, 0], [], []>, transpose_lhs_hint = false} : vector<128x128xf32>, vector<32x128xf32>, vector<128x32xf32> -> vector<128x32xf32>
    %swap3A_464 = arith.constant 1536 : index
    %swap3A_465 = arith.constant 32 : index
    %swap3A_466 = vector.load %arg5[%swap3A_464, %swap3A_465] : memref<8192x128xf32, #tpu.memory_space<vmem>>, vector<128x32xf32>
    tpu.vector_store %arg5[%swap3A_464, %swap3A_465], %dot_general3A_463 {strides = array<i32>} : memref<8192x128xf32, #tpu.memory_space<vmem>>, vector<128x32xf32>,
    %slice3A_467 = vector.extract_strided_slice %get3A_388 {offsets = [0, 1664], sizes = [32, 128], strides = [1, 1]} : vector<32x8192xf32> to vector<32x128xf32>
    %dot_general3A_468 = arith.constant dense<0.000000e+00> : vector<128x32xf32>
    %dot_general3A_469 = tpu.matmul %select_n3A, %slice3A_467, %dot_general3A_468 {dimension_numbers = #tpu.dot_dimension_numbers<[1], [1], [0], [0], [0, 0, 1, 0], [], []>, transpose_lhs_hint = false} : vector<128x128xf32>, vector<32x128xf32>, vector<128x32xf32> -> vector<128x32xf32>
    %swap3A_470 = arith.constant 1664 : index
    %swap3A_471 = arith.constant 32 : index
    %swap3A_472 = vector.load %arg5[%swap3A_470, %swap3A_471] : memref<8192x128xf32, #tpu.memory_space<vmem>>, vector<128x32xf32>
    tpu.vector_store %arg5[%swap3A_470, %swap3A_471], %dot_general3A_469 {strides = array<i32>} : memref<8192x128xf32, #tpu.memory_space<vmem>>, vector<128x32xf32>,
    %slice3A_473 = vector.extract_strided_slice %get3A_388 {offsets = [0, 1792], sizes = [32, 128], strides = [1, 1]} : vector<32x8192xf32> to vector<32x128xf32>
    %dot_general3A_474 = arith.constant dense<0.000000e+00> : vector<128x32xf32>
    %dot_general3A_475 = tpu.matmul %select_n3A, %slice3A_473, %dot_general3A_474 {dimension_numbers = #tpu.dot_dimension_numbers<[1], [1], [0], [0], [0, 0, 1, 0], [], []>, transpose_lhs_hint = false} : vector<128x128xf32>, vector<32x128xf32>, vector<128x32xf32> -> vector<128x32xf32>
    %swap3A_476 = arith.constant 1792 : index
    %swap3A_477 = arith.constant 32 : index
    %swap3A_478 = vector.load %arg5[%swap3A_476, %swap3A_477] : memref<8192x128xf32, #tpu.memory_space<vmem>>, vector<128x32xf32>
    tpu.vector_store %arg5[%swap3A_476, %swap3A_477], %dot_general3A_475 {strides = array<i32>} : memref<8192x128xf32, #tpu.memory_space<vmem>>, vector<128x32xf32>,
    %slice3A_479 = vector.extract_strided_slice %get3A_388 {offsets = [0, 1920], sizes = [32, 128], strides = [1, 1]} : vector<32x8192xf32> to vector<32x128xf32>
    %dot_general3A_480 = arith.constant dense<0.000000e+00> : vector<128x32xf32>
    %dot_general3A_481 = tpu.matmul %select_n3A, %slice3A_479, %dot_general3A_480 {dimension_numbers = #tpu.dot_dimension_numbers<[1], [1], [0], [0], [0, 0, 1, 0], [], []>, transpose_lhs_hint = false} : vector<128x128xf32>, vector<32x128xf32>, vector<128x32xf32> -> vector<128x32xf32>
    %swap3A_482 = arith.constant 1920 : index
    %swap3A_483 = arith.constant 32 : index
    %swap3A_484 = vector.load %arg5[%swap3A_482, %swap3A_483] : memref<8192x128xf32, #tpu.memory_space<vmem>>, vector<128x32xf32>
    tpu.vector_store %arg5[%swap3A_482, %swap3A_483], %dot_general3A_481 {strides = array<i32>} : memref<8192x128xf32, #tpu.memory_space<vmem>>, vector<128x32xf32>,
    %slice3A_485 = vector.extract_strided_slice %get3A_388 {offsets = [0, 2048], sizes = [32, 128], strides = [1, 1]} : vector<32x8192xf32> to vector<32x128xf32>
    %dot_general3A_486 = arith.constant dense<0.000000e+00> : vector<128x32xf32>
    %dot_general3A_487 = tpu.matmul %select_n3A, %slice3A_485, %dot_general3A_486 {dimension_numbers = #tpu.dot_dimension_numbers<[1], [1], [0], [0], [0, 0, 1, 0], [], []>, transpose_lhs_hint = false} : vector<128x128xf32>, vector<32x128xf32>, vector<128x32xf32> -> vector<128x32xf32>
    %swap3A_488 = arith.constant 2048 : index
    %swap3A_489 = arith.constant 32 : index
    %swap3A_490 = vector.load %arg5[%swap3A_488, %swap3A_489] : memref<8192x128xf32, #tpu.memory_space<vmem>>, vector<128x32xf32>
    tpu.vector_store %arg5[%swap3A_488, %swap3A_489], %dot_general3A_487 {strides = array<i32>} : memref<8192x128xf32, #tpu.memory_space<vmem>>, vector<128x32xf32>,
    %slice3A_491 = vector.extract_strided_slice %get3A_388 {offsets = [0, 2176], sizes = [32, 128], strides = [1, 1]} : vector<32x8192xf32> to vector<32x128xf32>
    %dot_general3A_492 = arith.constant dense<0.000000e+00> : vector<128x32xf32>
    %dot_general3A_493 = tpu.matmul %select_n3A, %slice3A_491, %dot_general3A_492 {dimension_numbers = #tpu.dot_dimension_numbers<[1], [1], [0], [0], [0, 0, 1, 0], [], []>, transpose_lhs_hint = false} : vector<128x128xf32>, vector<32x128xf32>, vector<128x32xf32> -> vector<128x32xf32>
    %swap3A_494 = arith.constant 2176 : index
    %swap3A_495 = arith.constant 32 : index
    %swap3A_496 = vector.load %arg5[%swap3A_494, %swap3A_495] : memref<8192x128xf32, #tpu.memory_space<vmem>>, vector<128x32xf32>
    tpu.vector_store %arg5[%swap3A_494, %swap3A_495], %dot_general3A_493 {strides = array<i32>} : memref<8192x128xf32, #tpu.memory_space<vmem>>, vector<128x32xf32>,
    %slice3A_497 = vector.extract_strided_slice %get3A_388 {offsets = [0, 2304], sizes = [32, 128], strides = [1, 1]} : vector<32x8192xf32> to vector<32x128xf32>
    %dot_general3A_498 = arith.constant dense<0.000000e+00> : vector<128x32xf32>
    %dot_general3A_499 = tpu.matmul %select_n3A, %slice3A_497, %dot_general3A_498 {dimension_numbers = #tpu.dot_dimension_numbers<[1], [1], [0], [0], [0, 0, 1, 0], [], []>, transpose_lhs_hint = false} : vector<128x128xf32>, vector<32x128xf32>, vector<128x32xf32> -> vector<128x32xf32>
    %swap3A_500 = arith.constant 2304 : index
    %swap3A_501 = arith.constant 32 : index
    %swap3A_502 = vector.load %arg5[%swap3A_500, %swap3A_501] : memref<8192x128xf32, #tpu.memory_space<vmem>>, vector<128x32xf32>
    tpu.vector_store %arg5[%swap3A_500, %swap3A_501], %dot_general3A_499 {strides = array<i32>} : memref<8192x128xf32, #tpu.memory_space<vmem>>, vector<128x32xf32>,
    %slice3A_503 = vector.extract_strided_slice %get3A_388 {offsets = [0, 2432], sizes = [32, 128], strides = [1, 1]} : vector<32x8192xf32> to vector<32x128xf32>
    %dot_general3A_504 = arith.constant dense<0.000000e+00> : vector<128x32xf32>
    %dot_general3A_505 = tpu.matmul %select_n3A, %slice3A_503, %dot_general3A_504 {dimension_numbers = #tpu.dot_dimension_numbers<[1], [1], [0], [0], [0, 0, 1, 0], [], []>, transpose_lhs_hint = false} : vector<128x128xf32>, vector<32x128xf32>, vector<128x32xf32> -> vector<128x32xf32>
    %swap3A_506 = arith.constant 2432 : index
    %swap3A_507 = arith.constant 32 : index
    %swap3A_508 = vector.load %arg5[%swap3A_506, %swap3A_507] : memref<8192x128xf32, #tpu.memory_space<vmem>>, vector<128x32xf32>
    tpu.vector_store %arg5[%swap3A_506, %swap3A_507], %dot_general3A_505 {strides = array<i32>} : memref<8192x128xf32, #tpu.memory_space<vmem>>, vector<128x32xf32>,
    %slice3A_509 = vector.extract_strided_slice %get3A_388 {offsets = [0, 2560], sizes = [32, 128], strides = [1, 1]} : vector<32x8192xf32> to vector<32x128xf32>
    %dot_general3A_510 = arith.constant dense<0.000000e+00> : vector<128x32xf32>
    %dot_general3A_511 = tpu.matmul %select_n3A, %slice3A_509, %dot_general3A_510 {dimension_numbers = #tpu.dot_dimension_numbers<[1], [1], [0], [0], [0, 0, 1, 0], [], []>, transpose_lhs_hint = false} : vector<128x128xf32>, vector<32x128xf32>, vector<128x32xf32> -> vector<128x32xf32>
    %swap3A_512 = arith.constant 2560 : index
    %swap3A_513 = arith.constant 32 : index
    %swap3A_514 = vector.load %arg5[%swap3A_512, %swap3A_513] : memref<8192x128xf32, #tpu.memory_space<vmem>>, vector<128x32xf32>
    tpu.vector_store %arg5[%swap3A_512, %swap3A_513], %dot_general3A_511 {strides = array<i32>} : memref<8192x128xf32, #tpu.memory_space<vmem>>, vector<128x32xf32>,
    %slice3A_515 = vector.extract_strided_slice %get3A_388 {offsets = [0, 2688], sizes = [32, 128], strides = [1, 1]} : vector<32x8192xf32> to vector<32x128xf32>
    %dot_general3A_516 = arith.constant dense<0.000000e+00> : vector<128x32xf32>
    %dot_general3A_517 = tpu.matmul %select_n3A, %slice3A_515, %dot_general3A_516 {dimension_numbers = #tpu.dot_dimension_numbers<[1], [1], [0], [0], [0, 0, 1, 0], [], []>, transpose_lhs_hint = false} : vector<128x128xf32>, vector<32x128xf32>, vector<128x32xf32> -> vector<128x32xf32>
    %swap3A_518 = arith.constant 2688 : index
    %swap3A_519 = arith.constant 32 : index
    %swap3A_520 = vector.load %arg5[%swap3A_518, %swap3A_519] : memref<8192x128xf32, #tpu.memory_space<vmem>>, vector<128x32xf32>
    tpu.vector_store %arg5[%swap3A_518, %swap3A_519], %dot_general3A_517 {strides = array<i32>} : memref<8192x128xf32, #tpu.memory_space<vmem>>, vector<128x32xf32>,
    %slice3A_521 = vector.extract_strided_slice %get3A_388 {offsets = [0, 2816], sizes = [32, 128], strides = [1, 1]} : vector<32x8192xf32> to vector<32x128xf32>
    %dot_general3A_522 = arith.constant dense<0.000000e+00> : vector<128x32xf32>
    %dot_general3A_523 = tpu.matmul %select_n3A, %slice3A_521, %dot_general3A_522 {dimension_numbers = #tpu.dot_dimension_numbers<[1], [1], [0], [0], [0, 0, 1, 0], [], []>, transpose_lhs_hint = false} : vector<128x128xf32>, vector<32x128xf32>, vector<128x32xf32> -> vector<128x32xf32>
    %swap3A_524 = arith.constant 2816 : index
    %swap3A_525 = arith.constant 32 : index
    %swap3A_526 = vector.load %arg5[%swap3A_524, %swap3A_525] : memref<8192x128xf32, #tpu.memory_space<vmem>>, vector<128x32xf32>
    tpu.vector_store %arg5[%swap3A_524, %swap3A_525], %dot_general3A_523 {strides = array<i32>} : memref<8192x128xf32, #tpu.memory_space<vmem>>, vector<128x32xf32>,
    %slice3A_527 = vector.extract_strided_slice %get3A_388 {offsets = [0, 2944], sizes = [32, 128], strides = [1, 1]} : vector<32x8192xf32> to vector<32x128xf32>
    %dot_general3A_528 = arith.constant dense<0.000000e+00> : vector<128x32xf32>
    %dot_general3A_529 = tpu.matmul %select_n3A, %slice3A_527, %dot_general3A_528 {dimension_numbers = #tpu.dot_dimension_numbers<[1], [1], [0], [0], [0, 0, 1, 0], [], []>, transpose_lhs_hint = false} : vector<128x128xf32>, vector<32x128xf32>, vector<128x32xf32> -> vector<128x32xf32>
    %swap3A_530 = arith.constant 2944 : index
    %swap3A_531 = arith.constant 32 : index
    %swap3A_532 = vector.load %arg5[%swap3A_530, %swap3A_531] : memref<8192x128xf32, #tpu.memory_space<vmem>>, vector<128x32xf32>
    tpu.vector_store %arg5[%swap3A_530, %swap3A_531], %dot_general3A_529 {strides = array<i32>} : memref<8192x128xf32, #tpu.memory_space<vmem>>, vector<128x32xf32>,
    %slice3A_533 = vector.extract_strided_slice %get3A_388 {offsets = [0, 3072], sizes = [32, 128], strides = [1, 1]} : vector<32x8192xf32> to vector<32x128xf32>
    %dot_general3A_534 = arith.constant dense<0.000000e+00> : vector<128x32xf32>
    %dot_general3A_535 = tpu.matmul %select_n3A, %slice3A_533, %dot_general3A_534 {dimension_numbers = #tpu.dot_dimension_numbers<[1], [1], [0], [0], [0, 0, 1, 0], [], []>, transpose_lhs_hint = false} : vector<128x128xf32>, vector<32x128xf32>, vector<128x32xf32> -> vector<128x32xf32>
    %swap3A_536 = arith.constant 3072 : index
    %swap3A_537 = arith.constant 32 : index
    %swap3A_538 = vector.load %arg5[%swap3A_536, %swap3A_537] : memref<8192x128xf32, #tpu.memory_space<vmem>>, vector<128x32xf32>
    tpu.vector_store %arg5[%swap3A_536, %swap3A_537], %dot_general3A_535 {strides = array<i32>} : memref<8192x128xf32, #tpu.memory_space<vmem>>, vector<128x32xf32>,
    %slice3A_539 = vector.extract_strided_slice %get3A_388 {offsets = [0, 3200], sizes = [32, 128], strides = [1, 1]} : vector<32x8192xf32> to vector<32x128xf32>
    %dot_general3A_540 = arith.constant dense<0.000000e+00> : vector<128x32xf32>
    %dot_general3A_541 = tpu.matmul %select_n3A, %slice3A_539, %dot_general3A_540 {dimension_numbers = #tpu.dot_dimension_numbers<[1], [1], [0], [0], [0, 0, 1, 0], [], []>, transpose_lhs_hint = false} : vector<128x128xf32>, vector<32x128xf32>, vector<128x32xf32> -> vector<128x32xf32>
    %swap3A_542 = arith.constant 3200 : index
    %swap3A_543 = arith.constant 32 : index
    %swap3A_544 = vector.load %arg5[%swap3A_542, %swap3A_543] : memref<8192x128xf32, #tpu.memory_space<vmem>>, vector<128x32xf32>
    tpu.vector_store %arg5[%swap3A_542, %swap3A_543], %dot_general3A_541 {strides = array<i32>} : memref<8192x128xf32, #tpu.memory_space<vmem>>, vector<128x32xf32>,
    %slice3A_545 = vector.extract_strided_slice %get3A_388 {offsets = [0, 3328], sizes = [32, 128], strides = [1, 1]} : vector<32x8192xf32> to vector<32x128xf32>
    %dot_general3A_546 = arith.constant dense<0.000000e+00> : vector<128x32xf32>
    %dot_general3A_547 = tpu.matmul %select_n3A, %slice3A_545, %dot_general3A_546 {dimension_numbers = #tpu.dot_dimension_numbers<[1], [1], [0], [0], [0, 0, 1, 0], [], []>, transpose_lhs_hint = false} : vector<128x128xf32>, vector<32x128xf32>, vector<128x32xf32> -> vector<128x32xf32>
    %swap3A_548 = arith.constant 3328 : index
    %swap3A_549 = arith.constant 32 : index
    %swap3A_550 = vector.load %arg5[%swap3A_548, %swap3A_549] : memref<8192x128xf32, #tpu.memory_space<vmem>>, vector<128x32xf32>
    tpu.vector_store %arg5[%swap3A_548, %swap3A_549], %dot_general3A_547 {strides = array<i32>} : memref<8192x128xf32, #tpu.memory_space<vmem>>, vector<128x32xf32>,
    %slice3A_551 = vector.extract_strided_slice %get3A_388 {offsets = [0, 3456], sizes = [32, 128], strides = [1, 1]} : vector<32x8192xf32> to vector<32x128xf32>
    %dot_general3A_552 = arith.constant dense<0.000000e+00> : vector<128x32xf32>
    %dot_general3A_553 = tpu.matmul %select_n3A, %slice3A_551, %dot_general3A_552 {dimension_numbers = #tpu.dot_dimension_numbers<[1], [1], [0], [0], [0, 0, 1, 0], [], []>, transpose_lhs_hint = false} : vector<128x128xf32>, vector<32x128xf32>, vector<128x32xf32> -> vector<128x32xf32>
    %swap3A_554 = arith.constant 3456 : index
    %swap3A_555 = arith.constant 32 : index
    %swap3A_556 = vector.load %arg5[%swap3A_554, %swap3A_555] : memref<8192x128xf32, #tpu.memory_space<vmem>>, vector<128x32xf32>
    tpu.vector_store %arg5[%swap3A_554, %swap3A_555], %dot_general3A_553 {strides = array<i32>} : memref<8192x128xf32, #tpu.memory_space<vmem>>, vector<128x32xf32>,
    %slice3A_557 = vector.extract_strided_slice %get3A_388 {offsets = [0, 3584], sizes = [32, 128], strides = [1, 1]} : vector<32x8192xf32> to vector<32x128xf32>
    %dot_general3A_558 = arith.constant dense<0.000000e+00> : vector<128x32xf32>
    %dot_general3A_559 = tpu.matmul %select_n3A, %slice3A_557, %dot_general3A_558 {dimension_numbers = #tpu.dot_dimension_numbers<[1], [1], [0], [0], [0, 0, 1, 0], [], []>, transpose_lhs_hint = false} : vector<128x128xf32>, vector<32x128xf32>, vector<128x32xf32> -> vector<128x32xf32>
    %swap3A_560 = arith.constant 3584 : index
    %swap3A_561 = arith.constant 32 : index
    %swap3A_562 = vector.load %arg5[%swap3A_560, %swap3A_561] : memref<8192x128xf32, #tpu.memory_space<vmem>>, vector<128x32xf32>
    tpu.vector_store %arg5[%swap3A_560, %swap3A_561], %dot_general3A_559 {strides = array<i32>} : memref<8192x128xf32, #tpu.memory_space<vmem>>, vector<128x32xf32>,
    %slice3A_563 = vector.extract_strided_slice %get3A_388 {offsets = [0, 3712], sizes = [32, 128], strides = [1, 1]} : vector<32x8192xf32> to vector<32x128xf32>
    %dot_general3A_564 = arith.constant dense<0.000000e+00> : vector<128x32xf32>
    %dot_general3A_565 = tpu.matmul %select_n3A, %slice3A_563, %dot_general3A_564 {dimension_numbers = #tpu.dot_dimension_numbers<[1], [1], [0], [0], [0, 0, 1, 0], [], []>, transpose_lhs_hint = false} : vector<128x128xf32>, vector<32x128xf32>, vector<128x32xf32> -> vector<128x32xf32>
    %swap3A_566 = arith.constant 3712 : index
    %swap3A_567 = arith.constant 32 : index
    %swap3A_568 = vector.load %arg5[%swap3A_566, %swap3A_567] : memref<8192x128xf32, #tpu.memory_space<vmem>>, vector<128x32xf32>
    tpu.vector_store %arg5[%swap3A_566, %swap3A_567], %dot_general3A_565 {strides = array<i32>} : memref<8192x128xf32, #tpu.memory_space<vmem>>, vector<128x32xf32>,
    %slice3A_569 = vector.extract_strided_slice %get3A_388 {offsets = [0, 3840], sizes = [32, 128], strides = [1, 1]} : vector<32x8192xf32> to vector<32x128xf32>
    %dot_general3A_570 = arith.constant dense<0.000000e+00> : vector<128x32xf32>
    %dot_general3A_571 = tpu.matmul %select_n3A, %slice3A_569, %dot_general3A_570 {dimension_numbers = #tpu.dot_dimension_numbers<[1], [1], [0], [0], [0, 0, 1, 0], [], []>, transpose_lhs_hint = false} : vector<128x128xf32>, vector<32x128xf32>, vector<128x32xf32> -> vector<128x32xf32>
    %swap3A_572 = arith.constant 3840 : index
    %swap3A_573 = arith.constant 32 : index
    %swap3A_574 = vector.load %arg5[%swap3A_572, %swap3A_573] : memref<8192x128xf32, #tpu.memory_space<vmem>>, vector<128x32xf32>
    tpu.vector_store %arg5[%swap3A_572, %swap3A_573], %dot_general3A_571 {strides = array<i32>} : memref<8192x128xf32, #tpu.memory_space<vmem>>, vector<128x32xf32>,
    %slice3A_575 = vector.extract_strided_slice %get3A_388 {offsets = [0, 3968], sizes = [32, 128], strides = [1, 1]} : vector<32x8192xf32> to vector<32x128xf32>
    %dot_general3A_576 = arith.constant dense<0.000000e+00> : vector<128x32xf32>
    %dot_general3A_577 = tpu.matmul %select_n3A, %slice3A_575, %dot_general3A_576 {dimension_numbers = #tpu.dot_dimension_numbers<[1], [1], [0], [0], [0, 0, 1, 0], [], []>, transpose_lhs_hint = false} : vector<128x128xf32>, vector<32x128xf32>, vector<128x32xf32> -> vector<128x32xf32>
    %swap3A_578 = arith.constant 3968 : index
    %swap3A_579 = arith.constant 32 : index
    %swap3A_580 = vector.load %arg5[%swap3A_578, %swap3A_579] : memref<8192x128xf32, #tpu.memory_space<vmem>>, vector<128x32xf32>
    tpu.vector_store %arg5[%swap3A_578, %swap3A_579], %dot_general3A_577 {strides = array<i32>} : memref<8192x128xf32, #tpu.memory_space<vmem>>, vector<128x32xf32>,
    %slice3A_581 = vector.extract_strided_slice %get3A_388 {offsets = [0, 4096], sizes = [32, 128], strides = [1, 1]} : vector<32x8192xf32> to vector<32x128xf32>
    %dot_general3A_582 = arith.constant dense<0.000000e+00> : vector<128x32xf32>
    %dot_general3A_583 = tpu.matmul %select_n3A, %slice3A_581, %dot_general3A_582 {dimension_numbers = #tpu.dot_dimension_numbers<[1], [1], [0], [0], [0, 0, 1, 0], [], []>, transpose_lhs_hint = false} : vector<128x128xf32>, vector<32x128xf32>, vector<128x32xf32> -> vector<128x32xf32>
    %swap3A_584 = arith.constant 4096 : index
    %swap3A_585 = arith.constant 32 : index
    %swap3A_586 = vector.load %arg5[%swap3A_584, %swap3A_585] : memref<8192x128xf32, #tpu.memory_space<vmem>>, vector<128x32xf32>
    tpu.vector_store %arg5[%swap3A_584, %swap3A_585], %dot_general3A_583 {strides = array<i32>} : memref<8192x128xf32, #tpu.memory_space<vmem>>, vector<128x32xf32>,
    %slice3A_587 = vector.extract_strided_slice %get3A_388 {offsets = [0, 4224], sizes = [32, 128], strides = [1, 1]} : vector<32x8192xf32> to vector<32x128xf32>
    %dot_general3A_588 = arith.constant dense<0.000000e+00> : vector<128x32xf32>
    %dot_general3A_589 = tpu.matmul %select_n3A, %slice3A_587, %dot_general3A_588 {dimension_numbers = #tpu.dot_dimension_numbers<[1], [1], [0], [0], [0, 0, 1, 0], [], []>, transpose_lhs_hint = false} : vector<128x128xf32>, vector<32x128xf32>, vector<128x32xf32> -> vector<128x32xf32>
    %swap3A_590 = arith.constant 4224 : index
    %swap3A_591 = arith.constant 32 : index
    %swap3A_592 = vector.load %arg5[%swap3A_590, %swap3A_591] : memref<8192x128xf32, #tpu.memory_space<vmem>>, vector<128x32xf32>
    tpu.vector_store %arg5[%swap3A_590, %swap3A_591], %dot_general3A_589 {strides = array<i32>} : memref<8192x128xf32, #tpu.memory_space<vmem>>, vector<128x32xf32>,
    %slice3A_593 = vector.extract_strided_slice %get3A_388 {offsets = [0, 4352], sizes = [32, 128], strides = [1, 1]} : vector<32x8192xf32> to vector<32x128xf32>
    %dot_general3A_594 = arith.constant dense<0.000000e+00> : vector<128x32xf32>
    %dot_general3A_595 = tpu.matmul %select_n3A, %slice3A_593, %dot_general3A_594 {dimension_numbers = #tpu.dot_dimension_numbers<[1], [1], [0], [0], [0, 0, 1, 0], [], []>, transpose_lhs_hint = false} : vector<128x128xf32>, vector<32x128xf32>, vector<128x32xf32> -> vector<128x32xf32>
    %swap3A_596 = arith.constant 4352 : index
    %swap3A_597 = arith.constant 32 : index
    %swap3A_598 = vector.load %arg5[%swap3A_596, %swap3A_597] : memref<8192x128xf32, #tpu.memory_space<vmem>>, vector<128x32xf32>
    tpu.vector_store %arg5[%swap3A_596, %swap3A_597], %dot_general3A_595 {strides = array<i32>} : memref<8192x128xf32, #tpu.memory_space<vmem>>, vector<128x32xf32>,
    %slice3A_599 = vector.extract_strided_slice %get3A_388 {offsets = [0, 4480], sizes = [32, 128], strides = [1, 1]} : vector<32x8192xf32> to vector<32x128xf32>
    %dot_general3A_600 = arith.constant dense<0.000000e+00> : vector<128x32xf32>
    %dot_general3A_601 = tpu.matmul %select_n3A, %slice3A_599, %dot_general3A_600 {dimension_numbers = #tpu.dot_dimension_numbers<[1], [1], [0], [0], [0, 0, 1, 0], [], []>, transpose_lhs_hint = false} : vector<128x128xf32>, vector<32x128xf32>, vector<128x32xf32> -> vector<128x32xf32>
    %swap3A_602 = arith.constant 4480 : index
    %swap3A_603 = arith.constant 32 : index
    %swap3A_604 = vector.load %arg5[%swap3A_602, %swap3A_603] : memref<8192x128xf32, #tpu.memory_space<vmem>>, vector<128x32xf32>
    tpu.vector_store %arg5[%swap3A_602, %swap3A_603], %dot_general3A_601 {strides = array<i32>} : memref<8192x128xf32, #tpu.memory_space<vmem>>, vector<128x32xf32>,
    %slice3A_605 = vector.extract_strided_slice %get3A_388 {offsets = [0, 4608], sizes = [32, 128], strides = [1, 1]} : vector<32x8192xf32> to vector<32x128xf32>
    %dot_general3A_606 = arith.constant dense<0.000000e+00> : vector<128x32xf32>
    %dot_general3A_607 = tpu.matmul %select_n3A, %slice3A_605, %dot_general3A_606 {dimension_numbers = #tpu.dot_dimension_numbers<[1], [1], [0], [0], [0, 0, 1, 0], [], []>, transpose_lhs_hint = false} : vector<128x128xf32>, vector<32x128xf32>, vector<128x32xf32> -> vector<128x32xf32>
    %swap3A_608 = arith.constant 4608 : index
    %swap3A_609 = arith.constant 32 : index
    %swap3A_610 = vector.load %arg5[%swap3A_608, %swap3A_609] : memref<8192x128xf32, #tpu.memory_space<vmem>>, vector<128x32xf32>
    tpu.vector_store %arg5[%swap3A_608, %swap3A_609], %dot_general3A_607 {strides = array<i32>} : memref<8192x128xf32, #tpu.memory_space<vmem>>, vector<128x32xf32>,
    %slice3A_611 = vector.extract_strided_slice %get3A_388 {offsets = [0, 4736], sizes = [32, 128], strides = [1, 1]} : vector<32x8192xf32> to vector<32x128xf32>
    %dot_general3A_612 = arith.constant dense<0.000000e+00> : vector<128x32xf32>
    %dot_general3A_613 = tpu.matmul %select_n3A, %slice3A_611, %dot_general3A_612 {dimension_numbers = #tpu.dot_dimension_numbers<[1], [1], [0], [0], [0, 0, 1, 0], [], []>, transpose_lhs_hint = false} : vector<128x128xf32>, vector<32x128xf32>, vector<128x32xf32> -> vector<128x32xf32>
    %swap3A_614 = arith.constant 4736 : index
    %swap3A_615 = arith.constant 32 : index
    %swap3A_616 = vector.load %arg5[%swap3A_614, %swap3A_615] : memref<8192x128xf32, #tpu.memory_space<vmem>>, vector<128x32xf32>
    tpu.vector_store %arg5[%swap3A_614, %swap3A_615], %dot_general3A_613 {strides = array<i32>} : memref<8192x128xf32, #tpu.memory_space<vmem>>, vector<128x32xf32>,
    %slice3A_617 = vector.extract_strided_slice %get3A_388 {offsets = [0, 4864], sizes = [32, 128], strides = [1, 1]} : vector<32x8192xf32> to vector<32x128xf32>
    %dot_general3A_618 = arith.constant dense<0.000000e+00> : vector<128x32xf32>
    %dot_general3A_619 = tpu.matmul %select_n3A, %slice3A_617, %dot_general3A_618 {dimension_numbers = #tpu.dot_dimension_numbers<[1], [1], [0], [0], [0, 0, 1, 0], [], []>, transpose_lhs_hint = false} : vector<128x128xf32>, vector<32x128xf32>, vector<128x32xf32> -> vector<128x32xf32>
    %swap3A_620 = arith.constant 4864 : index
    %swap3A_621 = arith.constant 32 : index
    %swap3A_622 = vector.load %arg5[%swap3A_620, %swap3A_621] : memref<8192x128xf32, #tpu.memory_space<vmem>>, vector<128x32xf32>
    tpu.vector_store %arg5[%swap3A_620, %swap3A_621], %dot_general3A_619 {strides = array<i32>} : memref<8192x128xf32, #tpu.memory_space<vmem>>, vector<128x32xf32>,
    %slice3A_623 = vector.extract_strided_slice %get3A_388 {offsets = [0, 4992], sizes = [32, 128], strides = [1, 1]} : vector<32x8192xf32> to vector<32x128xf32>
    %dot_general3A_624 = arith.constant dense<0.000000e+00> : vector<128x32xf32>
    %dot_general3A_625 = tpu.matmul %select_n3A, %slice3A_623, %dot_general3A_624 {dimension_numbers = #tpu.dot_dimension_numbers<[1], [1], [0], [0], [0, 0, 1, 0], [], []>, transpose_lhs_hint = false} : vector<128x128xf32>, vector<32x128xf32>, vector<128x32xf32> -> vector<128x32xf32>
    %swap3A_626 = arith.constant 4992 : index
    %swap3A_627 = arith.constant 32 : index
    %swap3A_628 = vector.load %arg5[%swap3A_626, %swap3A_627] : memref<8192x128xf32, #tpu.memory_space<vmem>>, vector<128x32xf32>
    tpu.vector_store %arg5[%swap3A_626, %swap3A_627], %dot_general3A_625 {strides = array<i32>} : memref<8192x128xf32, #tpu.memory_space<vmem>>, vector<128x32xf32>,
    %slice3A_629 = vector.extract_strided_slice %get3A_388 {offsets = [0, 5120], sizes = [32, 128], strides = [1, 1]} : vector<32x8192xf32> to vector<32x128xf32>
    %dot_general3A_630 = arith.constant dense<0.000000e+00> : vector<128x32xf32>
    %dot_general3A_631 = tpu.matmul %select_n3A, %slice3A_629, %dot_general3A_630 {dimension_numbers = #tpu.dot_dimension_numbers<[1], [1], [0], [0], [0, 0, 1, 0], [], []>, transpose_lhs_hint = false} : vector<128x128xf32>, vector<32x128xf32>, vector<128x32xf32> -> vector<128x32xf32>
    %swap3A_632 = arith.constant 5120 : index
    %swap3A_633 = arith.constant 32 : index
    %swap3A_634 = vector.load %arg5[%swap3A_632, %swap3A_633] : memref<8192x128xf32, #tpu.memory_space<vmem>>, vector<128x32xf32>
    tpu.vector_store %arg5[%swap3A_632, %swap3A_633], %dot_general3A_631 {strides = array<i32>} : memref<8192x128xf32, #tpu.memory_space<vmem>>, vector<128x32xf32>,
    %slice3A_635 = vector.extract_strided_slice %get3A_388 {offsets = [0, 5248], sizes = [32, 128], strides = [1, 1]} : vector<32x8192xf32> to vector<32x128xf32>
    %dot_general3A_636 = arith.constant dense<0.000000e+00> : vector<128x32xf32>
    %dot_general3A_637 = tpu.matmul %select_n3A, %slice3A_635, %dot_general3A_636 {dimension_numbers = #tpu.dot_dimension_numbers<[1], [1], [0], [0], [0, 0, 1, 0], [], []>, transpose_lhs_hint = false} : vector<128x128xf32>, vector<32x128xf32>, vector<128x32xf32> -> vector<128x32xf32>
    %swap3A_638 = arith.constant 5248 : index
    %swap3A_639 = arith.constant 32 : index
    %swap3A_640 = vector.load %arg5[%swap3A_638, %swap3A_639] : memref<8192x128xf32, #tpu.memory_space<vmem>>, vector<128x32xf32>
    tpu.vector_store %arg5[%swap3A_638, %swap3A_639], %dot_general3A_637 {strides = array<i32>} : memref<8192x128xf32, #tpu.memory_space<vmem>>, vector<128x32xf32>,
    %slice3A_641 = vector.extract_strided_slice %get3A_388 {offsets = [0, 5376], sizes = [32, 128], strides = [1, 1]} : vector<32x8192xf32> to vector<32x128xf32>
    %dot_general3A_642 = arith.constant dense<0.000000e+00> : vector<128x32xf32>
    %dot_general3A_643 = tpu.matmul %select_n3A, %slice3A_641, %dot_general3A_642 {dimension_numbers = #tpu.dot_dimension_numbers<[1], [1], [0], [0], [0, 0, 1, 0], [], []>, transpose_lhs_hint = false} : vector<128x128xf32>, vector<32x128xf32>, vector<128x32xf32> -> vector<128x32xf32>
    %swap3A_644 = arith.constant 5376 : index
    %swap3A_645 = arith.constant 32 : index
    %swap3A_646 = vector.load %arg5[%swap3A_644, %swap3A_645] : memref<8192x128xf32, #tpu.memory_space<vmem>>, vector<128x32xf32>
    tpu.vector_store %arg5[%swap3A_644, %swap3A_645], %dot_general3A_643 {strides = array<i32>} : memref<8192x128xf32, #tpu.memory_space<vmem>>, vector<128x32xf32>,
    %slice3A_647 = vector.extract_strided_slice %get3A_388 {offsets = [0, 5504], sizes = [32, 128], strides = [1, 1]} : vector<32x8192xf32> to vector<32x128xf32>
    %dot_general3A_648 = arith.constant dense<0.000000e+00> : vector<128x32xf32>
    %dot_general3A_649 = tpu.matmul %select_n3A, %slice3A_647, %dot_general3A_648 {dimension_numbers = #tpu.dot_dimension_numbers<[1], [1], [0], [0], [0, 0, 1, 0], [], []>, transpose_lhs_hint = false} : vector<128x128xf32>, vector<32x128xf32>, vector<128x32xf32> -> vector<128x32xf32>
    %swap3A_650 = arith.constant 5504 : index
    %swap3A_651 = arith.constant 32 : index
    %swap3A_652 = vector.load %arg5[%swap3A_650, %swap3A_651] : memref<8192x128xf32, #tpu.memory_space<vmem>>, vector<128x32xf32>
    tpu.vector_store %arg5[%swap3A_650, %swap3A_651], %dot_general3A_649 {strides = array<i32>} : memref<8192x128xf32, #tpu.memory_space<vmem>>, vector<128x32xf32>,
    %slice3A_653 = vector.extract_strided_slice %get3A_388 {offsets = [0, 5632], sizes = [32, 128], strides = [1, 1]} : vector<32x8192xf32> to vector<32x128xf32>
    %dot_general3A_654 = arith.constant dense<0.000000e+00> : vector<128x32xf32>
    %dot_general3A_655 = tpu.matmul %select_n3A, %slice3A_653, %dot_general3A_654 {dimension_numbers = #tpu.dot_dimension_numbers<[1], [1], [0], [0], [0, 0, 1, 0], [], []>, transpose_lhs_hint = false} : vector<128x128xf32>, vector<32x128xf32>, vector<128x32xf32> -> vector<128x32xf32>
    %swap3A_656 = arith.constant 5632 : index
    %swap3A_657 = arith.constant 32 : index
    %swap3A_658 = vector.load %arg5[%swap3A_656, %swap3A_657] : memref<8192x128xf32, #tpu.memory_space<vmem>>, vector<128x32xf32>
    tpu.vector_store %arg5[%swap3A_656, %swap3A_657], %dot_general3A_655 {strides = array<i32>} : memref<8192x128xf32, #tpu.memory_space<vmem>>, vector<128x32xf32>,
    %slice3A_659 = vector.extract_strided_slice %get3A_388 {offsets = [0, 5760], sizes = [32, 128], strides = [1, 1]} : vector<32x8192xf32> to vector<32x128xf32>
    %dot_general3A_660 = arith.constant dense<0.000000e+00> : vector<128x32xf32>
    %dot_general3A_661 = tpu.matmul %select_n3A, %slice3A_659, %dot_general3A_660 {dimension_numbers = #tpu.dot_dimension_numbers<[1], [1], [0], [0], [0, 0, 1, 0], [], []>, transpose_lhs_hint = false} : vector<128x128xf32>, vector<32x128xf32>, vector<128x32xf32> -> vector<128x32xf32>
    %swap3A_662 = arith.constant 5760 : index
    %swap3A_663 = arith.constant 32 : index
    %swap3A_664 = vector.load %arg5[%swap3A_662, %swap3A_663] : memref<8192x128xf32, #tpu.memory_space<vmem>>, vector<128x32xf32>
    tpu.vector_store %arg5[%swap3A_662, %swap3A_663], %dot_general3A_661 {strides = array<i32>} : memref<8192x128xf32, #tpu.memory_space<vmem>>, vector<128x32xf32>,
    %slice3A_665 = vector.extract_strided_slice %get3A_388 {offsets = [0, 5888], sizes = [32, 128], strides = [1, 1]} : vector<32x8192xf32> to vector<32x128xf32>
    %dot_general3A_666 = arith.constant dense<0.000000e+00> : vector<128x32xf32>
    %dot_general3A_667 = tpu.matmul %select_n3A, %slice3A_665, %dot_general3A_666 {dimension_numbers = #tpu.dot_dimension_numbers<[1], [1], [0], [0], [0, 0, 1, 0], [], []>, transpose_lhs_hint = false} : vector<128x128xf32>, vector<32x128xf32>, vector<128x32xf32> -> vector<128x32xf32>
    %swap3A_668 = arith.constant 5888 : index
    %swap3A_669 = arith.constant 32 : index
    %swap3A_670 = vector.load %arg5[%swap3A_668, %swap3A_669] : memref<8192x128xf32, #tpu.memory_space<vmem>>, vector<128x32xf32>
    tpu.vector_store %arg5[%swap3A_668, %swap3A_669], %dot_general3A_667 {strides = array<i32>} : memref<8192x128xf32, #tpu.memory_space<vmem>>, vector<128x32xf32>,
    %slice3A_671 = vector.extract_strided_slice %get3A_388 {offsets = [0, 6016], sizes = [32, 128], strides = [1, 1]} : vector<32x8192xf32> to vector<32x128xf32>
    %dot_general3A_672 = arith.constant dense<0.000000e+00> : vector<128x32xf32>
    %dot_general3A_673 = tpu.matmul %select_n3A, %slice3A_671, %dot_general3A_672 {dimension_numbers = #tpu.dot_dimension_numbers<[1], [1], [0], [0], [0, 0, 1, 0], [], []>, transpose_lhs_hint = false} : vector<128x128xf32>, vector<32x128xf32>, vector<128x32xf32> -> vector<128x32xf32>
    %swap3A_674 = arith.constant 6016 : index
    %swap3A_675 = arith.constant 32 : index
    %swap3A_676 = vector.load %arg5[%swap3A_674, %swap3A_675] : memref<8192x128xf32, #tpu.memory_space<vmem>>, vector<128x32xf32>
    tpu.vector_store %arg5[%swap3A_674, %swap3A_675], %dot_general3A_673 {strides = array<i32>} : memref<8192x128xf32, #tpu.memory_space<vmem>>, vector<128x32xf32>,
    %slice3A_677 = vector.extract_strided_slice %get3A_388 {offsets = [0, 6144], sizes = [32, 128], strides = [1, 1]} : vector<32x8192xf32> to vector<32x128xf32>
    %dot_general3A_678 = arith.constant dense<0.000000e+00> : vector<128x32xf32>
    %dot_general3A_679 = tpu.matmul %select_n3A, %slice3A_677, %dot_general3A_678 {dimension_numbers = #tpu.dot_dimension_numbers<[1], [1], [0], [0], [0, 0, 1, 0], [], []>, transpose_lhs_hint = false} : vector<128x128xf32>, vector<32x128xf32>, vector<128x32xf32> -> vector<128x32xf32>
    %swap3A_680 = arith.constant 6144 : index
    %swap3A_681 = arith.constant 32 : index
    %swap3A_682 = vector.load %arg5[%swap3A_680, %swap3A_681] : memref<8192x128xf32, #tpu.memory_space<vmem>>, vector<128x32xf32>
    tpu.vector_store %arg5[%swap3A_680, %swap3A_681], %dot_general3A_679 {strides = array<i32>} : memref<8192x128xf32, #tpu.memory_space<vmem>>, vector<128x32xf32>,
    %slice3A_683 = vector.extract_strided_slice %get3A_388 {offsets = [0, 6272], sizes = [32, 128], strides = [1, 1]} : vector<32x8192xf32> to vector<32x128xf32>
    %dot_general3A_684 = arith.constant dense<0.000000e+00> : vector<128x32xf32>
    %dot_general3A_685 = tpu.matmul %select_n3A, %slice3A_683, %dot_general3A_684 {dimension_numbers = #tpu.dot_dimension_numbers<[1], [1], [0], [0], [0, 0, 1, 0], [], []>, transpose_lhs_hint = false} : vector<128x128xf32>, vector<32x128xf32>, vector<128x32xf32> -> vector<128x32xf32>
    %swap3A_686 = arith.constant 6272 : index
    %swap3A_687 = arith.constant 32 : index
    %swap3A_688 = vector.load %arg5[%swap3A_686, %swap3A_687] : memref<8192x128xf32, #tpu.memory_space<vmem>>, vector<128x32xf32>
    tpu.vector_store %arg5[%swap3A_686, %swap3A_687], %dot_general3A_685 {strides = array<i32>} : memref<8192x128xf32, #tpu.memory_space<vmem>>, vector<128x32xf32>,
    %slice3A_689 = vector.extract_strided_slice %get3A_388 {offsets = [0, 6400], sizes = [32, 128], strides = [1, 1]} : vector<32x8192xf32> to vector<32x128xf32>
    %dot_general3A_690 = arith.constant dense<0.000000e+00> : vector<128x32xf32>
    %dot_general3A_691 = tpu.matmul %select_n3A, %slice3A_689, %dot_general3A_690 {dimension_numbers = #tpu.dot_dimension_numbers<[1], [1], [0], [0], [0, 0, 1, 0], [], []>, transpose_lhs_hint = false} : vector<128x128xf32>, vector<32x128xf32>, vector<128x32xf32> -> vector<128x32xf32>
    %swap3A_692 = arith.constant 6400 : index
    %swap3A_693 = arith.constant 32 : index
    %swap3A_694 = vector.load %arg5[%swap3A_692, %swap3A_693] : memref<8192x128xf32, #tpu.memory_space<vmem>>, vector<128x32xf32>
    tpu.vector_store %arg5[%swap3A_692, %swap3A_693], %dot_general3A_691 {strides = array<i32>} : memref<8192x128xf32, #tpu.memory_space<vmem>>, vector<128x32xf32>,
    %slice3A_695 = vector.extract_strided_slice %get3A_388 {offsets = [0, 6528], sizes = [32, 128], strides = [1, 1]} : vector<32x8192xf32> to vector<32x128xf32>
    %dot_general3A_696 = arith.constant dense<0.000000e+00> : vector<128x32xf32>
    %dot_general3A_697 = tpu.matmul %select_n3A, %slice3A_695, %dot_general3A_696 {dimension_numbers = #tpu.dot_dimension_numbers<[1], [1], [0], [0], [0, 0, 1, 0], [], []>, transpose_lhs_hint = false} : vector<128x128xf32>, vector<32x128xf32>, vector<128x32xf32> -> vector<128x32xf32>
    %swap3A_698 = arith.constant 6528 : index
    %swap3A_699 = arith.constant 32 : index
    %swap3A_700 = vector.load %arg5[%swap3A_698, %swap3A_699] : memref<8192x128xf32, #tpu.memory_space<vmem>>, vector<128x32xf32>
    tpu.vector_store %arg5[%swap3A_698, %swap3A_699], %dot_general3A_697 {strides = array<i32>} : memref<8192x128xf32, #tpu.memory_space<vmem>>, vector<128x32xf32>,
    %slice3A_701 = vector.extract_strided_slice %get3A_388 {offsets = [0, 6656], sizes = [32, 128], strides = [1, 1]} : vector<32x8192xf32> to vector<32x128xf32>
    %dot_general3A_702 = arith.constant dense<0.000000e+00> : vector<128x32xf32>
    %dot_general3A_703 = tpu.matmul %select_n3A, %slice3A_701, %dot_general3A_702 {dimension_numbers = #tpu.dot_dimension_numbers<[1], [1], [0], [0], [0, 0, 1, 0], [], []>, transpose_lhs_hint = false} : vector<128x128xf32>, vector<32x128xf32>, vector<128x32xf32> -> vector<128x32xf32>
    %swap3A_704 = arith.constant 6656 : index
    %swap3A_705 = arith.constant 32 : index
    %swap3A_706 = vector.load %arg5[%swap3A_704, %swap3A_705] : memref<8192x128xf32, #tpu.memory_space<vmem>>, vector<128x32xf32>
    tpu.vector_store %arg5[%swap3A_704, %swap3A_705], %dot_general3A_703 {strides = array<i32>} : memref<8192x128xf32, #tpu.memory_space<vmem>>, vector<128x32xf32>,
    %slice3A_707 = vector.extract_strided_slice %get3A_388 {offsets = [0, 6784], sizes = [32, 128], strides = [1, 1]} : vector<32x8192xf32> to vector<32x128xf32>
    %dot_general3A_708 = arith.constant dense<0.000000e+00> : vector<128x32xf32>
    %dot_general3A_709 = tpu.matmul %select_n3A, %slice3A_707, %dot_general3A_708 {dimension_numbers = #tpu.dot_dimension_numbers<[1], [1], [0], [0], [0, 0, 1, 0], [], []>, transpose_lhs_hint = false} : vector<128x128xf32>, vector<32x128xf32>, vector<128x32xf32> -> vector<128x32xf32>
    %swap3A_710 = arith.constant 6784 : index
    %swap3A_711 = arith.constant 32 : index
    %swap3A_712 = vector.load %arg5[%swap3A_710, %swap3A_711] : memref<8192x128xf32, #tpu.memory_space<vmem>>, vector<128x32xf32>
    tpu.vector_store %arg5[%swap3A_710, %swap3A_711], %dot_general3A_709 {strides = array<i32>} : memref<8192x128xf32, #tpu.memory_space<vmem>>, vector<128x32xf32>,
    %slice3A_713 = vector.extract_strided_slice %get3A_388 {offsets = [0, 6912], sizes = [32, 128], strides = [1, 1]} : vector<32x8192xf32> to vector<32x128xf32>
    %dot_general3A_714 = arith.constant dense<0.000000e+00> : vector<128x32xf32>
    %dot_general3A_715 = tpu.matmul %select_n3A, %slice3A_713, %dot_general3A_714 {dimension_numbers = #tpu.dot_dimension_numbers<[1], [1], [0], [0], [0, 0, 1, 0], [], []>, transpose_lhs_hint = false} : vector<128x128xf32>, vector<32x128xf32>, vector<128x32xf32> -> vector<128x32xf32>
    %swap3A_716 = arith.constant 6912 : index
    %swap3A_717 = arith.constant 32 : index
    %swap3A_718 = vector.load %arg5[%swap3A_716, %swap3A_717] : memref<8192x128xf32, #tpu.memory_space<vmem>>, vector<128x32xf32>
    tpu.vector_store %arg5[%swap3A_716, %swap3A_717], %dot_general3A_715 {strides = array<i32>} : memref<8192x128xf32, #tpu.memory_space<vmem>>, vector<128x32xf32>,
    %slice3A_719 = vector.extract_strided_slice %get3A_388 {offsets = [0, 7040], sizes = [32, 128], strides = [1, 1]} : vector<32x8192xf32> to vector<32x128xf32>
    %dot_general3A_720 = arith.constant dense<0.000000e+00> : vector<128x32xf32>
    %dot_general3A_721 = tpu.matmul %select_n3A, %slice3A_719, %dot_general3A_720 {dimension_numbers = #tpu.dot_dimension_numbers<[1], [1], [0], [0], [0, 0, 1, 0], [], []>, transpose_lhs_hint = false} : vector<128x128xf32>, vector<32x128xf32>, vector<128x32xf32> -> vector<128x32xf32>
    %swap3A_722 = arith.constant 7040 : index
    %swap3A_723 = arith.constant 32 : index
    %swap3A_724 = vector.load %arg5[%swap3A_722, %swap3A_723] : memref<8192x128xf32, #tpu.memory_space<vmem>>, vector<128x32xf32>
    tpu.vector_store %arg5[%swap3A_722, %swap3A_723], %dot_general3A_721 {strides = array<i32>} : memref<8192x128xf32, #tpu.memory_space<vmem>>, vector<128x32xf32>,
    %slice3A_725 = vector.extract_strided_slice %get3A_388 {offsets = [0, 7168], sizes = [32, 128], strides = [1, 1]} : vector<32x8192xf32> to vector<32x128xf32>
    %dot_general3A_726 = arith.constant dense<0.000000e+00> : vector<128x32xf32>
    %dot_general3A_727 = tpu.matmul %select_n3A, %slice3A_725, %dot_general3A_726 {dimension_numbers = #tpu.dot_dimension_numbers<[1], [1], [0], [0], [0, 0, 1, 0], [], []>, transpose_lhs_hint = false} : vector<128x128xf32>, vector<32x128xf32>, vector<128x32xf32> -> vector<128x32xf32>
    %swap3A_728 = arith.constant 7168 : index
    %swap3A_729 = arith.constant 32 : index
    %swap3A_730 = vector.load %arg5[%swap3A_728, %swap3A_729] : memref<8192x128xf32, #tpu.memory_space<vmem>>, vector<128x32xf32>
    tpu.vector_store %arg5[%swap3A_728, %swap3A_729], %dot_general3A_727 {strides = array<i32>} : memref<8192x128xf32, #tpu.memory_space<vmem>>, vector<128x32xf32>,
    %slice3A_731 = vector.extract_strided_slice %get3A_388 {offsets = [0, 7296], sizes = [32, 128], strides = [1, 1]} : vector<32x8192xf32> to vector<32x128xf32>
    %dot_general3A_732 = arith.constant dense<0.000000e+00> : vector<128x32xf32>
    %dot_general3A_733 = tpu.matmul %select_n3A, %slice3A_731, %dot_general3A_732 {dimension_numbers = #tpu.dot_dimension_numbers<[1], [1], [0], [0], [0, 0, 1, 0], [], []>, transpose_lhs_hint = false} : vector<128x128xf32>, vector<32x128xf32>, vector<128x32xf32> -> vector<128x32xf32>
    %swap3A_734 = arith.constant 7296 : index
    %swap3A_735 = arith.constant 32 : index
    %swap3A_736 = vector.load %arg5[%swap3A_734, %swap3A_735] : memref<8192x128xf32, #tpu.memory_space<vmem>>, vector<128x32xf32>
    tpu.vector_store %arg5[%swap3A_734, %swap3A_735], %dot_general3A_733 {strides = array<i32>} : memref<8192x128xf32, #tpu.memory_space<vmem>>, vector<128x32xf32>,
    %slice3A_737 = vector.extract_strided_slice %get3A_388 {offsets = [0, 7424], sizes = [32, 128], strides = [1, 1]} : vector<32x8192xf32> to vector<32x128xf32>
    %dot_general3A_738 = arith.constant dense<0.000000e+00> : vector<128x32xf32>
    %dot_general3A_739 = tpu.matmul %select_n3A, %slice3A_737, %dot_general3A_738 {dimension_numbers = #tpu.dot_dimension_numbers<[1], [1], [0], [0], [0, 0, 1, 0], [], []>, transpose_lhs_hint = false} : vector<128x128xf32>, vector<32x128xf32>, vector<128x32xf32> -> vector<128x32xf32>
    %swap3A_740 = arith.constant 7424 : index
    %swap3A_741 = arith.constant 32 : index
    %swap3A_742 = vector.load %arg5[%swap3A_740, %swap3A_741] : memref<8192x128xf32, #tpu.memory_space<vmem>>, vector<128x32xf32>
    tpu.vector_store %arg5[%swap3A_740, %swap3A_741], %dot_general3A_739 {strides = array<i32>} : memref<8192x128xf32, #tpu.memory_space<vmem>>, vector<128x32xf32>,
    %slice3A_743 = vector.extract_strided_slice %get3A_388 {offsets = [0, 7552], sizes = [32, 128], strides = [1, 1]} : vector<32x8192xf32> to vector<32x128xf32>
    %dot_general3A_744 = arith.constant dense<0.000000e+00> : vector<128x32xf32>
    %dot_general3A_745 = tpu.matmul %select_n3A, %slice3A_743, %dot_general3A_744 {dimension_numbers = #tpu.dot_dimension_numbers<[1], [1], [0], [0], [0, 0, 1, 0], [], []>, transpose_lhs_hint = false} : vector<128x128xf32>, vector<32x128xf32>, vector<128x32xf32> -> vector<128x32xf32>
    %swap3A_746 = arith.constant 7552 : index
    %swap3A_747 = arith.constant 32 : index
    %swap3A_748 = vector.load %arg5[%swap3A_746, %swap3A_747] : memref<8192x128xf32, #tpu.memory_space<vmem>>, vector<128x32xf32>
    tpu.vector_store %arg5[%swap3A_746, %swap3A_747], %dot_general3A_745 {strides = array<i32>} : memref<8192x128xf32, #tpu.memory_space<vmem>>, vector<128x32xf32>,
    %slice3A_749 = vector.extract_strided_slice %get3A_388 {offsets = [0, 7680], sizes = [32, 128], strides = [1, 1]} : vector<32x8192xf32> to vector<32x128xf32>
    %dot_general3A_750 = arith.constant dense<0.000000e+00> : vector<128x32xf32>
    %dot_general3A_751 = tpu.matmul %select_n3A, %slice3A_749, %dot_general3A_750 {dimension_numbers = #tpu.dot_dimension_numbers<[1], [1], [0], [0], [0, 0, 1, 0], [], []>, transpose_lhs_hint = false} : vector<128x128xf32>, vector<32x128xf32>, vector<128x32xf32> -> vector<128x32xf32>
    %swap3A_752 = arith.constant 7680 : index
    %swap3A_753 = arith.constant 32 : index
    %swap3A_754 = vector.load %arg5[%swap3A_752, %swap3A_753] : memref<8192x128xf32, #tpu.memory_space<vmem>>, vector<128x32xf32>
    tpu.vector_store %arg5[%swap3A_752, %swap3A_753], %dot_general3A_751 {strides = array<i32>} : memref<8192x128xf32, #tpu.memory_space<vmem>>, vector<128x32xf32>,
    %slice3A_755 = vector.extract_strided_slice %get3A_388 {offsets = [0, 7808], sizes = [32, 128], strides = [1, 1]} : vector<32x8192xf32> to vector<32x128xf32>
    %dot_general3A_756 = arith.constant dense<0.000000e+00> : vector<128x32xf32>
    %dot_general3A_757 = tpu.matmul %select_n3A, %slice3A_755, %dot_general3A_756 {dimension_numbers = #tpu.dot_dimension_numbers<[1], [1], [0], [0], [0, 0, 1, 0], [], []>, transpose_lhs_hint = false} : vector<128x128xf32>, vector<32x128xf32>, vector<128x32xf32> -> vector<128x32xf32>
    %swap3A_758 = arith.constant 7808 : index
    %swap3A_759 = arith.constant 32 : index
    %swap3A_760 = vector.load %arg5[%swap3A_758, %swap3A_759] : memref<8192x128xf32, #tpu.memory_space<vmem>>, vector<128x32xf32>
    tpu.vector_store %arg5[%swap3A_758, %swap3A_759], %dot_general3A_757 {strides = array<i32>} : memref<8192x128xf32, #tpu.memory_space<vmem>>, vector<128x32xf32>,
    %slice3A_761 = vector.extract_strided_slice %get3A_388 {offsets = [0, 7936], sizes = [32, 128], strides = [1, 1]} : vector<32x8192xf32> to vector<32x128xf32>
    %dot_general3A_762 = arith.constant dense<0.000000e+00> : vector<128x32xf32>
    %dot_general3A_763 = tpu.matmul %select_n3A, %slice3A_761, %dot_general3A_762 {dimension_numbers = #tpu.dot_dimension_numbers<[1], [1], [0], [0], [0, 0, 1, 0], [], []>, transpose_lhs_hint = false} : vector<128x128xf32>, vector<32x128xf32>, vector<128x32xf32> -> vector<128x32xf32>
    %swap3A_764 = arith.constant 7936 : index
    %swap3A_765 = arith.constant 32 : index
    %swap3A_766 = vector.load %arg5[%swap3A_764, %swap3A_765] : memref<8192x128xf32, #tpu.memory_space<vmem>>, vector<128x32xf32>
    tpu.vector_store %arg5[%swap3A_764, %swap3A_765], %dot_general3A_763 {strides = array<i32>} : memref<8192x128xf32, #tpu.memory_space<vmem>>, vector<128x32xf32>,
    %slice3A_767 = vector.extract_strided_slice %get3A_388 {offsets = [0, 8064], sizes = [32, 128], strides = [1, 1]} : vector<32x8192xf32> to vector<32x128xf32>
    %dot_general3A_768 = arith.constant dense<0.000000e+00> : vector<128x32xf32>
    %dot_general3A_769 = tpu.matmul %select_n3A, %slice3A_767, %dot_general3A_768 {dimension_numbers = #tpu.dot_dimension_numbers<[1], [1], [0], [0], [0, 0, 1, 0], [], []>, transpose_lhs_hint = false} : vector<128x128xf32>, vector<32x128xf32>, vector<128x32xf32> -> vector<128x32xf32>
    %swap3A_770 = arith.constant 8064 : index
    %swap3A_771 = arith.constant 32 : index
    %swap3A_772 = vector.load %arg5[%swap3A_770, %swap3A_771] : memref<8192x128xf32, #tpu.memory_space<vmem>>, vector<128x32xf32>
    tpu.vector_store %arg5[%swap3A_770, %swap3A_771], %dot_general3A_769 {strides = array<i32>} : memref<8192x128xf32, #tpu.memory_space<vmem>>, vector<128x32xf32>,
    %get3A_773 = arith.constant 0 : index
    %get3A_774 = arith.constant 0 : index
    %get3A_775 = vector.load %arg3[%get3A_773, %get3A_774] : memref<32x8192xf32, #tpu.memory_space<vmem>>, vector<32x8192xf32>
    %slice3A_776 = vector.extract_strided_slice %get3A_775 {offsets = [0, 0], sizes = [32, 128], strides = [1, 1]} : vector<32x8192xf32> to vector<32x128xf32>
    %dot_general3A_777 = arith.constant dense<0.000000e+00> : vector<128x32xf32>
    %dot_general3A_778 = tpu.matmul %select_n3A, %slice3A_776, %dot_general3A_777 {dimension_numbers = #tpu.dot_dimension_numbers<[1], [1], [0], [0], [0, 0, 1, 0], [], []>, transpose_lhs_hint = false} : vector<128x128xf32>, vector<32x128xf32>, vector<128x32xf32> -> vector<128x32xf32>
    %swap3A_779 = arith.constant 0 : index
    %swap3A_780 = arith.constant 64 : index
    %swap3A_781 = vector.load %arg5[%swap3A_779, %swap3A_780] : memref<8192x128xf32, #tpu.memory_space<vmem>>, vector<128x32xf32>
    tpu.vector_store %arg5[%swap3A_779, %swap3A_780], %dot_general3A_778 {strides = array<i32>} : memref<8192x128xf32, #tpu.memory_space<vmem>>, vector<128x32xf32>,
    %slice3A_782 = vector.extract_strided_slice %get3A_775 {offsets = [0, 128], sizes = [32, 128], strides = [1, 1]} : vector<32x8192xf32> to vector<32x128xf32>
    %dot_general3A_783 = arith.constant dense<0.000000e+00> : vector<128x32xf32>
    %dot_general3A_784 = tpu.matmul %select_n3A, %slice3A_782, %dot_general3A_783 {dimension_numbers = #tpu.dot_dimension_numbers<[1], [1], [0], [0], [0, 0, 1, 0], [], []>, transpose_lhs_hint = false} : vector<128x128xf32>, vector<32x128xf32>, vector<128x32xf32> -> vector<128x32xf32>
    %swap3A_785 = arith.constant 128 : index
    %swap3A_786 = arith.constant 64 : index
    %swap3A_787 = vector.load %arg5[%swap3A_785, %swap3A_786] : memref<8192x128xf32, #tpu.memory_space<vmem>>, vector<128x32xf32>
    tpu.vector_store %arg5[%swap3A_785, %swap3A_786], %dot_general3A_784 {strides = array<i32>} : memref<8192x128xf32, #tpu.memory_space<vmem>>, vector<128x32xf32>,
    %slice3A_788 = vector.extract_strided_slice %get3A_775 {offsets = [0, 256], sizes = [32, 128], strides = [1, 1]} : vector<32x8192xf32> to vector<32x128xf32>
    %dot_general3A_789 = arith.constant dense<0.000000e+00> : vector<128x32xf32>
    %dot_general3A_790 = tpu.matmul %select_n3A, %slice3A_788, %dot_general3A_789 {dimension_numbers = #tpu.dot_dimension_numbers<[1], [1], [0], [0], [0, 0, 1, 0], [], []>, transpose_lhs_hint = false} : vector<128x128xf32>, vector<32x128xf32>, vector<128x32xf32> -> vector<128x32xf32>
    %swap3A_791 = arith.constant 256 : index
    %swap3A_792 = arith.constant 64 : index
    %swap3A_793 = vector.load %arg5[%swap3A_791, %swap3A_792] : memref<8192x128xf32, #tpu.memory_space<vmem>>, vector<128x32xf32>
    tpu.vector_store %arg5[%swap3A_791, %swap3A_792], %dot_general3A_790 {strides = array<i32>} : memref<8192x128xf32, #tpu.memory_space<vmem>>, vector<128x32xf32>,
    %slice3A_794 = vector.extract_strided_slice %get3A_775 {offsets = [0, 384], sizes = [32, 128], strides = [1, 1]} : vector<32x8192xf32> to vector<32x128xf32>
    %dot_general3A_795 = arith.constant dense<0.000000e+00> : vector<128x32xf32>
    %dot_general3A_796 = tpu.matmul %select_n3A, %slice3A_794, %dot_general3A_795 {dimension_numbers = #tpu.dot_dimension_numbers<[1], [1], [0], [0], [0, 0, 1, 0], [], []>, transpose_lhs_hint = false} : vector<128x128xf32>, vector<32x128xf32>, vector<128x32xf32> -> vector<128x32xf32>
    %swap3A_797 = arith.constant 384 : index
    %swap3A_798 = arith.constant 64 : index
    %swap3A_799 = vector.load %arg5[%swap3A_797, %swap3A_798] : memref<8192x128xf32, #tpu.memory_space<vmem>>, vector<128x32xf32>
    tpu.vector_store %arg5[%swap3A_797, %swap3A_798], %dot_general3A_796 {strides = array<i32>} : memref<8192x128xf32, #tpu.memory_space<vmem>>, vector<128x32xf32>,
    %slice3A_800 = vector.extract_strided_slice %get3A_775 {offsets = [0, 512], sizes = [32, 128], strides = [1, 1]} : vector<32x8192xf32> to vector<32x128xf32>
    %dot_general3A_801 = arith.constant dense<0.000000e+00> : vector<128x32xf32>
    %dot_general3A_802 = tpu.matmul %select_n3A, %slice3A_800, %dot_general3A_801 {dimension_numbers = #tpu.dot_dimension_numbers<[1], [1], [0], [0], [0, 0, 1, 0], [], []>, transpose_lhs_hint = false} : vector<128x128xf32>, vector<32x128xf32>, vector<128x32xf32> -> vector<128x32xf32>
    %swap3A_803 = arith.constant 512 : index
    %swap3A_804 = arith.constant 64 : index
    %swap3A_805 = vector.load %arg5[%swap3A_803, %swap3A_804] : memref<8192x128xf32, #tpu.memory_space<vmem>>, vector<128x32xf32>
    tpu.vector_store %arg5[%swap3A_803, %swap3A_804], %dot_general3A_802 {strides = array<i32>} : memref<8192x128xf32, #tpu.memory_space<vmem>>, vector<128x32xf32>,
    %slice3A_806 = vector.extract_strided_slice %get3A_775 {offsets = [0, 640], sizes = [32, 128], strides = [1, 1]} : vector<32x8192xf32> to vector<32x128xf32>
    %dot_general3A_807 = arith.constant dense<0.000000e+00> : vector<128x32xf32>
    %dot_general3A_808 = tpu.matmul %select_n3A, %slice3A_806, %dot_general3A_807 {dimension_numbers = #tpu.dot_dimension_numbers<[1], [1], [0], [0], [0, 0, 1, 0], [], []>, transpose_lhs_hint = false} : vector<128x128xf32>, vector<32x128xf32>, vector<128x32xf32> -> vector<128x32xf32>
    %swap3A_809 = arith.constant 640 : index
    %swap3A_810 = arith.constant 64 : index
    %swap3A_811 = vector.load %arg5[%swap3A_809, %swap3A_810] : memref<8192x128xf32, #tpu.memory_space<vmem>>, vector<128x32xf32>
    tpu.vector_store %arg5[%swap3A_809, %swap3A_810], %dot_general3A_808 {strides = array<i32>} : memref<8192x128xf32, #tpu.memory_space<vmem>>, vector<128x32xf32>,
    %slice3A_812 = vector.extract_strided_slice %get3A_775 {offsets = [0, 768], sizes = [32, 128], strides = [1, 1]} : vector<32x8192xf32> to vector<32x128xf32>
    %dot_general3A_813 = arith.constant dense<0.000000e+00> : vector<128x32xf32>
    %dot_general3A_814 = tpu.matmul %select_n3A, %slice3A_812, %dot_general3A_813 {dimension_numbers = #tpu.dot_dimension_numbers<[1], [1], [0], [0], [0, 0, 1, 0], [], []>, transpose_lhs_hint = false} : vector<128x128xf32>, vector<32x128xf32>, vector<128x32xf32> -> vector<128x32xf32>
    %swap3A_815 = arith.constant 768 : index
    %swap3A_816 = arith.constant 64 : index
    %swap3A_817 = vector.load %arg5[%swap3A_815, %swap3A_816] : memref<8192x128xf32, #tpu.memory_space<vmem>>, vector<128x32xf32>
    tpu.vector_store %arg5[%swap3A_815, %swap3A_816], %dot_general3A_814 {strides = array<i32>} : memref<8192x128xf32, #tpu.memory_space<vmem>>, vector<128x32xf32>,
    %slice3A_818 = vector.extract_strided_slice %get3A_775 {offsets = [0, 896], sizes = [32, 128], strides = [1, 1]} : vector<32x8192xf32> to vector<32x128xf32>
    %dot_general3A_819 = arith.constant dense<0.000000e+00> : vector<128x32xf32>
    %dot_general3A_820 = tpu.matmul %select_n3A, %slice3A_818, %dot_general3A_819 {dimension_numbers = #tpu.dot_dimension_numbers<[1], [1], [0], [0], [0, 0, 1, 0], [], []>, transpose_lhs_hint = false} : vector<128x128xf32>, vector<32x128xf32>, vector<128x32xf32> -> vector<128x32xf32>
    %swap3A_821 = arith.constant 896 : index
    %swap3A_822 = arith.constant 64 : index
    %swap3A_823 = vector.load %arg5[%swap3A_821, %swap3A_822] : memref<8192x128xf32, #tpu.memory_space<vmem>>, vector<128x32xf32>
    tpu.vector_store %arg5[%swap3A_821, %swap3A_822], %dot_general3A_820 {strides = array<i32>} : memref<8192x128xf32, #tpu.memory_space<vmem>>, vector<128x32xf32>,
    %slice3A_824 = vector.extract_strided_slice %get3A_775 {offsets = [0, 1024], sizes = [32, 128], strides = [1, 1]} : vector<32x8192xf32> to vector<32x128xf32>
    %dot_general3A_825 = arith.constant dense<0.000000e+00> : vector<128x32xf32>
    %dot_general3A_826 = tpu.matmul %select_n3A, %slice3A_824, %dot_general3A_825 {dimension_numbers = #tpu.dot_dimension_numbers<[1], [1], [0], [0], [0, 0, 1, 0], [], []>, transpose_lhs_hint = false} : vector<128x128xf32>, vector<32x128xf32>, vector<128x32xf32> -> vector<128x32xf32>
    %swap3A_827 = arith.constant 1024 : index
    %swap3A_828 = arith.constant 64 : index
    %swap3A_829 = vector.load %arg5[%swap3A_827, %swap3A_828] : memref<8192x128xf32, #tpu.memory_space<vmem>>, vector<128x32xf32>
    tpu.vector_store %arg5[%swap3A_827, %swap3A_828], %dot_general3A_826 {strides = array<i32>} : memref<8192x128xf32, #tpu.memory_space<vmem>>, vector<128x32xf32>,
    %slice3A_830 = vector.extract_strided_slice %get3A_775 {offsets = [0, 1152], sizes = [32, 128], strides = [1, 1]} : vector<32x8192xf32> to vector<32x128xf32>
    %dot_general3A_831 = arith.constant dense<0.000000e+00> : vector<128x32xf32>
    %dot_general3A_832 = tpu.matmul %select_n3A, %slice3A_830, %dot_general3A_831 {dimension_numbers = #tpu.dot_dimension_numbers<[1], [1], [0], [0], [0, 0, 1, 0], [], []>, transpose_lhs_hint = false} : vector<128x128xf32>, vector<32x128xf32>, vector<128x32xf32> -> vector<128x32xf32>
    %swap3A_833 = arith.constant 1152 : index
    %swap3A_834 = arith.constant 64 : index
    %swap3A_835 = vector.load %arg5[%swap3A_833, %swap3A_834] : memref<8192x128xf32, #tpu.memory_space<vmem>>, vector<128x32xf32>
    tpu.vector_store %arg5[%swap3A_833, %swap3A_834], %dot_general3A_832 {strides = array<i32>} : memref<8192x128xf32, #tpu.memory_space<vmem>>, vector<128x32xf32>,
    %slice3A_836 = vector.extract_strided_slice %get3A_775 {offsets = [0, 1280], sizes = [32, 128], strides = [1, 1]} : vector<32x8192xf32> to vector<32x128xf32>
    %dot_general3A_837 = arith.constant dense<0.000000e+00> : vector<128x32xf32>
    %dot_general3A_838 = tpu.matmul %select_n3A, %slice3A_836, %dot_general3A_837 {dimension_numbers = #tpu.dot_dimension_numbers<[1], [1], [0], [0], [0, 0, 1, 0], [], []>, transpose_lhs_hint = false} : vector<128x128xf32>, vector<32x128xf32>, vector<128x32xf32> -> vector<128x32xf32>
    %swap3A_839 = arith.constant 1280 : index
    %swap3A_840 = arith.constant 64 : index
    %swap3A_841 = vector.load %arg5[%swap3A_839, %swap3A_840] : memref<8192x128xf32, #tpu.memory_space<vmem>>, vector<128x32xf32>
    tpu.vector_store %arg5[%swap3A_839, %swap3A_840], %dot_general3A_838 {strides = array<i32>} : memref<8192x128xf32, #tpu.memory_space<vmem>>, vector<128x32xf32>,
    %slice3A_842 = vector.extract_strided_slice %get3A_775 {offsets = [0, 1408], sizes = [32, 128], strides = [1, 1]} : vector<32x8192xf32> to vector<32x128xf32>
    %dot_general3A_843 = arith.constant dense<0.000000e+00> : vector<128x32xf32>
    %dot_general3A_844 = tpu.matmul %select_n3A, %slice3A_842, %dot_general3A_843 {dimension_numbers = #tpu.dot_dimension_numbers<[1], [1], [0], [0], [0, 0, 1, 0], [], []>, transpose_lhs_hint = false} : vector<128x128xf32>, vector<32x128xf32>, vector<128x32xf32> -> vector<128x32xf32>
    %swap3A_845 = arith.constant 1408 : index
    %swap3A_846 = arith.constant 64 : index
    %swap3A_847 = vector.load %arg5[%swap3A_845, %swap3A_846] : memref<8192x128xf32, #tpu.memory_space<vmem>>, vector<128x32xf32>
    tpu.vector_store %arg5[%swap3A_845, %swap3A_846], %dot_general3A_844 {strides = array<i32>} : memref<8192x128xf32, #tpu.memory_space<vmem>>, vector<128x32xf32>,
    %slice3A_848 = vector.extract_strided_slice %get3A_775 {offsets = [0, 1536], sizes = [32, 128], strides = [1, 1]} : vector<32x8192xf32> to vector<32x128xf32>
    %dot_general3A_849 = arith.constant dense<0.000000e+00> : vector<128x32xf32>
    %dot_general3A_850 = tpu.matmul %select_n3A, %slice3A_848, %dot_general3A_849 {dimension_numbers = #tpu.dot_dimension_numbers<[1], [1], [0], [0], [0, 0, 1, 0], [], []>, transpose_lhs_hint = false} : vector<128x128xf32>, vector<32x128xf32>, vector<128x32xf32> -> vector<128x32xf32>
    %swap3A_851 = arith.constant 1536 : index
    %swap3A_852 = arith.constant 64 : index
    %swap3A_853 = vector.load %arg5[%swap3A_851, %swap3A_852] : memref<8192x128xf32, #tpu.memory_space<vmem>>, vector<128x32xf32>
    tpu.vector_store %arg5[%swap3A_851, %swap3A_852], %dot_general3A_850 {strides = array<i32>} : memref<8192x128xf32, #tpu.memory_space<vmem>>, vector<128x32xf32>,
    %slice3A_854 = vector.extract_strided_slice %get3A_775 {offsets = [0, 1664], sizes = [32, 128], strides = [1, 1]} : vector<32x8192xf32> to vector<32x128xf32>
    %dot_general3A_855 = arith.constant dense<0.000000e+00> : vector<128x32xf32>
    %dot_general3A_856 = tpu.matmul %select_n3A, %slice3A_854, %dot_general3A_855 {dimension_numbers = #tpu.dot_dimension_numbers<[1], [1], [0], [0], [0, 0, 1, 0], [], []>, transpose_lhs_hint = false} : vector<128x128xf32>, vector<32x128xf32>, vector<128x32xf32> -> vector<128x32xf32>
    %swap3A_857 = arith.constant 1664 : index
    %swap3A_858 = arith.constant 64 : index
    %swap3A_859 = vector.load %arg5[%swap3A_857, %swap3A_858] : memref<8192x128xf32, #tpu.memory_space<vmem>>, vector<128x32xf32>
    tpu.vector_store %arg5[%swap3A_857, %swap3A_858], %dot_general3A_856 {strides = array<i32>} : memref<8192x128xf32, #tpu.memory_space<vmem>>, vector<128x32xf32>,
    %slice3A_860 = vector.extract_strided_slice %get3A_775 {offsets = [0, 1792], sizes = [32, 128], strides = [1, 1]} : vector<32x8192xf32> to vector<32x128xf32>
    %dot_general3A_861 = arith.constant dense<0.000000e+00> : vector<128x32xf32>
    %dot_general3A_862 = tpu.matmul %select_n3A, %slice3A_860, %dot_general3A_861 {dimension_numbers = #tpu.dot_dimension_numbers<[1], [1], [0], [0], [0, 0, 1, 0], [], []>, transpose_lhs_hint = false} : vector<128x128xf32>, vector<32x128xf32>, vector<128x32xf32> -> vector<128x32xf32>
    %swap3A_863 = arith.constant 1792 : index
    %swap3A_864 = arith.constant 64 : index
    %swap3A_865 = vector.load %arg5[%swap3A_863, %swap3A_864] : memref<8192x128xf32, #tpu.memory_space<vmem>>, vector<128x32xf32>
    tpu.vector_store %arg5[%swap3A_863, %swap3A_864], %dot_general3A_862 {strides = array<i32>} : memref<8192x128xf32, #tpu.memory_space<vmem>>, vector<128x32xf32>,
    %slice3A_866 = vector.extract_strided_slice %get3A_775 {offsets = [0, 1920], sizes = [32, 128], strides = [1, 1]} : vector<32x8192xf32> to vector<32x128xf32>
    %dot_general3A_867 = arith.constant dense<0.000000e+00> : vector<128x32xf32>
    %dot_general3A_868 = tpu.matmul %select_n3A, %slice3A_866, %dot_general3A_867 {dimension_numbers = #tpu.dot_dimension_numbers<[1], [1], [0], [0], [0, 0, 1, 0], [], []>, transpose_lhs_hint = false} : vector<128x128xf32>, vector<32x128xf32>, vector<128x32xf32> -> vector<128x32xf32>
    %swap3A_869 = arith.constant 1920 : index
    %swap3A_870 = arith.constant 64 : index
    %swap3A_871 = vector.load %arg5[%swap3A_869, %swap3A_870] : memref<8192x128xf32, #tpu.memory_space<vmem>>, vector<128x32xf32>
    tpu.vector_store %arg5[%swap3A_869, %swap3A_870], %dot_general3A_868 {strides = array<i32>} : memref<8192x128xf32, #tpu.memory_space<vmem>>, vector<128x32xf32>,
    %slice3A_872 = vector.extract_strided_slice %get3A_775 {offsets = [0, 2048], sizes = [32, 128], strides = [1, 1]} : vector<32x8192xf32> to vector<32x128xf32>
    %dot_general3A_873 = arith.constant dense<0.000000e+00> : vector<128x32xf32>
    %dot_general3A_874 = tpu.matmul %select_n3A, %slice3A_872, %dot_general3A_873 {dimension_numbers = #tpu.dot_dimension_numbers<[1], [1], [0], [0], [0, 0, 1, 0], [], []>, transpose_lhs_hint = false} : vector<128x128xf32>, vector<32x128xf32>, vector<128x32xf32> -> vector<128x32xf32>
    %swap3A_875 = arith.constant 2048 : index
    %swap3A_876 = arith.constant 64 : index
    %swap3A_877 = vector.load %arg5[%swap3A_875, %swap3A_876] : memref<8192x128xf32, #tpu.memory_space<vmem>>, vector<128x32xf32>
    tpu.vector_store %arg5[%swap3A_875, %swap3A_876], %dot_general3A_874 {strides = array<i32>} : memref<8192x128xf32, #tpu.memory_space<vmem>>, vector<128x32xf32>,
    %slice3A_878 = vector.extract_strided_slice %get3A_775 {offsets = [0, 2176], sizes = [32, 128], strides = [1, 1]} : vector<32x8192xf32> to vector<32x128xf32>
    %dot_general3A_879 = arith.constant dense<0.000000e+00> : vector<128x32xf32>
    %dot_general3A_880 = tpu.matmul %select_n3A, %slice3A_878, %dot_general3A_879 {dimension_numbers = #tpu.dot_dimension_numbers<[1], [1], [0], [0], [0, 0, 1, 0], [], []>, transpose_lhs_hint = false} : vector<128x128xf32>, vector<32x128xf32>, vector<128x32xf32> -> vector<128x32xf32>
    %swap3A_881 = arith.constant 2176 : index
    %swap3A_882 = arith.constant 64 : index
    %swap3A_883 = vector.load %arg5[%swap3A_881, %swap3A_882] : memref<8192x128xf32, #tpu.memory_space<vmem>>, vector<128x32xf32>
    tpu.vector_store %arg5[%swap3A_881, %swap3A_882], %dot_general3A_880 {strides = array<i32>} : memref<8192x128xf32, #tpu.memory_space<vmem>>, vector<128x32xf32>,
    %slice3A_884 = vector.extract_strided_slice %get3A_775 {offsets = [0, 2304], sizes = [32, 128], strides = [1, 1]} : vector<32x8192xf32> to vector<32x128xf32>
    %dot_general3A_885 = arith.constant dense<0.000000e+00> : vector<128x32xf32>
    %dot_general3A_886 = tpu.matmul %select_n3A, %slice3A_884, %dot_general3A_885 {dimension_numbers = #tpu.dot_dimension_numbers<[1], [1], [0], [0], [0, 0, 1, 0], [], []>, transpose_lhs_hint = false} : vector<128x128xf32>, vector<32x128xf32>, vector<128x32xf32> -> vector<128x32xf32>
    %swap3A_887 = arith.constant 2304 : index
    %swap3A_888 = arith.constant 64 : index
    %swap3A_889 = vector.load %arg5[%swap3A_887, %swap3A_888] : memref<8192x128xf32, #tpu.memory_space<vmem>>, vector<128x32xf32>
    tpu.vector_store %arg5[%swap3A_887, %swap3A_888], %dot_general3A_886 {strides = array<i32>} : memref<8192x128xf32, #tpu.memory_space<vmem>>, vector<128x32xf32>,
    %slice3A_890 = vector.extract_strided_slice %get3A_775 {offsets = [0, 2432], sizes = [32, 128], strides = [1, 1]} : vector<32x8192xf32> to vector<32x128xf32>
    %dot_general3A_891 = arith.constant dense<0.000000e+00> : vector<128x32xf32>
    %dot_general3A_892 = tpu.matmul %select_n3A, %slice3A_890, %dot_general3A_891 {dimension_numbers = #tpu.dot_dimension_numbers<[1], [1], [0], [0], [0, 0, 1, 0], [], []>, transpose_lhs_hint = false} : vector<128x128xf32>, vector<32x128xf32>, vector<128x32xf32> -> vector<128x32xf32>
    %swap3A_893 = arith.constant 2432 : index
    %swap3A_894 = arith.constant 64 : index
    %swap3A_895 = vector.load %arg5[%swap3A_893, %swap3A_894] : memref<8192x128xf32, #tpu.memory_space<vmem>>, vector<128x32xf32>
    tpu.vector_store %arg5[%swap3A_893, %swap3A_894], %dot_general3A_892 {strides = array<i32>} : memref<8192x128xf32, #tpu.memory_space<vmem>>, vector<128x32xf32>,
    %slice3A_896 = vector.extract_strided_slice %get3A_775 {offsets = [0, 2560], sizes = [32, 128], strides = [1, 1]} : vector<32x8192xf32> to vector<32x128xf32>
    %dot_general3A_897 = arith.constant dense<0.000000e+00> : vector<128x32xf32>
    %dot_general3A_898 = tpu.matmul %select_n3A, %slice3A_896, %dot_general3A_897 {dimension_numbers = #tpu.dot_dimension_numbers<[1], [1], [0], [0], [0, 0, 1, 0], [], []>, transpose_lhs_hint = false} : vector<128x128xf32>, vector<32x128xf32>, vector<128x32xf32> -> vector<128x32xf32>
    %swap3A_899 = arith.constant 2560 : index
    %swap3A_900 = arith.constant 64 : index
    %swap3A_901 = vector.load %arg5[%swap3A_899, %swap3A_900] : memref<8192x128xf32, #tpu.memory_space<vmem>>, vector<128x32xf32>
    tpu.vector_store %arg5[%swap3A_899, %swap3A_900], %dot_general3A_898 {strides = array<i32>} : memref<8192x128xf32, #tpu.memory_space<vmem>>, vector<128x32xf32>,
    %slice3A_902 = vector.extract_strided_slice %get3A_775 {offsets = [0, 2688], sizes = [32, 128], strides = [1, 1]} : vector<32x8192xf32> to vector<32x128xf32>
    %dot_general3A_903 = arith.constant dense<0.000000e+00> : vector<128x32xf32>
    %dot_general3A_904 = tpu.matmul %select_n3A, %slice3A_902, %dot_general3A_903 {dimension_numbers = #tpu.dot_dimension_numbers<[1], [1], [0], [0], [0, 0, 1, 0], [], []>, transpose_lhs_hint = false} : vector<128x128xf32>, vector<32x128xf32>, vector<128x32xf32> -> vector<128x32xf32>
    %swap3A_905 = arith.constant 2688 : index
    %swap3A_906 = arith.constant 64 : index
    %swap3A_907 = vector.load %arg5[%swap3A_905, %swap3A_906] : memref<8192x128xf32, #tpu.memory_space<vmem>>, vector<128x32xf32>
    tpu.vector_store %arg5[%swap3A_905, %swap3A_906], %dot_general3A_904 {strides = array<i32>} : memref<8192x128xf32, #tpu.memory_space<vmem>>, vector<128x32xf32>,
    %slice3A_908 = vector.extract_strided_slice %get3A_775 {offsets = [0, 2816], sizes = [32, 128], strides = [1, 1]} : vector<32x8192xf32> to vector<32x128xf32>
    %dot_general3A_909 = arith.constant dense<0.000000e+00> : vector<128x32xf32>
    %dot_general3A_910 = tpu.matmul %select_n3A, %slice3A_908, %dot_general3A_909 {dimension_numbers = #tpu.dot_dimension_numbers<[1], [1], [0], [0], [0, 0, 1, 0], [], []>, transpose_lhs_hint = false} : vector<128x128xf32>, vector<32x128xf32>, vector<128x32xf32> -> vector<128x32xf32>
    %swap3A_911 = arith.constant 2816 : index
    %swap3A_912 = arith.constant 64 : index
    %swap3A_913 = vector.load %arg5[%swap3A_911, %swap3A_912] : memref<8192x128xf32, #tpu.memory_space<vmem>>, vector<128x32xf32>
    tpu.vector_store %arg5[%swap3A_911, %swap3A_912], %dot_general3A_910 {strides = array<i32>} : memref<8192x128xf32, #tpu.memory_space<vmem>>, vector<128x32xf32>,
    %slice3A_914 = vector.extract_strided_slice %get3A_775 {offsets = [0, 2944], sizes = [32, 128], strides = [1, 1]} : vector<32x8192xf32> to vector<32x128xf32>
    %dot_general3A_915 = arith.constant dense<0.000000e+00> : vector<128x32xf32>
    %dot_general3A_916 = tpu.matmul %select_n3A, %slice3A_914, %dot_general3A_915 {dimension_numbers = #tpu.dot_dimension_numbers<[1], [1], [0], [0], [0, 0, 1, 0], [], []>, transpose_lhs_hint = false} : vector<128x128xf32>, vector<32x128xf32>, vector<128x32xf32> -> vector<128x32xf32>
    %swap3A_917 = arith.constant 2944 : index
    %swap3A_918 = arith.constant 64 : index
    %swap3A_919 = vector.load %arg5[%swap3A_917, %swap3A_918] : memref<8192x128xf32, #tpu.memory_space<vmem>>, vector<128x32xf32>
    tpu.vector_store %arg5[%swap3A_917, %swap3A_918], %dot_general3A_916 {strides = array<i32>} : memref<8192x128xf32, #tpu.memory_space<vmem>>, vector<128x32xf32>,
    %slice3A_920 = vector.extract_strided_slice %get3A_775 {offsets = [0, 3072], sizes = [32, 128], strides = [1, 1]} : vector<32x8192xf32> to vector<32x128xf32>
    %dot_general3A_921 = arith.constant dense<0.000000e+00> : vector<128x32xf32>
    %dot_general3A_922 = tpu.matmul %select_n3A, %slice3A_920, %dot_general3A_921 {dimension_numbers = #tpu.dot_dimension_numbers<[1], [1], [0], [0], [0, 0, 1, 0], [], []>, transpose_lhs_hint = false} : vector<128x128xf32>, vector<32x128xf32>, vector<128x32xf32> -> vector<128x32xf32>
    %swap3A_923 = arith.constant 3072 : index
    %swap3A_924 = arith.constant 64 : index
    %swap3A_925 = vector.load %arg5[%swap3A_923, %swap3A_924] : memref<8192x128xf32, #tpu.memory_space<vmem>>, vector<128x32xf32>
    tpu.vector_store %arg5[%swap3A_923, %swap3A_924], %dot_general3A_922 {strides = array<i32>} : memref<8192x128xf32, #tpu.memory_space<vmem>>, vector<128x32xf32>,
    %slice3A_926 = vector.extract_strided_slice %get3A_775 {offsets = [0, 3200], sizes = [32, 128], strides = [1, 1]} : vector<32x8192xf32> to vector<32x128xf32>
    %dot_general3A_927 = arith.constant dense<0.000000e+00> : vector<128x32xf32>
    %dot_general3A_928 = tpu.matmul %select_n3A, %slice3A_926, %dot_general3A_927 {dimension_numbers = #tpu.dot_dimension_numbers<[1], [1], [0], [0], [0, 0, 1, 0], [], []>, transpose_lhs_hint = false} : vector<128x128xf32>, vector<32x128xf32>, vector<128x32xf32> -> vector<128x32xf32>
    %swap3A_929 = arith.constant 3200 : index
    %swap3A_930 = arith.constant 64 : index
    %swap3A_931 = vector.load %arg5[%swap3A_929, %swap3A_930] : memref<8192x128xf32, #tpu.memory_space<vmem>>, vector<128x32xf32>
    tpu.vector_store %arg5[%swap3A_929, %swap3A_930], %dot_general3A_928 {strides = array<i32>} : memref<8192x128xf32, #tpu.memory_space<vmem>>, vector<128x32xf32>,
    %slice3A_932 = vector.extract_strided_slice %get3A_775 {offsets = [0, 3328], sizes = [32, 128], strides = [1, 1]} : vector<32x8192xf32> to vector<32x128xf32>
    %dot_general3A_933 = arith.constant dense<0.000000e+00> : vector<128x32xf32>
    %dot_general3A_934 = tpu.matmul %select_n3A, %slice3A_932, %dot_general3A_933 {dimension_numbers = #tpu.dot_dimension_numbers<[1], [1], [0], [0], [0, 0, 1, 0], [], []>, transpose_lhs_hint = false} : vector<128x128xf32>, vector<32x128xf32>, vector<128x32xf32> -> vector<128x32xf32>
    %swap3A_935 = arith.constant 3328 : index
    %swap3A_936 = arith.constant 64 : index
    %swap3A_937 = vector.load %arg5[%swap3A_935, %swap3A_936] : memref<8192x128xf32, #tpu.memory_space<vmem>>, vector<128x32xf32>
    tpu.vector_store %arg5[%swap3A_935, %swap3A_936], %dot_general3A_934 {strides = array<i32>} : memref<8192x128xf32, #tpu.memory_space<vmem>>, vector<128x32xf32>,
    %slice3A_938 = vector.extract_strided_slice %get3A_775 {offsets = [0, 3456], sizes = [32, 128], strides = [1, 1]} : vector<32x8192xf32> to vector<32x128xf32>
    %dot_general3A_939 = arith.constant dense<0.000000e+00> : vector<128x32xf32>
    %dot_general3A_940 = tpu.matmul %select_n3A, %slice3A_938, %dot_general3A_939 {dimension_numbers = #tpu.dot_dimension_numbers<[1], [1], [0], [0], [0, 0, 1, 0], [], []>, transpose_lhs_hint = false} : vector<128x128xf32>, vector<32x128xf32>, vector<128x32xf32> -> vector<128x32xf32>
    %swap3A_941 = arith.constant 3456 : index
    %swap3A_942 = arith.constant 64 : index
    %swap3A_943 = vector.load %arg5[%swap3A_941, %swap3A_942] : memref<8192x128xf32, #tpu.memory_space<vmem>>, vector<128x32xf32>
    tpu.vector_store %arg5[%swap3A_941, %swap3A_942], %dot_general3A_940 {strides = array<i32>} : memref<8192x128xf32, #tpu.memory_space<vmem>>, vector<128x32xf32>,
    %slice3A_944 = vector.extract_strided_slice %get3A_775 {offsets = [0, 3584], sizes = [32, 128], strides = [1, 1]} : vector<32x8192xf32> to vector<32x128xf32>
    %dot_general3A_945 = arith.constant dense<0.000000e+00> : vector<128x32xf32>
    %dot_general3A_946 = tpu.matmul %select_n3A, %slice3A_944, %dot_general3A_945 {dimension_numbers = #tpu.dot_dimension_numbers<[1], [1], [0], [0], [0, 0, 1, 0], [], []>, transpose_lhs_hint = false} : vector<128x128xf32>, vector<32x128xf32>, vector<128x32xf32> -> vector<128x32xf32>
    %swap3A_947 = arith.constant 3584 : index
    %swap3A_948 = arith.constant 64 : index
    %swap3A_949 = vector.load %arg5[%swap3A_947, %swap3A_948] : memref<8192x128xf32, #tpu.memory_space<vmem>>, vector<128x32xf32>
    tpu.vector_store %arg5[%swap3A_947, %swap3A_948], %dot_general3A_946 {strides = array<i32>} : memref<8192x128xf32, #tpu.memory_space<vmem>>, vector<128x32xf32>,
    %slice3A_950 = vector.extract_strided_slice %get3A_775 {offsets = [0, 3712], sizes = [32, 128], strides = [1, 1]} : vector<32x8192xf32> to vector<32x128xf32>
    %dot_general3A_951 = arith.constant dense<0.000000e+00> : vector<128x32xf32>
    %dot_general3A_952 = tpu.matmul %select_n3A, %slice3A_950, %dot_general3A_951 {dimension_numbers = #tpu.dot_dimension_numbers<[1], [1], [0], [0], [0, 0, 1, 0], [], []>, transpose_lhs_hint = false} : vector<128x128xf32>, vector<32x128xf32>, vector<128x32xf32> -> vector<128x32xf32>
    %swap3A_953 = arith.constant 3712 : index
    %swap3A_954 = arith.constant 64 : index
    %swap3A_955 = vector.load %arg5[%swap3A_953, %swap3A_954] : memref<8192x128xf32, #tpu.memory_space<vmem>>, vector<128x32xf32>
    tpu.vector_store %arg5[%swap3A_953, %swap3A_954], %dot_general3A_952 {strides = array<i32>} : memref<8192x128xf32, #tpu.memory_space<vmem>>, vector<128x32xf32>,
    %slice3A_956 = vector.extract_strided_slice %get3A_775 {offsets = [0, 3840], sizes = [32, 128], strides = [1, 1]} : vector<32x8192xf32> to vector<32x128xf32>
    %dot_general3A_957 = arith.constant dense<0.000000e+00> : vector<128x32xf32>
    %dot_general3A_958 = tpu.matmul %select_n3A, %slice3A_956, %dot_general3A_957 {dimension_numbers = #tpu.dot_dimension_numbers<[1], [1], [0], [0], [0, 0, 1, 0], [], []>, transpose_lhs_hint = false} : vector<128x128xf32>, vector<32x128xf32>, vector<128x32xf32> -> vector<128x32xf32>
    %swap3A_959 = arith.constant 3840 : index
    %swap3A_960 = arith.constant 64 : index
    %swap3A_961 = vector.load %arg5[%swap3A_959, %swap3A_960] : memref<8192x128xf32, #tpu.memory_space<vmem>>, vector<128x32xf32>
    tpu.vector_store %arg5[%swap3A_959, %swap3A_960], %dot_general3A_958 {strides = array<i32>} : memref<8192x128xf32, #tpu.memory_space<vmem>>, vector<128x32xf32>,
    %slice3A_962 = vector.extract_strided_slice %get3A_775 {offsets = [0, 3968], sizes = [32, 128], strides = [1, 1]} : vector<32x8192xf32> to vector<32x128xf32>
    %dot_general3A_963 = arith.constant dense<0.000000e+00> : vector<128x32xf32>
    %dot_general3A_964 = tpu.matmul %select_n3A, %slice3A_962, %dot_general3A_963 {dimension_numbers = #tpu.dot_dimension_numbers<[1], [1], [0], [0], [0, 0, 1, 0], [], []>, transpose_lhs_hint = false} : vector<128x128xf32>, vector<32x128xf32>, vector<128x32xf32> -> vector<128x32xf32>
    %swap3A_965 = arith.constant 3968 : index
    %swap3A_966 = arith.constant 64 : index
    %swap3A_967 = vector.load %arg5[%swap3A_965, %swap3A_966] : memref<8192x128xf32, #tpu.memory_space<vmem>>, vector<128x32xf32>
    tpu.vector_store %arg5[%swap3A_965, %swap3A_966], %dot_general3A_964 {strides = array<i32>} : memref<8192x128xf32, #tpu.memory_space<vmem>>, vector<128x32xf32>,
    %slice3A_968 = vector.extract_strided_slice %get3A_775 {offsets = [0, 4096], sizes = [32, 128], strides = [1, 1]} : vector<32x8192xf32> to vector<32x128xf32>
    %dot_general3A_969 = arith.constant dense<0.000000e+00> : vector<128x32xf32>
    %dot_general3A_970 = tpu.matmul %select_n3A, %slice3A_968, %dot_general3A_969 {dimension_numbers = #tpu.dot_dimension_numbers<[1], [1], [0], [0], [0, 0, 1, 0], [], []>, transpose_lhs_hint = false} : vector<128x128xf32>, vector<32x128xf32>, vector<128x32xf32> -> vector<128x32xf32>
    %swap3A_971 = arith.constant 4096 : index
    %swap3A_972 = arith.constant 64 : index
    %swap3A_973 = vector.load %arg5[%swap3A_971, %swap3A_972] : memref<8192x128xf32, #tpu.memory_space<vmem>>, vector<128x32xf32>
    tpu.vector_store %arg5[%swap3A_971, %swap3A_972], %dot_general3A_970 {strides = array<i32>} : memref<8192x128xf32, #tpu.memory_space<vmem>>, vector<128x32xf32>,
    %slice3A_974 = vector.extract_strided_slice %get3A_775 {offsets = [0, 4224], sizes = [32, 128], strides = [1, 1]} : vector<32x8192xf32> to vector<32x128xf32>
    %dot_general3A_975 = arith.constant dense<0.000000e+00> : vector<128x32xf32>
    %dot_general3A_976 = tpu.matmul %select_n3A, %slice3A_974, %dot_general3A_975 {dimension_numbers = #tpu.dot_dimension_numbers<[1], [1], [0], [0], [0, 0, 1, 0], [], []>, transpose_lhs_hint = false} : vector<128x128xf32>, vector<32x128xf32>, vector<128x32xf32> -> vector<128x32xf32>
    %swap3A_977 = arith.constant 4224 : index
    %swap3A_978 = arith.constant 64 : index
    %swap3A_979 = vector.load %arg5[%swap3A_977, %swap3A_978] : memref<8192x128xf32, #tpu.memory_space<vmem>>, vector<128x32xf32>
    tpu.vector_store %arg5[%swap3A_977, %swap3A_978], %dot_general3A_976 {strides = array<i32>} : memref<8192x128xf32, #tpu.memory_space<vmem>>, vector<128x32xf32>,
    %slice3A_980 = vector.extract_strided_slice %get3A_775 {offsets = [0, 4352], sizes = [32, 128], strides = [1, 1]} : vector<32x8192xf32> to vector<32x128xf32>
    %dot_general3A_981 = arith.constant dense<0.000000e+00> : vector<128x32xf32>
    %dot_general3A_982 = tpu.matmul %select_n3A, %slice3A_980, %dot_general3A_981 {dimension_numbers = #tpu.dot_dimension_numbers<[1], [1], [0], [0], [0, 0, 1, 0], [], []>, transpose_lhs_hint = false} : vector<128x128xf32>, vector<32x128xf32>, vector<128x32xf32> -> vector<128x32xf32>
    %swap3A_983 = arith.constant 4352 : index
    %swap3A_984 = arith.constant 64 : index
    %swap3A_985 = vector.load %arg5[%swap3A_983, %swap3A_984] : memref<8192x128xf32, #tpu.memory_space<vmem>>, vector<128x32xf32>
    tpu.vector_store %arg5[%swap3A_983, %swap3A_984], %dot_general3A_982 {strides = array<i32>} : memref<8192x128xf32, #tpu.memory_space<vmem>>, vector<128x32xf32>,
    %slice3A_986 = vector.extract_strided_slice %get3A_775 {offsets = [0, 4480], sizes = [32, 128], strides = [1, 1]} : vector<32x8192xf32> to vector<32x128xf32>
    %dot_general3A_987 = arith.constant dense<0.000000e+00> : vector<128x32xf32>
    %dot_general3A_988 = tpu.matmul %select_n3A, %slice3A_986, %dot_general3A_987 {dimension_numbers = #tpu.dot_dimension_numbers<[1], [1], [0], [0], [0, 0, 1, 0], [], []>, transpose_lhs_hint = false} : vector<128x128xf32>, vector<32x128xf32>, vector<128x32xf32> -> vector<128x32xf32>
    %swap3A_989 = arith.constant 4480 : index
    %swap3A_990 = arith.constant 64 : index
    %swap3A_991 = vector.load %arg5[%swap3A_989, %swap3A_990] : memref<8192x128xf32, #tpu.memory_space<vmem>>, vector<128x32xf32>
    tpu.vector_store %arg5[%swap3A_989, %swap3A_990], %dot_general3A_988 {strides = array<i32>} : memref<8192x128xf32, #tpu.memory_space<vmem>>, vector<128x32xf32>,
    %slice3A_992 = vector.extract_strided_slice %get3A_775 {offsets = [0, 4608], sizes = [32, 128], strides = [1, 1]} : vector<32x8192xf32> to vector<32x128xf32>
    %dot_general3A_993 = arith.constant dense<0.000000e+00> : vector<128x32xf32>
    %dot_general3A_994 = tpu.matmul %select_n3A, %slice3A_992, %dot_general3A_993 {dimension_numbers = #tpu.dot_dimension_numbers<[1], [1], [0], [0], [0, 0, 1, 0], [], []>, transpose_lhs_hint = false} : vector<128x128xf32>, vector<32x128xf32>, vector<128x32xf32> -> vector<128x32xf32>
    %swap3A_995 = arith.constant 4608 : index
    %swap3A_996 = arith.constant 64 : index
    %swap3A_997 = vector.load %arg5[%swap3A_995, %swap3A_996] : memref<8192x128xf32, #tpu.memory_space<vmem>>, vector<128x32xf32>
    tpu.vector_store %arg5[%swap3A_995, %swap3A_996], %dot_general3A_994 {strides = array<i32>} : memref<8192x128xf32, #tpu.memory_space<vmem>>, vector<128x32xf32>,
    %slice3A_998 = vector.extract_strided_slice %get3A_775 {offsets = [0, 4736], sizes = [32, 128], strides = [1, 1]} : vector<32x8192xf32> to vector<32x128xf32>
    %dot_general3A_999 = arith.constant dense<0.000000e+00> : vector<128x32xf32>
    %dot_general3A_1000 = tpu.matmul %select_n3A, %slice3A_998, %dot_general3A_999 {dimension_numbers = #tpu.dot_dimension_numbers<[1], [1], [0], [0], [0, 0, 1, 0], [], []>, transpose_lhs_hint = false} : vector<128x128xf32>, vector<32x128xf32>, vector<128x32xf32> -> vector<128x32xf32>
    %swap3A_1001 = arith.constant 4736 : index
    %swap3A_1002 = arith.constant 64 : index
    %swap3A_1003 = vector.load %arg5[%swap3A_1001, %swap3A_1002] : memref<8192x128xf32, #tpu.memory_space<vmem>>, vector<128x32xf32>
    tpu.vector_store %arg5[%swap3A_1001, %swap3A_1002], %dot_general3A_1000 {strides = array<i32>} : memref<8192x128xf32, #tpu.memory_space<vmem>>, vector<128x32xf32>,
    %slice3A_1004 = vector.extract_strided_slice %get3A_775 {offsets = [0, 4864], sizes = [32, 128], strides = [1, 1]} : vector<32x8192xf32> to vector<32x128xf32>
    %dot_general3A_1005 = arith.constant dense<0.000000e+00> : vector<128x32xf32>
    %dot_general3A_1006 = tpu.matmul %select_n3A, %slice3A_1004, %dot_general3A_1005 {dimension_numbers = #tpu.dot_dimension_numbers<[1], [1], [0], [0], [0, 0, 1, 0], [], []>, transpose_lhs_hint = false} : vector<128x128xf32>, vector<32x128xf32>, vector<128x32xf32> -> vector<128x32xf32>
    %swap3A_1007 = arith.constant 4864 : index
    %swap3A_1008 = arith.constant 64 : index
    %swap3A_1009 = vector.load %arg5[%swap3A_1007, %swap3A_1008] : memref<8192x128xf32, #tpu.memory_space<vmem>>, vector<128x32xf32>
    tpu.vector_store %arg5[%swap3A_1007, %swap3A_1008], %dot_general3A_1006 {strides = array<i32>} : memref<8192x128xf32, #tpu.memory_space<vmem>>, vector<128x32xf32>,
    %slice3A_1010 = vector.extract_strided_slice %get3A_775 {offsets = [0, 4992], sizes = [32, 128], strides = [1, 1]} : vector<32x8192xf32> to vector<32x128xf32>
    %dot_general3A_1011 = arith.constant dense<0.000000e+00> : vector<128x32xf32>
    %dot_general3A_1012 = tpu.matmul %select_n3A, %slice3A_1010, %dot_general3A_1011 {dimension_numbers = #tpu.dot_dimension_numbers<[1], [1], [0], [0], [0, 0, 1, 0], [], []>, transpose_lhs_hint = false} : vector<128x128xf32>, vector<32x128xf32>, vector<128x32xf32> -> vector<128x32xf32>
    %swap3A_1013 = arith.constant 4992 : index
    %swap3A_1014 = arith.constant 64 : index
    %swap3A_1015 = vector.load %arg5[%swap3A_1013, %swap3A_1014] : memref<8192x128xf32, #tpu.memory_space<vmem>>, vector<128x32xf32>
    tpu.vector_store %arg5[%swap3A_1013, %swap3A_1014], %dot_general3A_1012 {strides = array<i32>} : memref<8192x128xf32, #tpu.memory_space<vmem>>, vector<128x32xf32>,
    %slice3A_1016 = vector.extract_strided_slice %get3A_775 {offsets = [0, 5120], sizes = [32, 128], strides = [1, 1]} : vector<32x8192xf32> to vector<32x128xf32>
    %dot_general3A_1017 = arith.constant dense<0.000000e+00> : vector<128x32xf32>
    %dot_general3A_1018 = tpu.matmul %select_n3A, %slice3A_1016, %dot_general3A_1017 {dimension_numbers = #tpu.dot_dimension_numbers<[1], [1], [0], [0], [0, 0, 1, 0], [], []>, transpose_lhs_hint = false} : vector<128x128xf32>, vector<32x128xf32>, vector<128x32xf32> -> vector<128x32xf32>
    %swap3A_1019 = arith.constant 5120 : index
    %swap3A_1020 = arith.constant 64 : index
    %swap3A_1021 = vector.load %arg5[%swap3A_1019, %swap3A_1020] : memref<8192x128xf32, #tpu.memory_space<vmem>>, vector<128x32xf32>
    tpu.vector_store %arg5[%swap3A_1019, %swap3A_1020], %dot_general3A_1018 {strides = array<i32>} : memref<8192x128xf32, #tpu.memory_space<vmem>>, vector<128x32xf32>,
    %slice3A_1022 = vector.extract_strided_slice %get3A_775 {offsets = [0, 5248], sizes = [32, 128], strides = [1, 1]} : vector<32x8192xf32> to vector<32x128xf32>
    %dot_general3A_1023 = arith.constant dense<0.000000e+00> : vector<128x32xf32>
    %dot_general3A_1024 = tpu.matmul %select_n3A, %slice3A_1022, %dot_general3A_1023 {dimension_numbers = #tpu.dot_dimension_numbers<[1], [1], [0], [0], [0, 0, 1, 0], [], []>, transpose_lhs_hint = false} : vector<128x128xf32>, vector<32x128xf32>, vector<128x32xf32> -> vector<128x32xf32>
    %swap3A_1025 = arith.constant 5248 : index
    %swap3A_1026 = arith.constant 64 : index
    %swap3A_1027 = vector.load %arg5[%swap3A_1025, %swap3A_1026] : memref<8192x128xf32, #tpu.memory_space<vmem>>, vector<128x32xf32>
    tpu.vector_store %arg5[%swap3A_1025, %swap3A_1026], %dot_general3A_1024 {strides = array<i32>} : memref<8192x128xf32, #tpu.memory_space<vmem>>, vector<128x32xf32>,
    %slice3A_1028 = vector.extract_strided_slice %get3A_775 {offsets = [0, 5376], sizes = [32, 128], strides = [1, 1]} : vector<32x8192xf32> to vector<32x128xf32>
    %dot_general3A_1029 = arith.constant dense<0.000000e+00> : vector<128x32xf32>
    %dot_general3A_1030 = tpu.matmul %select_n3A, %slice3A_1028, %dot_general3A_1029 {dimension_numbers = #tpu.dot_dimension_numbers<[1], [1], [0], [0], [0, 0, 1, 0], [], []>, transpose_lhs_hint = false} : vector<128x128xf32>, vector<32x128xf32>, vector<128x32xf32> -> vector<128x32xf32>
    %swap3A_1031 = arith.constant 5376 : index
    %swap3A_1032 = arith.constant 64 : index
    %swap3A_1033 = vector.load %arg5[%swap3A_1031, %swap3A_1032] : memref<8192x128xf32, #tpu.memory_space<vmem>>, vector<128x32xf32>
    tpu.vector_store %arg5[%swap3A_1031, %swap3A_1032], %dot_general3A_1030 {strides = array<i32>} : memref<8192x128xf32, #tpu.memory_space<vmem>>, vector<128x32xf32>,
    %slice3A_1034 = vector.extract_strided_slice %get3A_775 {offsets = [0, 5504], sizes = [32, 128], strides = [1, 1]} : vector<32x8192xf32> to vector<32x128xf32>
    %dot_general3A_1035 = arith.constant dense<0.000000e+00> : vector<128x32xf32>
    %dot_general3A_1036 = tpu.matmul %select_n3A, %slice3A_1034, %dot_general3A_1035 {dimension_numbers = #tpu.dot_dimension_numbers<[1], [1], [0], [0], [0, 0, 1, 0], [], []>, transpose_lhs_hint = false} : vector<128x128xf32>, vector<32x128xf32>, vector<128x32xf32> -> vector<128x32xf32>
    %swap3A_1037 = arith.constant 5504 : index
    %swap3A_1038 = arith.constant 64 : index
    %swap3A_1039 = vector.load %arg5[%swap3A_1037, %swap3A_1038] : memref<8192x128xf32, #tpu.memory_space<vmem>>, vector<128x32xf32>
    tpu.vector_store %arg5[%swap3A_1037, %swap3A_1038], %dot_general3A_1036 {strides = array<i32>} : memref<8192x128xf32, #tpu.memory_space<vmem>>, vector<128x32xf32>,
    %slice3A_1040 = vector.extract_strided_slice %get3A_775 {offsets = [0, 5632], sizes = [32, 128], strides = [1, 1]} : vector<32x8192xf32> to vector<32x128xf32>
    %dot_general3A_1041 = arith.constant dense<0.000000e+00> : vector<128x32xf32>
    %dot_general3A_1042 = tpu.matmul %select_n3A, %slice3A_1040, %dot_general3A_1041 {dimension_numbers = #tpu.dot_dimension_numbers<[1], [1], [0], [0], [0, 0, 1, 0], [], []>, transpose_lhs_hint = false} : vector<128x128xf32>, vector<32x128xf32>, vector<128x32xf32> -> vector<128x32xf32>
    %swap3A_1043 = arith.constant 5632 : index
    %swap3A_1044 = arith.constant 64 : index
    %swap3A_1045 = vector.load %arg5[%swap3A_1043, %swap3A_1044] : memref<8192x128xf32, #tpu.memory_space<vmem>>, vector<128x32xf32>
    tpu.vector_store %arg5[%swap3A_1043, %swap3A_1044], %dot_general3A_1042 {strides = array<i32>} : memref<8192x128xf32, #tpu.memory_space<vmem>>, vector<128x32xf32>,
    %slice3A_1046 = vector.extract_strided_slice %get3A_775 {offsets = [0, 5760], sizes = [32, 128], strides = [1, 1]} : vector<32x8192xf32> to vector<32x128xf32>
    %dot_general3A_1047 = arith.constant dense<0.000000e+00> : vector<128x32xf32>
    %dot_general3A_1048 = tpu.matmul %select_n3A, %slice3A_1046, %dot_general3A_1047 {dimension_numbers = #tpu.dot_dimension_numbers<[1], [1], [0], [0], [0, 0, 1, 0], [], []>, transpose_lhs_hint = false} : vector<128x128xf32>, vector<32x128xf32>, vector<128x32xf32> -> vector<128x32xf32>
    %swap3A_1049 = arith.constant 5760 : index
    %swap3A_1050 = arith.constant 64 : index
    %swap3A_1051 = vector.load %arg5[%swap3A_1049, %swap3A_1050] : memref<8192x128xf32, #tpu.memory_space<vmem>>, vector<128x32xf32>
    tpu.vector_store %arg5[%swap3A_1049, %swap3A_1050], %dot_general3A_1048 {strides = array<i32>} : memref<8192x128xf32, #tpu.memory_space<vmem>>, vector<128x32xf32>,
    %slice3A_1052 = vector.extract_strided_slice %get3A_775 {offsets = [0, 5888], sizes = [32, 128], strides = [1, 1]} : vector<32x8192xf32> to vector<32x128xf32>
    %dot_general3A_1053 = arith.constant dense<0.000000e+00> : vector<128x32xf32>
    %dot_general3A_1054 = tpu.matmul %select_n3A, %slice3A_1052, %dot_general3A_1053 {dimension_numbers = #tpu.dot_dimension_numbers<[1], [1], [0], [0], [0, 0, 1, 0], [], []>, transpose_lhs_hint = false} : vector<128x128xf32>, vector<32x128xf32>, vector<128x32xf32> -> vector<128x32xf32>
    %swap3A_1055 = arith.constant 5888 : index
    %swap3A_1056 = arith.constant 64 : index
    %swap3A_1057 = vector.load %arg5[%swap3A_1055, %swap3A_1056] : memref<8192x128xf32, #tpu.memory_space<vmem>>, vector<128x32xf32>
    tpu.vector_store %arg5[%swap3A_1055, %swap3A_1056], %dot_general3A_1054 {strides = array<i32>} : memref<8192x128xf32, #tpu.memory_space<vmem>>, vector<128x32xf32>,
    %slice3A_1058 = vector.extract_strided_slice %get3A_775 {offsets = [0, 6016], sizes = [32, 128], strides = [1, 1]} : vector<32x8192xf32> to vector<32x128xf32>
    %dot_general3A_1059 = arith.constant dense<0.000000e+00> : vector<128x32xf32>
    %dot_general3A_1060 = tpu.matmul %select_n3A, %slice3A_1058, %dot_general3A_1059 {dimension_numbers = #tpu.dot_dimension_numbers<[1], [1], [0], [0], [0, 0, 1, 0], [], []>, transpose_lhs_hint = false} : vector<128x128xf32>, vector<32x128xf32>, vector<128x32xf32> -> vector<128x32xf32>
    %swap3A_1061 = arith.constant 6016 : index
    %swap3A_1062 = arith.constant 64 : index
    %swap3A_1063 = vector.load %arg5[%swap3A_1061, %swap3A_1062] : memref<8192x128xf32, #tpu.memory_space<vmem>>, vector<128x32xf32>
    tpu.vector_store %arg5[%swap3A_1061, %swap3A_1062], %dot_general3A_1060 {strides = array<i32>} : memref<8192x128xf32, #tpu.memory_space<vmem>>, vector<128x32xf32>,
    %slice3A_1064 = vector.extract_strided_slice %get3A_775 {offsets = [0, 6144], sizes = [32, 128], strides = [1, 1]} : vector<32x8192xf32> to vector<32x128xf32>
    %dot_general3A_1065 = arith.constant dense<0.000000e+00> : vector<128x32xf32>
    %dot_general3A_1066 = tpu.matmul %select_n3A, %slice3A_1064, %dot_general3A_1065 {dimension_numbers = #tpu.dot_dimension_numbers<[1], [1], [0], [0], [0, 0, 1, 0], [], []>, transpose_lhs_hint = false} : vector<128x128xf32>, vector<32x128xf32>, vector<128x32xf32> -> vector<128x32xf32>
    %swap3A_1067 = arith.constant 6144 : index
    %swap3A_1068 = arith.constant 64 : index
    %swap3A_1069 = vector.load %arg5[%swap3A_1067, %swap3A_1068] : memref<8192x128xf32, #tpu.memory_space<vmem>>, vector<128x32xf32>
    tpu.vector_store %arg5[%swap3A_1067, %swap3A_1068], %dot_general3A_1066 {strides = array<i32>} : memref<8192x128xf32, #tpu.memory_space<vmem>>, vector<128x32xf32>,
    %slice3A_1070 = vector.extract_strided_slice %get3A_775 {offsets = [0, 6272], sizes = [32, 128], strides = [1, 1]} : vector<32x8192xf32> to vector<32x128xf32>
    %dot_general3A_1071 = arith.constant dense<0.000000e+00> : vector<128x32xf32>
    %dot_general3A_1072 = tpu.matmul %select_n3A, %slice3A_1070, %dot_general3A_1071 {dimension_numbers = #tpu.dot_dimension_numbers<[1], [1], [0], [0], [0, 0, 1, 0], [], []>, transpose_lhs_hint = false} : vector<128x128xf32>, vector<32x128xf32>, vector<128x32xf32> -> vector<128x32xf32>
    %swap3A_1073 = arith.constant 6272 : index
    %swap3A_1074 = arith.constant 64 : index
    %swap3A_1075 = vector.load %arg5[%swap3A_1073, %swap3A_1074] : memref<8192x128xf32, #tpu.memory_space<vmem>>, vector<128x32xf32>
    tpu.vector_store %arg5[%swap3A_1073, %swap3A_1074], %dot_general3A_1072 {strides = array<i32>} : memref<8192x128xf32, #tpu.memory_space<vmem>>, vector<128x32xf32>,
    %slice3A_1076 = vector.extract_strided_slice %get3A_775 {offsets = [0, 6400], sizes = [32, 128], strides = [1, 1]} : vector<32x8192xf32> to vector<32x128xf32>
    %dot_general3A_1077 = arith.constant dense<0.000000e+00> : vector<128x32xf32>
    %dot_general3A_1078 = tpu.matmul %select_n3A, %slice3A_1076, %dot_general3A_1077 {dimension_numbers = #tpu.dot_dimension_numbers<[1], [1], [0], [0], [0, 0, 1, 0], [], []>, transpose_lhs_hint = false} : vector<128x128xf32>, vector<32x128xf32>, vector<128x32xf32> -> vector<128x32xf32>
    %swap3A_1079 = arith.constant 6400 : index
    %swap3A_1080 = arith.constant 64 : index
    %swap3A_1081 = vector.load %arg5[%swap3A_1079, %swap3A_1080] : memref<8192x128xf32, #tpu.memory_space<vmem>>, vector<128x32xf32>
    tpu.vector_store %arg5[%swap3A_1079, %swap3A_1080], %dot_general3A_1078 {strides = array<i32>} : memref<8192x128xf32, #tpu.memory_space<vmem>>, vector<128x32xf32>,
    %slice3A_1082 = vector.extract_strided_slice %get3A_775 {offsets = [0, 6528], sizes = [32, 128], strides = [1, 1]} : vector<32x8192xf32> to vector<32x128xf32>
    %dot_general3A_1083 = arith.constant dense<0.000000e+00> : vector<128x32xf32>
    %dot_general3A_1084 = tpu.matmul %select_n3A, %slice3A_1082, %dot_general3A_1083 {dimension_numbers = #tpu.dot_dimension_numbers<[1], [1], [0], [0], [0, 0, 1, 0], [], []>, transpose_lhs_hint = false} : vector<128x128xf32>, vector<32x128xf32>, vector<128x32xf32> -> vector<128x32xf32>
    %swap3A_1085 = arith.constant 6528 : index
    %swap3A_1086 = arith.constant 64 : index
    %swap3A_1087 = vector.load %arg5[%swap3A_1085, %swap3A_1086] : memref<8192x128xf32, #tpu.memory_space<vmem>>, vector<128x32xf32>
    tpu.vector_store %arg5[%swap3A_1085, %swap3A_1086], %dot_general3A_1084 {strides = array<i32>} : memref<8192x128xf32, #tpu.memory_space<vmem>>, vector<128x32xf32>,
    %slice3A_1088 = vector.extract_strided_slice %get3A_775 {offsets = [0, 6656], sizes = [32, 128], strides = [1, 1]} : vector<32x8192xf32> to vector<32x128xf32>
    %dot_general3A_1089 = arith.constant dense<0.000000e+00> : vector<128x32xf32>
    %dot_general3A_1090 = tpu.matmul %select_n3A, %slice3A_1088, %dot_general3A_1089 {dimension_numbers = #tpu.dot_dimension_numbers<[1], [1], [0], [0], [0, 0, 1, 0], [], []>, transpose_lhs_hint = false} : vector<128x128xf32>, vector<32x128xf32>, vector<128x32xf32> -> vector<128x32xf32>
    %swap3A_1091 = arith.constant 6656 : index
    %swap3A_1092 = arith.constant 64 : index
    %swap3A_1093 = vector.load %arg5[%swap3A_1091, %swap3A_1092] : memref<8192x128xf32, #tpu.memory_space<vmem>>, vector<128x32xf32>
    tpu.vector_store %arg5[%swap3A_1091, %swap3A_1092], %dot_general3A_1090 {strides = array<i32>} : memref<8192x128xf32, #tpu.memory_space<vmem>>, vector<128x32xf32>,
    %slice3A_1094 = vector.extract_strided_slice %get3A_775 {offsets = [0, 6784], sizes = [32, 128], strides = [1, 1]} : vector<32x8192xf32> to vector<32x128xf32>
    %dot_general3A_1095 = arith.constant dense<0.000000e+00> : vector<128x32xf32>
    %dot_general3A_1096 = tpu.matmul %select_n3A, %slice3A_1094, %dot_general3A_1095 {dimension_numbers = #tpu.dot_dimension_numbers<[1], [1], [0], [0], [0, 0, 1, 0], [], []>, transpose_lhs_hint = false} : vector<128x128xf32>, vector<32x128xf32>, vector<128x32xf32> -> vector<128x32xf32>
    %swap3A_1097 = arith.constant 6784 : index
    %swap3A_1098 = arith.constant 64 : index
    %swap3A_1099 = vector.load %arg5[%swap3A_1097, %swap3A_1098] : memref<8192x128xf32, #tpu.memory_space<vmem>>, vector<128x32xf32>
    tpu.vector_store %arg5[%swap3A_1097, %swap3A_1098], %dot_general3A_1096 {strides = array<i32>} : memref<8192x128xf32, #tpu.memory_space<vmem>>, vector<128x32xf32>,
    %slice3A_1100 = vector.extract_strided_slice %get3A_775 {offsets = [0, 6912], sizes = [32, 128], strides = [1, 1]} : vector<32x8192xf32> to vector<32x128xf32>
    %dot_general3A_1101 = arith.constant dense<0.000000e+00> : vector<128x32xf32>
    %dot_general3A_1102 = tpu.matmul %select_n3A, %slice3A_1100, %dot_general3A_1101 {dimension_numbers = #tpu.dot_dimension_numbers<[1], [1], [0], [0], [0, 0, 1, 0], [], []>, transpose_lhs_hint = false} : vector<128x128xf32>, vector<32x128xf32>, vector<128x32xf32> -> vector<128x32xf32>
    %swap3A_1103 = arith.constant 6912 : index
    %swap3A_1104 = arith.constant 64 : index
    %swap3A_1105 = vector.load %arg5[%swap3A_1103, %swap3A_1104] : memref<8192x128xf32, #tpu.memory_space<vmem>>, vector<128x32xf32>
    tpu.vector_store %arg5[%swap3A_1103, %swap3A_1104], %dot_general3A_1102 {strides = array<i32>} : memref<8192x128xf32, #tpu.memory_space<vmem>>, vector<128x32xf32>,
    %slice3A_1106 = vector.extract_strided_slice %get3A_775 {offsets = [0, 7040], sizes = [32, 128], strides = [1, 1]} : vector<32x8192xf32> to vector<32x128xf32>
    %dot_general3A_1107 = arith.constant dense<0.000000e+00> : vector<128x32xf32>
    %dot_general3A_1108 = tpu.matmul %select_n3A, %slice3A_1106, %dot_general3A_1107 {dimension_numbers = #tpu.dot_dimension_numbers<[1], [1], [0], [0], [0, 0, 1, 0], [], []>, transpose_lhs_hint = false} : vector<128x128xf32>, vector<32x128xf32>, vector<128x32xf32> -> vector<128x32xf32>
    %swap3A_1109 = arith.constant 7040 : index
    %swap3A_1110 = arith.constant 64 : index
    %swap3A_1111 = vector.load %arg5[%swap3A_1109, %swap3A_1110] : memref<8192x128xf32, #tpu.memory_space<vmem>>, vector<128x32xf32>
    tpu.vector_store %arg5[%swap3A_1109, %swap3A_1110], %dot_general3A_1108 {strides = array<i32>} : memref<8192x128xf32, #tpu.memory_space<vmem>>, vector<128x32xf32>,
    %slice3A_1112 = vector.extract_strided_slice %get3A_775 {offsets = [0, 7168], sizes = [32, 128], strides = [1, 1]} : vector<32x8192xf32> to vector<32x128xf32>
    %dot_general3A_1113 = arith.constant dense<0.000000e+00> : vector<128x32xf32>
    %dot_general3A_1114 = tpu.matmul %select_n3A, %slice3A_1112, %dot_general3A_1113 {dimension_numbers = #tpu.dot_dimension_numbers<[1], [1], [0], [0], [0, 0, 1, 0], [], []>, transpose_lhs_hint = false} : vector<128x128xf32>, vector<32x128xf32>, vector<128x32xf32> -> vector<128x32xf32>
    %swap3A_1115 = arith.constant 7168 : index
    %swap3A_1116 = arith.constant 64 : index
    %swap3A_1117 = vector.load %arg5[%swap3A_1115, %swap3A_1116] : memref<8192x128xf32, #tpu.memory_space<vmem>>, vector<128x32xf32>
    tpu.vector_store %arg5[%swap3A_1115, %swap3A_1116], %dot_general3A_1114 {strides = array<i32>} : memref<8192x128xf32, #tpu.memory_space<vmem>>, vector<128x32xf32>,
    %slice3A_1118 = vector.extract_strided_slice %get3A_775 {offsets = [0, 7296], sizes = [32, 128], strides = [1, 1]} : vector<32x8192xf32> to vector<32x128xf32>
    %dot_general3A_1119 = arith.constant dense<0.000000e+00> : vector<128x32xf32>
    %dot_general3A_1120 = tpu.matmul %select_n3A, %slice3A_1118, %dot_general3A_1119 {dimension_numbers = #tpu.dot_dimension_numbers<[1], [1], [0], [0], [0, 0, 1, 0], [], []>, transpose_lhs_hint = false} : vector<128x128xf32>, vector<32x128xf32>, vector<128x32xf32> -> vector<128x32xf32>
    %swap3A_1121 = arith.constant 7296 : index
    %swap3A_1122 = arith.constant 64 : index
    %swap3A_1123 = vector.load %arg5[%swap3A_1121, %swap3A_1122] : memref<8192x128xf32, #tpu.memory_space<vmem>>, vector<128x32xf32>
    tpu.vector_store %arg5[%swap3A_1121, %swap3A_1122], %dot_general3A_1120 {strides = array<i32>} : memref<8192x128xf32, #tpu.memory_space<vmem>>, vector<128x32xf32>,
    %slice3A_1124 = vector.extract_strided_slice %get3A_775 {offsets = [0, 7424], sizes = [32, 128], strides = [1, 1]} : vector<32x8192xf32> to vector<32x128xf32>
    %dot_general3A_1125 = arith.constant dense<0.000000e+00> : vector<128x32xf32>
    %dot_general3A_1126 = tpu.matmul %select_n3A, %slice3A_1124, %dot_general3A_1125 {dimension_numbers = #tpu.dot_dimension_numbers<[1], [1], [0], [0], [0, 0, 1, 0], [], []>, transpose_lhs_hint = false} : vector<128x128xf32>, vector<32x128xf32>, vector<128x32xf32> -> vector<128x32xf32>
    %swap3A_1127 = arith.constant 7424 : index
    %swap3A_1128 = arith.constant 64 : index
    %swap3A_1129 = vector.load %arg5[%swap3A_1127, %swap3A_1128] : memref<8192x128xf32, #tpu.memory_space<vmem>>, vector<128x32xf32>
    tpu.vector_store %arg5[%swap3A_1127, %swap3A_1128], %dot_general3A_1126 {strides = array<i32>} : memref<8192x128xf32, #tpu.memory_space<vmem>>, vector<128x32xf32>,
    %slice3A_1130 = vector.extract_strided_slice %get3A_775 {offsets = [0, 7552], sizes = [32, 128], strides = [1, 1]} : vector<32x8192xf32> to vector<32x128xf32>
    %dot_general3A_1131 = arith.constant dense<0.000000e+00> : vector<128x32xf32>
    %dot_general3A_1132 = tpu.matmul %select_n3A, %slice3A_1130, %dot_general3A_1131 {dimension_numbers = #tpu.dot_dimension_numbers<[1], [1], [0], [0], [0, 0, 1, 0], [], []>, transpose_lhs_hint = false} : vector<128x128xf32>, vector<32x128xf32>, vector<128x32xf32> -> vector<128x32xf32>
    %swap3A_1133 = arith.constant 7552 : index
    %swap3A_1134 = arith.constant 64 : index
    %swap3A_1135 = vector.load %arg5[%swap3A_1133, %swap3A_1134] : memref<8192x128xf32, #tpu.memory_space<vmem>>, vector<128x32xf32>
    tpu.vector_store %arg5[%swap3A_1133, %swap3A_1134], %dot_general3A_1132 {strides = array<i32>} : memref<8192x128xf32, #tpu.memory_space<vmem>>, vector<128x32xf32>,
    %slice3A_1136 = vector.extract_strided_slice %get3A_775 {offsets = [0, 7680], sizes = [32, 128], strides = [1, 1]} : vector<32x8192xf32> to vector<32x128xf32>
    %dot_general3A_1137 = arith.constant dense<0.000000e+00> : vector<128x32xf32>
    %dot_general3A_1138 = tpu.matmul %select_n3A, %slice3A_1136, %dot_general3A_1137 {dimension_numbers = #tpu.dot_dimension_numbers<[1], [1], [0], [0], [0, 0, 1, 0], [], []>, transpose_lhs_hint = false} : vector<128x128xf32>, vector<32x128xf32>, vector<128x32xf32> -> vector<128x32xf32>
    %swap3A_1139 = arith.constant 7680 : index
    %swap3A_1140 = arith.constant 64 : index
    %swap3A_1141 = vector.load %arg5[%swap3A_1139, %swap3A_1140] : memref<8192x128xf32, #tpu.memory_space<vmem>>, vector<128x32xf32>
    tpu.vector_store %arg5[%swap3A_1139, %swap3A_1140], %dot_general3A_1138 {strides = array<i32>} : memref<8192x128xf32, #tpu.memory_space<vmem>>, vector<128x32xf32>,
    %slice3A_1142 = vector.extract_strided_slice %get3A_775 {offsets = [0, 7808], sizes = [32, 128], strides = [1, 1]} : vector<32x8192xf32> to vector<32x128xf32>
    %dot_general3A_1143 = arith.constant dense<0.000000e+00> : vector<128x32xf32>
    %dot_general3A_1144 = tpu.matmul %select_n3A, %slice3A_1142, %dot_general3A_1143 {dimension_numbers = #tpu.dot_dimension_numbers<[1], [1], [0], [0], [0, 0, 1, 0], [], []>, transpose_lhs_hint = false} : vector<128x128xf32>, vector<32x128xf32>, vector<128x32xf32> -> vector<128x32xf32>
    %swap3A_1145 = arith.constant 7808 : index
    %swap3A_1146 = arith.constant 64 : index
    %swap3A_1147 = vector.load %arg5[%swap3A_1145, %swap3A_1146] : memref<8192x128xf32, #tpu.memory_space<vmem>>, vector<128x32xf32>
    tpu.vector_store %arg5[%swap3A_1145, %swap3A_1146], %dot_general3A_1144 {strides = array<i32>} : memref<8192x128xf32, #tpu.memory_space<vmem>>, vector<128x32xf32>,
    %slice3A_1148 = vector.extract_strided_slice %get3A_775 {offsets = [0, 7936], sizes = [32, 128], strides = [1, 1]} : vector<32x8192xf32> to vector<32x128xf32>
    %dot_general3A_1149 = arith.constant dense<0.000000e+00> : vector<128x32xf32>
    %dot_general3A_1150 = tpu.matmul %select_n3A, %slice3A_1148, %dot_general3A_1149 {dimension_numbers = #tpu.dot_dimension_numbers<[1], [1], [0], [0], [0, 0, 1, 0], [], []>, transpose_lhs_hint = false} : vector<128x128xf32>, vector<32x128xf32>, vector<128x32xf32> -> vector<128x32xf32>
    %swap3A_1151 = arith.constant 7936 : index
    %swap3A_1152 = arith.constant 64 : index
    %swap3A_1153 = vector.load %arg5[%swap3A_1151, %swap3A_1152] : memref<8192x128xf32, #tpu.memory_space<vmem>>, vector<128x32xf32>
    tpu.vector_store %arg5[%swap3A_1151, %swap3A_1152], %dot_general3A_1150 {strides = array<i32>} : memref<8192x128xf32, #tpu.memory_space<vmem>>, vector<128x32xf32>,
    %slice3A_1154 = vector.extract_strided_slice %get3A_775 {offsets = [0, 8064], sizes = [32, 128], strides = [1, 1]} : vector<32x8192xf32> to vector<32x128xf32>
    %dot_general3A_1155 = arith.constant dense<0.000000e+00> : vector<128x32xf32>
    %dot_general3A_1156 = tpu.matmul %select_n3A, %slice3A_1154, %dot_general3A_1155 {dimension_numbers = #tpu.dot_dimension_numbers<[1], [1], [0], [0], [0, 0, 1, 0], [], []>, transpose_lhs_hint = false} : vector<128x128xf32>, vector<32x128xf32>, vector<128x32xf32> -> vector<128x32xf32>
    %swap3A_1157 = arith.constant 8064 : index
    %swap3A_1158 = arith.constant 64 : index
    %swap3A_1159 = vector.load %arg5[%swap3A_1157, %swap3A_1158] : memref<8192x128xf32, #tpu.memory_space<vmem>>, vector<128x32xf32>
    tpu.vector_store %arg5[%swap3A_1157, %swap3A_1158], %dot_general3A_1156 {strides = array<i32>} : memref<8192x128xf32, #tpu.memory_space<vmem>>, vector<128x32xf32>,
    %get3A_1160 = arith.constant 0 : index
    %get3A_1161 = arith.constant 0 : index
    %get3A_1162 = vector.load %arg4[%get3A_1160, %get3A_1161] : memref<32x8192xf32, #tpu.memory_space<vmem>>, vector<32x8192xf32>
    %slice3A_1163 = vector.extract_strided_slice %get3A_1162 {offsets = [0, 0], sizes = [32, 128], strides = [1, 1]} : vector<32x8192xf32> to vector<32x128xf32>
    %dot_general3A_1164 = arith.constant dense<0.000000e+00> : vector<128x32xf32>
    %dot_general3A_1165 = tpu.matmul %select_n3A, %slice3A_1163, %dot_general3A_1164 {dimension_numbers = #tpu.dot_dimension_numbers<[1], [1], [0], [0], [0, 0, 1, 0], [], []>, transpose_lhs_hint = false} : vector<128x128xf32>, vector<32x128xf32>, vector<128x32xf32> -> vector<128x32xf32>
    %swap3A_1166 = arith.constant 0 : index
    %swap3A_1167 = arith.constant 96 : index
    %swap3A_1168 = vector.load %arg5[%swap3A_1166, %swap3A_1167] : memref<8192x128xf32, #tpu.memory_space<vmem>>, vector<128x32xf32>
    tpu.vector_store %arg5[%swap3A_1166, %swap3A_1167], %dot_general3A_1165 {strides = array<i32>} : memref<8192x128xf32, #tpu.memory_space<vmem>>, vector<128x32xf32>,
    %slice3A_1169 = vector.extract_strided_slice %get3A_1162 {offsets = [0, 128], sizes = [32, 128], strides = [1, 1]} : vector<32x8192xf32> to vector<32x128xf32>
    %dot_general3A_1170 = arith.constant dense<0.000000e+00> : vector<128x32xf32>
    %dot_general3A_1171 = tpu.matmul %select_n3A, %slice3A_1169, %dot_general3A_1170 {dimension_numbers = #tpu.dot_dimension_numbers<[1], [1], [0], [0], [0, 0, 1, 0], [], []>, transpose_lhs_hint = false} : vector<128x128xf32>, vector<32x128xf32>, vector<128x32xf32> -> vector<128x32xf32>
    %swap3A_1172 = arith.constant 128 : index
    %swap3A_1173 = arith.constant 96 : index
    %swap3A_1174 = vector.load %arg5[%swap3A_1172, %swap3A_1173] : memref<8192x128xf32, #tpu.memory_space<vmem>>, vector<128x32xf32>
    tpu.vector_store %arg5[%swap3A_1172, %swap3A_1173], %dot_general3A_1171 {strides = array<i32>} : memref<8192x128xf32, #tpu.memory_space<vmem>>, vector<128x32xf32>,
    %slice3A_1175 = vector.extract_strided_slice %get3A_1162 {offsets = [0, 256], sizes = [32, 128], strides = [1, 1]} : vector<32x8192xf32> to vector<32x128xf32>
    %dot_general3A_1176 = arith.constant dense<0.000000e+00> : vector<128x32xf32>
    %dot_general3A_1177 = tpu.matmul %select_n3A, %slice3A_1175, %dot_general3A_1176 {dimension_numbers = #tpu.dot_dimension_numbers<[1], [1], [0], [0], [0, 0, 1, 0], [], []>, transpose_lhs_hint = false} : vector<128x128xf32>, vector<32x128xf32>, vector<128x32xf32> -> vector<128x32xf32>
    %swap3A_1178 = arith.constant 256 : index
    %swap3A_1179 = arith.constant 96 : index
    %swap3A_1180 = vector.load %arg5[%swap3A_1178, %swap3A_1179] : memref<8192x128xf32, #tpu.memory_space<vmem>>, vector<128x32xf32>
    tpu.vector_store %arg5[%swap3A_1178, %swap3A_1179], %dot_general3A_1177 {strides = array<i32>} : memref<8192x128xf32, #tpu.memory_space<vmem>>, vector<128x32xf32>,
    %slice3A_1181 = vector.extract_strided_slice %get3A_1162 {offsets = [0, 384], sizes = [32, 128], strides = [1, 1]} : vector<32x8192xf32> to vector<32x128xf32>
    %dot_general3A_1182 = arith.constant dense<0.000000e+00> : vector<128x32xf32>
    %dot_general3A_1183 = tpu.matmul %select_n3A, %slice3A_1181, %dot_general3A_1182 {dimension_numbers = #tpu.dot_dimension_numbers<[1], [1], [0], [0], [0, 0, 1, 0], [], []>, transpose_lhs_hint = false} : vector<128x128xf32>, vector<32x128xf32>, vector<128x32xf32> -> vector<128x32xf32>
    %swap3A_1184 = arith.constant 384 : index
    %swap3A_1185 = arith.constant 96 : index
    %swap3A_1186 = vector.load %arg5[%swap3A_1184, %swap3A_1185] : memref<8192x128xf32, #tpu.memory_space<vmem>>, vector<128x32xf32>
    tpu.vector_store %arg5[%swap3A_1184, %swap3A_1185], %dot_general3A_1183 {strides = array<i32>} : memref<8192x128xf32, #tpu.memory_space<vmem>>, vector<128x32xf32>,
    %slice3A_1187 = vector.extract_strided_slice %get3A_1162 {offsets = [0, 512], sizes = [32, 128], strides = [1, 1]} : vector<32x8192xf32> to vector<32x128xf32>
    %dot_general3A_1188 = arith.constant dense<0.000000e+00> : vector<128x32xf32>
    %dot_general3A_1189 = tpu.matmul %select_n3A, %slice3A_1187, %dot_general3A_1188 {dimension_numbers = #tpu.dot_dimension_numbers<[1], [1], [0], [0], [0, 0, 1, 0], [], []>, transpose_lhs_hint = false} : vector<128x128xf32>, vector<32x128xf32>, vector<128x32xf32> -> vector<128x32xf32>
    %swap3A_1190 = arith.constant 512 : index
    %swap3A_1191 = arith.constant 96 : index
    %swap3A_1192 = vector.load %arg5[%swap3A_1190, %swap3A_1191] : memref<8192x128xf32, #tpu.memory_space<vmem>>, vector<128x32xf32>
    tpu.vector_store %arg5[%swap3A_1190, %swap3A_1191], %dot_general3A_1189 {strides = array<i32>} : memref<8192x128xf32, #tpu.memory_space<vmem>>, vector<128x32xf32>,
    %slice3A_1193 = vector.extract_strided_slice %get3A_1162 {offsets = [0, 640], sizes = [32, 128], strides = [1, 1]} : vector<32x8192xf32> to vector<32x128xf32>
    %dot_general3A_1194 = arith.constant dense<0.000000e+00> : vector<128x32xf32>
    %dot_general3A_1195 = tpu.matmul %select_n3A, %slice3A_1193, %dot_general3A_1194 {dimension_numbers = #tpu.dot_dimension_numbers<[1], [1], [0], [0], [0, 0, 1, 0], [], []>, transpose_lhs_hint = false} : vector<128x128xf32>, vector<32x128xf32>, vector<128x32xf32> -> vector<128x32xf32>
    %swap3A_1196 = arith.constant 640 : index
    %swap3A_1197 = arith.constant 96 : index
    %swap3A_1198 = vector.load %arg5[%swap3A_1196, %swap3A_1197] : memref<8192x128xf32, #tpu.memory_space<vmem>>, vector<128x32xf32>
    tpu.vector_store %arg5[%swap3A_1196, %swap3A_1197], %dot_general3A_1195 {strides = array<i32>} : memref<8192x128xf32, #tpu.memory_space<vmem>>, vector<128x32xf32>,
    %slice3A_1199 = vector.extract_strided_slice %get3A_1162 {offsets = [0, 768], sizes = [32, 128], strides = [1, 1]} : vector<32x8192xf32> to vector<32x128xf32>
    %dot_general3A_1200 = arith.constant dense<0.000000e+00> : vector<128x32xf32>
    %dot_general3A_1201 = tpu.matmul %select_n3A, %slice3A_1199, %dot_general3A_1200 {dimension_numbers = #tpu.dot_dimension_numbers<[1], [1], [0], [0], [0, 0, 1, 0], [], []>, transpose_lhs_hint = false} : vector<128x128xf32>, vector<32x128xf32>, vector<128x32xf32> -> vector<128x32xf32>
    %swap3A_1202 = arith.constant 768 : index
    %swap3A_1203 = arith.constant 96 : index
    %swap3A_1204 = vector.load %arg5[%swap3A_1202, %swap3A_1203] : memref<8192x128xf32, #tpu.memory_space<vmem>>, vector<128x32xf32>
    tpu.vector_store %arg5[%swap3A_1202, %swap3A_1203], %dot_general3A_1201 {strides = array<i32>} : memref<8192x128xf32, #tpu.memory_space<vmem>>, vector<128x32xf32>,
    %slice3A_1205 = vector.extract_strided_slice %get3A_1162 {offsets = [0, 896], sizes = [32, 128], strides = [1, 1]} : vector<32x8192xf32> to vector<32x128xf32>
    %dot_general3A_1206 = arith.constant dense<0.000000e+00> : vector<128x32xf32>
    %dot_general3A_1207 = tpu.matmul %select_n3A, %slice3A_1205, %dot_general3A_1206 {dimension_numbers = #tpu.dot_dimension_numbers<[1], [1], [0], [0], [0, 0, 1, 0], [], []>, transpose_lhs_hint = false} : vector<128x128xf32>, vector<32x128xf32>, vector<128x32xf32> -> vector<128x32xf32>
    %swap3A_1208 = arith.constant 896 : index
    %swap3A_1209 = arith.constant 96 : index
    %swap3A_1210 = vector.load %arg5[%swap3A_1208, %swap3A_1209] : memref<8192x128xf32, #tpu.memory_space<vmem>>, vector<128x32xf32>
    tpu.vector_store %arg5[%swap3A_1208, %swap3A_1209], %dot_general3A_1207 {strides = array<i32>} : memref<8192x128xf32, #tpu.memory_space<vmem>>, vector<128x32xf32>,
    %slice3A_1211 = vector.extract_strided_slice %get3A_1162 {offsets = [0, 1024], sizes = [32, 128], strides = [1, 1]} : vector<32x8192xf32> to vector<32x128xf32>
    %dot_general3A_1212 = arith.constant dense<0.000000e+00> : vector<128x32xf32>
    %dot_general3A_1213 = tpu.matmul %select_n3A, %slice3A_1211, %dot_general3A_1212 {dimension_numbers = #tpu.dot_dimension_numbers<[1], [1], [0], [0], [0, 0, 1, 0], [], []>, transpose_lhs_hint = false} : vector<128x128xf32>, vector<32x128xf32>, vector<128x32xf32> -> vector<128x32xf32>
    %swap3A_1214 = arith.constant 1024 : index
    %swap3A_1215 = arith.constant 96 : index
    %swap3A_1216 = vector.load %arg5[%swap3A_1214, %swap3A_1215] : memref<8192x128xf32, #tpu.memory_space<vmem>>, vector<128x32xf32>
    tpu.vector_store %arg5[%swap3A_1214, %swap3A_1215], %dot_general3A_1213 {strides = array<i32>} : memref<8192x128xf32, #tpu.memory_space<vmem>>, vector<128x32xf32>,
    %slice3A_1217 = vector.extract_strided_slice %get3A_1162 {offsets = [0, 1152], sizes = [32, 128], strides = [1, 1]} : vector<32x8192xf32> to vector<32x128xf32>
    %dot_general3A_1218 = arith.constant dense<0.000000e+00> : vector<128x32xf32>
    %dot_general3A_1219 = tpu.matmul %select_n3A, %slice3A_1217, %dot_general3A_1218 {dimension_numbers = #tpu.dot_dimension_numbers<[1], [1], [0], [0], [0, 0, 1, 0], [], []>, transpose_lhs_hint = false} : vector<128x128xf32>, vector<32x128xf32>, vector<128x32xf32> -> vector<128x32xf32>
    %swap3A_1220 = arith.constant 1152 : index
    %swap3A_1221 = arith.constant 96 : index
    %swap3A_1222 = vector.load %arg5[%swap3A_1220, %swap3A_1221] : memref<8192x128xf32, #tpu.memory_space<vmem>>, vector<128x32xf32>
    tpu.vector_store %arg5[%swap3A_1220, %swap3A_1221], %dot_general3A_1219 {strides = array<i32>} : memref<8192x128xf32, #tpu.memory_space<vmem>>, vector<128x32xf32>,
    %slice3A_1223 = vector.extract_strided_slice %get3A_1162 {offsets = [0, 1280], sizes = [32, 128], strides = [1, 1]} : vector<32x8192xf32> to vector<32x128xf32>
    %dot_general3A_1224 = arith.constant dense<0.000000e+00> : vector<128x32xf32>
    %dot_general3A_1225 = tpu.matmul %select_n3A, %slice3A_1223, %dot_general3A_1224 {dimension_numbers = #tpu.dot_dimension_numbers<[1], [1], [0], [0], [0, 0, 1, 0], [], []>, transpose_lhs_hint = false} : vector<128x128xf32>, vector<32x128xf32>, vector<128x32xf32> -> vector<128x32xf32>
    %swap3A_1226 = arith.constant 1280 : index
    %swap3A_1227 = arith.constant 96 : index
    %swap3A_1228 = vector.load %arg5[%swap3A_1226, %swap3A_1227] : memref<8192x128xf32, #tpu.memory_space<vmem>>, vector<128x32xf32>
    tpu.vector_store %arg5[%swap3A_1226, %swap3A_1227], %dot_general3A_1225 {strides = array<i32>} : memref<8192x128xf32, #tpu.memory_space<vmem>>, vector<128x32xf32>,
    %slice3A_1229 = vector.extract_strided_slice %get3A_1162 {offsets = [0, 1408], sizes = [32, 128], strides = [1, 1]} : vector<32x8192xf32> to vector<32x128xf32>
    %dot_general3A_1230 = arith.constant dense<0.000000e+00> : vector<128x32xf32>
    %dot_general3A_1231 = tpu.matmul %select_n3A, %slice3A_1229, %dot_general3A_1230 {dimension_numbers = #tpu.dot_dimension_numbers<[1], [1], [0], [0], [0, 0, 1, 0], [], []>, transpose_lhs_hint = false} : vector<128x128xf32>, vector<32x128xf32>, vector<128x32xf32> -> vector<128x32xf32>
    %swap3A_1232 = arith.constant 1408 : index
    %swap3A_1233 = arith.constant 96 : index
    %swap3A_1234 = vector.load %arg5[%swap3A_1232, %swap3A_1233] : memref<8192x128xf32, #tpu.memory_space<vmem>>, vector<128x32xf32>
    tpu.vector_store %arg5[%swap3A_1232, %swap3A_1233], %dot_general3A_1231 {strides = array<i32>} : memref<8192x128xf32, #tpu.memory_space<vmem>>, vector<128x32xf32>,
    %slice3A_1235 = vector.extract_strided_slice %get3A_1162 {offsets = [0, 1536], sizes = [32, 128], strides = [1, 1]} : vector<32x8192xf32> to vector<32x128xf32>
    %dot_general3A_1236 = arith.constant dense<0.000000e+00> : vector<128x32xf32>
    %dot_general3A_1237 = tpu.matmul %select_n3A, %slice3A_1235, %dot_general3A_1236 {dimension_numbers = #tpu.dot_dimension_numbers<[1], [1], [0], [0], [0, 0, 1, 0], [], []>, transpose_lhs_hint = false} : vector<128x128xf32>, vector<32x128xf32>, vector<128x32xf32> -> vector<128x32xf32>
    %swap3A_1238 = arith.constant 1536 : index
    %swap3A_1239 = arith.constant 96 : index
    %swap3A_1240 = vector.load %arg5[%swap3A_1238, %swap3A_1239] : memref<8192x128xf32, #tpu.memory_space<vmem>>, vector<128x32xf32>
    tpu.vector_store %arg5[%swap3A_1238, %swap3A_1239], %dot_general3A_1237 {strides = array<i32>} : memref<8192x128xf32, #tpu.memory_space<vmem>>, vector<128x32xf32>,
    %slice3A_1241 = vector.extract_strided_slice %get3A_1162 {offsets = [0, 1664], sizes = [32, 128], strides = [1, 1]} : vector<32x8192xf32> to vector<32x128xf32>
    %dot_general3A_1242 = arith.constant dense<0.000000e+00> : vector<128x32xf32>
    %dot_general3A_1243 = tpu.matmul %select_n3A, %slice3A_1241, %dot_general3A_1242 {dimension_numbers = #tpu.dot_dimension_numbers<[1], [1], [0], [0], [0, 0, 1, 0], [], []>, transpose_lhs_hint = false} : vector<128x128xf32>, vector<32x128xf32>, vector<128x32xf32> -> vector<128x32xf32>
    %swap3A_1244 = arith.constant 1664 : index
    %swap3A_1245 = arith.constant 96 : index
    %swap3A_1246 = vector.load %arg5[%swap3A_1244, %swap3A_1245] : memref<8192x128xf32, #tpu.memory_space<vmem>>, vector<128x32xf32>
    tpu.vector_store %arg5[%swap3A_1244, %swap3A_1245], %dot_general3A_1243 {strides = array<i32>} : memref<8192x128xf32, #tpu.memory_space<vmem>>, vector<128x32xf32>,
    %slice3A_1247 = vector.extract_strided_slice %get3A_1162 {offsets = [0, 1792], sizes = [32, 128], strides = [1, 1]} : vector<32x8192xf32> to vector<32x128xf32>
    %dot_general3A_1248 = arith.constant dense<0.000000e+00> : vector<128x32xf32>
    %dot_general3A_1249 = tpu.matmul %select_n3A, %slice3A_1247, %dot_general3A_1248 {dimension_numbers = #tpu.dot_dimension_numbers<[1], [1], [0], [0], [0, 0, 1, 0], [], []>, transpose_lhs_hint = false} : vector<128x128xf32>, vector<32x128xf32>, vector<128x32xf32> -> vector<128x32xf32>
    %swap3A_1250 = arith.constant 1792 : index
    %swap3A_1251 = arith.constant 96 : index
    %swap3A_1252 = vector.load %arg5[%swap3A_1250, %swap3A_1251] : memref<8192x128xf32, #tpu.memory_space<vmem>>, vector<128x32xf32>
    tpu.vector_store %arg5[%swap3A_1250, %swap3A_1251], %dot_general3A_1249 {strides = array<i32>} : memref<8192x128xf32, #tpu.memory_space<vmem>>, vector<128x32xf32>,
    %slice3A_1253 = vector.extract_strided_slice %get3A_1162 {offsets = [0, 1920], sizes = [32, 128], strides = [1, 1]} : vector<32x8192xf32> to vector<32x128xf32>
    %dot_general3A_1254 = arith.constant dense<0.000000e+00> : vector<128x32xf32>
    %dot_general3A_1255 = tpu.matmul %select_n3A, %slice3A_1253, %dot_general3A_1254 {dimension_numbers = #tpu.dot_dimension_numbers<[1], [1], [0], [0], [0, 0, 1, 0], [], []>, transpose_lhs_hint = false} : vector<128x128xf32>, vector<32x128xf32>, vector<128x32xf32> -> vector<128x32xf32>
    %swap3A_1256 = arith.constant 1920 : index
    %swap3A_1257 = arith.constant 96 : index
    %swap3A_1258 = vector.load %arg5[%swap3A_1256, %swap3A_1257] : memref<8192x128xf32, #tpu.memory_space<vmem>>, vector<128x32xf32>
    tpu.vector_store %arg5[%swap3A_1256, %swap3A_1257], %dot_general3A_1255 {strides = array<i32>} : memref<8192x128xf32, #tpu.memory_space<vmem>>, vector<128x32xf32>,
    %slice3A_1259 = vector.extract_strided_slice %get3A_1162 {offsets = [0, 2048], sizes = [32, 128], strides = [1, 1]} : vector<32x8192xf32> to vector<32x128xf32>
    %dot_general3A_1260 = arith.constant dense<0.000000e+00> : vector<128x32xf32>
    %dot_general3A_1261 = tpu.matmul %select_n3A, %slice3A_1259, %dot_general3A_1260 {dimension_numbers = #tpu.dot_dimension_numbers<[1], [1], [0], [0], [0, 0, 1, 0], [], []>, transpose_lhs_hint = false} : vector<128x128xf32>, vector<32x128xf32>, vector<128x32xf32> -> vector<128x32xf32>
    %swap3A_1262 = arith.constant 2048 : index
    %swap3A_1263 = arith.constant 96 : index
    %swap3A_1264 = vector.load %arg5[%swap3A_1262, %swap3A_1263] : memref<8192x128xf32, #tpu.memory_space<vmem>>, vector<128x32xf32>
    tpu.vector_store %arg5[%swap3A_1262, %swap3A_1263], %dot_general3A_1261 {strides = array<i32>} : memref<8192x128xf32, #tpu.memory_space<vmem>>, vector<128x32xf32>,
    %slice3A_1265 = vector.extract_strided_slice %get3A_1162 {offsets = [0, 2176], sizes = [32, 128], strides = [1, 1]} : vector<32x8192xf32> to vector<32x128xf32>
    %dot_general3A_1266 = arith.constant dense<0.000000e+00> : vector<128x32xf32>
    %dot_general3A_1267 = tpu.matmul %select_n3A, %slice3A_1265, %dot_general3A_1266 {dimension_numbers = #tpu.dot_dimension_numbers<[1], [1], [0], [0], [0, 0, 1, 0], [], []>, transpose_lhs_hint = false} : vector<128x128xf32>, vector<32x128xf32>, vector<128x32xf32> -> vector<128x32xf32>
    %swap3A_1268 = arith.constant 2176 : index
    %swap3A_1269 = arith.constant 96 : index
    %swap3A_1270 = vector.load %arg5[%swap3A_1268, %swap3A_1269] : memref<8192x128xf32, #tpu.memory_space<vmem>>, vector<128x32xf32>
    tpu.vector_store %arg5[%swap3A_1268, %swap3A_1269], %dot_general3A_1267 {strides = array<i32>} : memref<8192x128xf32, #tpu.memory_space<vmem>>, vector<128x32xf32>,
    %slice3A_1271 = vector.extract_strided_slice %get3A_1162 {offsets = [0, 2304], sizes = [32, 128], strides = [1, 1]} : vector<32x8192xf32> to vector<32x128xf32>
    %dot_general3A_1272 = arith.constant dense<0.000000e+00> : vector<128x32xf32>
    %dot_general3A_1273 = tpu.matmul %select_n3A, %slice3A_1271, %dot_general3A_1272 {dimension_numbers = #tpu.dot_dimension_numbers<[1], [1], [0], [0], [0, 0, 1, 0], [], []>, transpose_lhs_hint = false} : vector<128x128xf32>, vector<32x128xf32>, vector<128x32xf32> -> vector<128x32xf32>
    %swap3A_1274 = arith.constant 2304 : index
    %swap3A_1275 = arith.constant 96 : index
    %swap3A_1276 = vector.load %arg5[%swap3A_1274, %swap3A_1275] : memref<8192x128xf32, #tpu.memory_space<vmem>>, vector<128x32xf32>
    tpu.vector_store %arg5[%swap3A_1274, %swap3A_1275], %dot_general3A_1273 {strides = array<i32>} : memref<8192x128xf32, #tpu.memory_space<vmem>>, vector<128x32xf32>,
    %slice3A_1277 = vector.extract_strided_slice %get3A_1162 {offsets = [0, 2432], sizes = [32, 128], strides = [1, 1]} : vector<32x8192xf32> to vector<32x128xf32>
    %dot_general3A_1278 = arith.constant dense<0.000000e+00> : vector<128x32xf32>
    %dot_general3A_1279 = tpu.matmul %select_n3A, %slice3A_1277, %dot_general3A_1278 {dimension_numbers = #tpu.dot_dimension_numbers<[1], [1], [0], [0], [0, 0, 1, 0], [], []>, transpose_lhs_hint = false} : vector<128x128xf32>, vector<32x128xf32>, vector<128x32xf32> -> vector<128x32xf32>
    %swap3A_1280 = arith.constant 2432 : index
    %swap3A_1281 = arith.constant 96 : index
    %swap3A_1282 = vector.load %arg5[%swap3A_1280, %swap3A_1281] : memref<8192x128xf32, #tpu.memory_space<vmem>>, vector<128x32xf32>
    tpu.vector_store %arg5[%swap3A_1280, %swap3A_1281], %dot_general3A_1279 {strides = array<i32>} : memref<8192x128xf32, #tpu.memory_space<vmem>>, vector<128x32xf32>,
    %slice3A_1283 = vector.extract_strided_slice %get3A_1162 {offsets = [0, 2560], sizes = [32, 128], strides = [1, 1]} : vector<32x8192xf32> to vector<32x128xf32>
    %dot_general3A_1284 = arith.constant dense<0.000000e+00> : vector<128x32xf32>
    %dot_general3A_1285 = tpu.matmul %select_n3A, %slice3A_1283, %dot_general3A_1284 {dimension_numbers = #tpu.dot_dimension_numbers<[1], [1], [0], [0], [0, 0, 1, 0], [], []>, transpose_lhs_hint = false} : vector<128x128xf32>, vector<32x128xf32>, vector<128x32xf32> -> vector<128x32xf32>
    %swap3A_1286 = arith.constant 2560 : index
    %swap3A_1287 = arith.constant 96 : index
    %swap3A_1288 = vector.load %arg5[%swap3A_1286, %swap3A_1287] : memref<8192x128xf32, #tpu.memory_space<vmem>>, vector<128x32xf32>
    tpu.vector_store %arg5[%swap3A_1286, %swap3A_1287], %dot_general3A_1285 {strides = array<i32>} : memref<8192x128xf32, #tpu.memory_space<vmem>>, vector<128x32xf32>,
    %slice3A_1289 = vector.extract_strided_slice %get3A_1162 {offsets = [0, 2688], sizes = [32, 128], strides = [1, 1]} : vector<32x8192xf32> to vector<32x128xf32>
    %dot_general3A_1290 = arith.constant dense<0.000000e+00> : vector<128x32xf32>
    %dot_general3A_1291 = tpu.matmul %select_n3A, %slice3A_1289, %dot_general3A_1290 {dimension_numbers = #tpu.dot_dimension_numbers<[1], [1], [0], [0], [0, 0, 1, 0], [], []>, transpose_lhs_hint = false} : vector<128x128xf32>, vector<32x128xf32>, vector<128x32xf32> -> vector<128x32xf32>
    %swap3A_1292 = arith.constant 2688 : index
    %swap3A_1293 = arith.constant 96 : index
    %swap3A_1294 = vector.load %arg5[%swap3A_1292, %swap3A_1293] : memref<8192x128xf32, #tpu.memory_space<vmem>>, vector<128x32xf32>
    tpu.vector_store %arg5[%swap3A_1292, %swap3A_1293], %dot_general3A_1291 {strides = array<i32>} : memref<8192x128xf32, #tpu.memory_space<vmem>>, vector<128x32xf32>,
    %slice3A_1295 = vector.extract_strided_slice %get3A_1162 {offsets = [0, 2816], sizes = [32, 128], strides = [1, 1]} : vector<32x8192xf32> to vector<32x128xf32>
    %dot_general3A_1296 = arith.constant dense<0.000000e+00> : vector<128x32xf32>
    %dot_general3A_1297 = tpu.matmul %select_n3A, %slice3A_1295, %dot_general3A_1296 {dimension_numbers = #tpu.dot_dimension_numbers<[1], [1], [0], [0], [0, 0, 1, 0], [], []>, transpose_lhs_hint = false} : vector<128x128xf32>, vector<32x128xf32>, vector<128x32xf32> -> vector<128x32xf32>
    %swap3A_1298 = arith.constant 2816 : index
    %swap3A_1299 = arith.constant 96 : index
    %swap3A_1300 = vector.load %arg5[%swap3A_1298, %swap3A_1299] : memref<8192x128xf32, #tpu.memory_space<vmem>>, vector<128x32xf32>
    tpu.vector_store %arg5[%swap3A_1298, %swap3A_1299], %dot_general3A_1297 {strides = array<i32>} : memref<8192x128xf32, #tpu.memory_space<vmem>>, vector<128x32xf32>,
    %slice3A_1301 = vector.extract_strided_slice %get3A_1162 {offsets = [0, 2944], sizes = [32, 128], strides = [1, 1]} : vector<32x8192xf32> to vector<32x128xf32>
    %dot_general3A_1302 = arith.constant dense<0.000000e+00> : vector<128x32xf32>
    %dot_general3A_1303 = tpu.matmul %select_n3A, %slice3A_1301, %dot_general3A_1302 {dimension_numbers = #tpu.dot_dimension_numbers<[1], [1], [0], [0], [0, 0, 1, 0], [], []>, transpose_lhs_hint = false} : vector<128x128xf32>, vector<32x128xf32>, vector<128x32xf32> -> vector<128x32xf32>
    %swap3A_1304 = arith.constant 2944 : index
    %swap3A_1305 = arith.constant 96 : index
    %swap3A_1306 = vector.load %arg5[%swap3A_1304, %swap3A_1305] : memref<8192x128xf32, #tpu.memory_space<vmem>>, vector<128x32xf32>
    tpu.vector_store %arg5[%swap3A_1304, %swap3A_1305], %dot_general3A_1303 {strides = array<i32>} : memref<8192x128xf32, #tpu.memory_space<vmem>>, vector<128x32xf32>,
    %slice3A_1307 = vector.extract_strided_slice %get3A_1162 {offsets = [0, 3072], sizes = [32, 128], strides = [1, 1]} : vector<32x8192xf32> to vector<32x128xf32>
    %dot_general3A_1308 = arith.constant dense<0.000000e+00> : vector<128x32xf32>
    %dot_general3A_1309 = tpu.matmul %select_n3A, %slice3A_1307, %dot_general3A_1308 {dimension_numbers = #tpu.dot_dimension_numbers<[1], [1], [0], [0], [0, 0, 1, 0], [], []>, transpose_lhs_hint = false} : vector<128x128xf32>, vector<32x128xf32>, vector<128x32xf32> -> vector<128x32xf32>
    %swap3A_1310 = arith.constant 3072 : index
    %swap3A_1311 = arith.constant 96 : index
    %swap3A_1312 = vector.load %arg5[%swap3A_1310, %swap3A_1311] : memref<8192x128xf32, #tpu.memory_space<vmem>>, vector<128x32xf32>
    tpu.vector_store %arg5[%swap3A_1310, %swap3A_1311], %dot_general3A_1309 {strides = array<i32>} : memref<8192x128xf32, #tpu.memory_space<vmem>>, vector<128x32xf32>,
    %slice3A_1313 = vector.extract_strided_slice %get3A_1162 {offsets = [0, 3200], sizes = [32, 128], strides = [1, 1]} : vector<32x8192xf32> to vector<32x128xf32>
    %dot_general3A_1314 = arith.constant dense<0.000000e+00> : vector<128x32xf32>
    %dot_general3A_1315 = tpu.matmul %select_n3A, %slice3A_1313, %dot_general3A_1314 {dimension_numbers = #tpu.dot_dimension_numbers<[1], [1], [0], [0], [0, 0, 1, 0], [], []>, transpose_lhs_hint = false} : vector<128x128xf32>, vector<32x128xf32>, vector<128x32xf32> -> vector<128x32xf32>
    %swap3A_1316 = arith.constant 3200 : index
    %swap3A_1317 = arith.constant 96 : index
    %swap3A_1318 = vector.load %arg5[%swap3A_1316, %swap3A_1317] : memref<8192x128xf32, #tpu.memory_space<vmem>>, vector<128x32xf32>
    tpu.vector_store %arg5[%swap3A_1316, %swap3A_1317], %dot_general3A_1315 {strides = array<i32>} : memref<8192x128xf32, #tpu.memory_space<vmem>>, vector<128x32xf32>,
    %slice3A_1319 = vector.extract_strided_slice %get3A_1162 {offsets = [0, 3328], sizes = [32, 128], strides = [1, 1]} : vector<32x8192xf32> to vector<32x128xf32>
    %dot_general3A_1320 = arith.constant dense<0.000000e+00> : vector<128x32xf32>
    %dot_general3A_1321 = tpu.matmul %select_n3A, %slice3A_1319, %dot_general3A_1320 {dimension_numbers = #tpu.dot_dimension_numbers<[1], [1], [0], [0], [0, 0, 1, 0], [], []>, transpose_lhs_hint = false} : vector<128x128xf32>, vector<32x128xf32>, vector<128x32xf32> -> vector<128x32xf32>
    %swap3A_1322 = arith.constant 3328 : index
    %swap3A_1323 = arith.constant 96 : index
    %swap3A_1324 = vector.load %arg5[%swap3A_1322, %swap3A_1323] : memref<8192x128xf32, #tpu.memory_space<vmem>>, vector<128x32xf32>
    tpu.vector_store %arg5[%swap3A_1322, %swap3A_1323], %dot_general3A_1321 {strides = array<i32>} : memref<8192x128xf32, #tpu.memory_space<vmem>>, vector<128x32xf32>,
    %slice3A_1325 = vector.extract_strided_slice %get3A_1162 {offsets = [0, 3456], sizes = [32, 128], strides = [1, 1]} : vector<32x8192xf32> to vector<32x128xf32>
    %dot_general3A_1326 = arith.constant dense<0.000000e+00> : vector<128x32xf32>
    %dot_general3A_1327 = tpu.matmul %select_n3A, %slice3A_1325, %dot_general3A_1326 {dimension_numbers = #tpu.dot_dimension_numbers<[1], [1], [0], [0], [0, 0, 1, 0], [], []>, transpose_lhs_hint = false} : vector<128x128xf32>, vector<32x128xf32>, vector<128x32xf32> -> vector<128x32xf32>
    %swap3A_1328 = arith.constant 3456 : index
    %swap3A_1329 = arith.constant 96 : index
    %swap3A_1330 = vector.load %arg5[%swap3A_1328, %swap3A_1329] : memref<8192x128xf32, #tpu.memory_space<vmem>>, vector<128x32xf32>
    tpu.vector_store %arg5[%swap3A_1328, %swap3A_1329], %dot_general3A_1327 {strides = array<i32>} : memref<8192x128xf32, #tpu.memory_space<vmem>>, vector<128x32xf32>,
    %slice3A_1331 = vector.extract_strided_slice %get3A_1162 {offsets = [0, 3584], sizes = [32, 128], strides = [1, 1]} : vector<32x8192xf32> to vector<32x128xf32>
    %dot_general3A_1332 = arith.constant dense<0.000000e+00> : vector<128x32xf32>
    %dot_general3A_1333 = tpu.matmul %select_n3A, %slice3A_1331, %dot_general3A_1332 {dimension_numbers = #tpu.dot_dimension_numbers<[1], [1], [0], [0], [0, 0, 1, 0], [], []>, transpose_lhs_hint = false} : vector<128x128xf32>, vector<32x128xf32>, vector<128x32xf32> -> vector<128x32xf32>
    %swap3A_1334 = arith.constant 3584 : index
    %swap3A_1335 = arith.constant 96 : index
    %swap3A_1336 = vector.load %arg5[%swap3A_1334, %swap3A_1335] : memref<8192x128xf32, #tpu.memory_space<vmem>>, vector<128x32xf32>
    tpu.vector_store %arg5[%swap3A_1334, %swap3A_1335], %dot_general3A_1333 {strides = array<i32>} : memref<8192x128xf32, #tpu.memory_space<vmem>>, vector<128x32xf32>,
    %slice3A_1337 = vector.extract_strided_slice %get3A_1162 {offsets = [0, 3712], sizes = [32, 128], strides = [1, 1]} : vector<32x8192xf32> to vector<32x128xf32>
    %dot_general3A_1338 = arith.constant dense<0.000000e+00> : vector<128x32xf32>
    %dot_general3A_1339 = tpu.matmul %select_n3A, %slice3A_1337, %dot_general3A_1338 {dimension_numbers = #tpu.dot_dimension_numbers<[1], [1], [0], [0], [0, 0, 1, 0], [], []>, transpose_lhs_hint = false} : vector<128x128xf32>, vector<32x128xf32>, vector<128x32xf32> -> vector<128x32xf32>
    %swap3A_1340 = arith.constant 3712 : index
    %swap3A_1341 = arith.constant 96 : index
    %swap3A_1342 = vector.load %arg5[%swap3A_1340, %swap3A_1341] : memref<8192x128xf32, #tpu.memory_space<vmem>>, vector<128x32xf32>
    tpu.vector_store %arg5[%swap3A_1340, %swap3A_1341], %dot_general3A_1339 {strides = array<i32>} : memref<8192x128xf32, #tpu.memory_space<vmem>>, vector<128x32xf32>,
    %slice3A_1343 = vector.extract_strided_slice %get3A_1162 {offsets = [0, 3840], sizes = [32, 128], strides = [1, 1]} : vector<32x8192xf32> to vector<32x128xf32>
    %dot_general3A_1344 = arith.constant dense<0.000000e+00> : vector<128x32xf32>
    %dot_general3A_1345 = tpu.matmul %select_n3A, %slice3A_1343, %dot_general3A_1344 {dimension_numbers = #tpu.dot_dimension_numbers<[1], [1], [0], [0], [0, 0, 1, 0], [], []>, transpose_lhs_hint = false} : vector<128x128xf32>, vector<32x128xf32>, vector<128x32xf32> -> vector<128x32xf32>
    %swap3A_1346 = arith.constant 3840 : index
    %swap3A_1347 = arith.constant 96 : index
    %swap3A_1348 = vector.load %arg5[%swap3A_1346, %swap3A_1347] : memref<8192x128xf32, #tpu.memory_space<vmem>>, vector<128x32xf32>
    tpu.vector_store %arg5[%swap3A_1346, %swap3A_1347], %dot_general3A_1345 {strides = array<i32>} : memref<8192x128xf32, #tpu.memory_space<vmem>>, vector<128x32xf32>,
    %slice3A_1349 = vector.extract_strided_slice %get3A_1162 {offsets = [0, 3968], sizes = [32, 128], strides = [1, 1]} : vector<32x8192xf32> to vector<32x128xf32>
    %dot_general3A_1350 = arith.constant dense<0.000000e+00> : vector<128x32xf32>
    %dot_general3A_1351 = tpu.matmul %select_n3A, %slice3A_1349, %dot_general3A_1350 {dimension_numbers = #tpu.dot_dimension_numbers<[1], [1], [0], [0], [0, 0, 1, 0], [], []>, transpose_lhs_hint = false} : vector<128x128xf32>, vector<32x128xf32>, vector<128x32xf32> -> vector<128x32xf32>
    %swap3A_1352 = arith.constant 3968 : index
    %swap3A_1353 = arith.constant 96 : index
    %swap3A_1354 = vector.load %arg5[%swap3A_1352, %swap3A_1353] : memref<8192x128xf32, #tpu.memory_space<vmem>>, vector<128x32xf32>
    tpu.vector_store %arg5[%swap3A_1352, %swap3A_1353], %dot_general3A_1351 {strides = array<i32>} : memref<8192x128xf32, #tpu.memory_space<vmem>>, vector<128x32xf32>,
    %slice3A_1355 = vector.extract_strided_slice %get3A_1162 {offsets = [0, 4096], sizes = [32, 128], strides = [1, 1]} : vector<32x8192xf32> to vector<32x128xf32>
    %dot_general3A_1356 = arith.constant dense<0.000000e+00> : vector<128x32xf32>
    %dot_general3A_1357 = tpu.matmul %select_n3A, %slice3A_1355, %dot_general3A_1356 {dimension_numbers = #tpu.dot_dimension_numbers<[1], [1], [0], [0], [0, 0, 1, 0], [], []>, transpose_lhs_hint = false} : vector<128x128xf32>, vector<32x128xf32>, vector<128x32xf32> -> vector<128x32xf32>
    %swap3A_1358 = arith.constant 4096 : index
    %swap3A_1359 = arith.constant 96 : index
    %swap3A_1360 = vector.load %arg5[%swap3A_1358, %swap3A_1359] : memref<8192x128xf32, #tpu.memory_space<vmem>>, vector<128x32xf32>
    tpu.vector_store %arg5[%swap3A_1358, %swap3A_1359], %dot_general3A_1357 {strides = array<i32>} : memref<8192x128xf32, #tpu.memory_space<vmem>>, vector<128x32xf32>,
    %slice3A_1361 = vector.extract_strided_slice %get3A_1162 {offsets = [0, 4224], sizes = [32, 128], strides = [1, 1]} : vector<32x8192xf32> to vector<32x128xf32>
    %dot_general3A_1362 = arith.constant dense<0.000000e+00> : vector<128x32xf32>
    %dot_general3A_1363 = tpu.matmul %select_n3A, %slice3A_1361, %dot_general3A_1362 {dimension_numbers = #tpu.dot_dimension_numbers<[1], [1], [0], [0], [0, 0, 1, 0], [], []>, transpose_lhs_hint = false} : vector<128x128xf32>, vector<32x128xf32>, vector<128x32xf32> -> vector<128x32xf32>
    %swap3A_1364 = arith.constant 4224 : index
    %swap3A_1365 = arith.constant 96 : index
    %swap3A_1366 = vector.load %arg5[%swap3A_1364, %swap3A_1365] : memref<8192x128xf32, #tpu.memory_space<vmem>>, vector<128x32xf32>
    tpu.vector_store %arg5[%swap3A_1364, %swap3A_1365], %dot_general3A_1363 {strides = array<i32>} : memref<8192x128xf32, #tpu.memory_space<vmem>>, vector<128x32xf32>,
    %slice3A_1367 = vector.extract_strided_slice %get3A_1162 {offsets = [0, 4352], sizes = [32, 128], strides = [1, 1]} : vector<32x8192xf32> to vector<32x128xf32>
    %dot_general3A_1368 = arith.constant dense<0.000000e+00> : vector<128x32xf32>
    %dot_general3A_1369 = tpu.matmul %select_n3A, %slice3A_1367, %dot_general3A_1368 {dimension_numbers = #tpu.dot_dimension_numbers<[1], [1], [0], [0], [0, 0, 1, 0], [], []>, transpose_lhs_hint = false} : vector<128x128xf32>, vector<32x128xf32>, vector<128x32xf32> -> vector<128x32xf32>
    %swap3A_1370 = arith.constant 4352 : index
    %swap3A_1371 = arith.constant 96 : index
    %swap3A_1372 = vector.load %arg5[%swap3A_1370, %swap3A_1371] : memref<8192x128xf32, #tpu.memory_space<vmem>>, vector<128x32xf32>
    tpu.vector_store %arg5[%swap3A_1370, %swap3A_1371], %dot_general3A_1369 {strides = array<i32>} : memref<8192x128xf32, #tpu.memory_space<vmem>>, vector<128x32xf32>,
    %slice3A_1373 = vector.extract_strided_slice %get3A_1162 {offsets = [0, 4480], sizes = [32, 128], strides = [1, 1]} : vector<32x8192xf32> to vector<32x128xf32>
    %dot_general3A_1374 = arith.constant dense<0.000000e+00> : vector<128x32xf32>
    %dot_general3A_1375 = tpu.matmul %select_n3A, %slice3A_1373, %dot_general3A_1374 {dimension_numbers = #tpu.dot_dimension_numbers<[1], [1], [0], [0], [0, 0, 1, 0], [], []>, transpose_lhs_hint = false} : vector<128x128xf32>, vector<32x128xf32>, vector<128x32xf32> -> vector<128x32xf32>
    %swap3A_1376 = arith.constant 4480 : index
    %swap3A_1377 = arith.constant 96 : index
    %swap3A_1378 = vector.load %arg5[%swap3A_1376, %swap3A_1377] : memref<8192x128xf32, #tpu.memory_space<vmem>>, vector<128x32xf32>
    tpu.vector_store %arg5[%swap3A_1376, %swap3A_1377], %dot_general3A_1375 {strides = array<i32>} : memref<8192x128xf32, #tpu.memory_space<vmem>>, vector<128x32xf32>,
    %slice3A_1379 = vector.extract_strided_slice %get3A_1162 {offsets = [0, 4608], sizes = [32, 128], strides = [1, 1]} : vector<32x8192xf32> to vector<32x128xf32>
    %dot_general3A_1380 = arith.constant dense<0.000000e+00> : vector<128x32xf32>
    %dot_general3A_1381 = tpu.matmul %select_n3A, %slice3A_1379, %dot_general3A_1380 {dimension_numbers = #tpu.dot_dimension_numbers<[1], [1], [0], [0], [0, 0, 1, 0], [], []>, transpose_lhs_hint = false} : vector<128x128xf32>, vector<32x128xf32>, vector<128x32xf32> -> vector<128x32xf32>
    %swap3A_1382 = arith.constant 4608 : index
    %swap3A_1383 = arith.constant 96 : index
    %swap3A_1384 = vector.load %arg5[%swap3A_1382, %swap3A_1383] : memref<8192x128xf32, #tpu.memory_space<vmem>>, vector<128x32xf32>
    tpu.vector_store %arg5[%swap3A_1382, %swap3A_1383], %dot_general3A_1381 {strides = array<i32>} : memref<8192x128xf32, #tpu.memory_space<vmem>>, vector<128x32xf32>,
    %slice3A_1385 = vector.extract_strided_slice %get3A_1162 {offsets = [0, 4736], sizes = [32, 128], strides = [1, 1]} : vector<32x8192xf32> to vector<32x128xf32>
    %dot_general3A_1386 = arith.constant dense<0.000000e+00> : vector<128x32xf32>
    %dot_general3A_1387 = tpu.matmul %select_n3A, %slice3A_1385, %dot_general3A_1386 {dimension_numbers = #tpu.dot_dimension_numbers<[1], [1], [0], [0], [0, 0, 1, 0], [], []>, transpose_lhs_hint = false} : vector<128x128xf32>, vector<32x128xf32>, vector<128x32xf32> -> vector<128x32xf32>
    %swap3A_1388 = arith.constant 4736 : index
    %swap3A_1389 = arith.constant 96 : index
    %swap3A_1390 = vector.load %arg5[%swap3A_1388, %swap3A_1389] : memref<8192x128xf32, #tpu.memory_space<vmem>>, vector<128x32xf32>
    tpu.vector_store %arg5[%swap3A_1388, %swap3A_1389], %dot_general3A_1387 {strides = array<i32>} : memref<8192x128xf32, #tpu.memory_space<vmem>>, vector<128x32xf32>,
    %slice3A_1391 = vector.extract_strided_slice %get3A_1162 {offsets = [0, 4864], sizes = [32, 128], strides = [1, 1]} : vector<32x8192xf32> to vector<32x128xf32>
    %dot_general3A_1392 = arith.constant dense<0.000000e+00> : vector<128x32xf32>
    %dot_general3A_1393 = tpu.matmul %select_n3A, %slice3A_1391, %dot_general3A_1392 {dimension_numbers = #tpu.dot_dimension_numbers<[1], [1], [0], [0], [0, 0, 1, 0], [], []>, transpose_lhs_hint = false} : vector<128x128xf32>, vector<32x128xf32>, vector<128x32xf32> -> vector<128x32xf32>
    %swap3A_1394 = arith.constant 4864 : index
    %swap3A_1395 = arith.constant 96 : index
    %swap3A_1396 = vector.load %arg5[%swap3A_1394, %swap3A_1395] : memref<8192x128xf32, #tpu.memory_space<vmem>>, vector<128x32xf32>
    tpu.vector_store %arg5[%swap3A_1394, %swap3A_1395], %dot_general3A_1393 {strides = array<i32>} : memref<8192x128xf32, #tpu.memory_space<vmem>>, vector<128x32xf32>,
    %slice3A_1397 = vector.extract_strided_slice %get3A_1162 {offsets = [0, 4992], sizes = [32, 128], strides = [1, 1]} : vector<32x8192xf32> to vector<32x128xf32>
    %dot_general3A_1398 = arith.constant dense<0.000000e+00> : vector<128x32xf32>
    %dot_general3A_1399 = tpu.matmul %select_n3A, %slice3A_1397, %dot_general3A_1398 {dimension_numbers = #tpu.dot_dimension_numbers<[1], [1], [0], [0], [0, 0, 1, 0], [], []>, transpose_lhs_hint = false} : vector<128x128xf32>, vector<32x128xf32>, vector<128x32xf32> -> vector<128x32xf32>
    %swap3A_1400 = arith.constant 4992 : index
    %swap3A_1401 = arith.constant 96 : index
    %swap3A_1402 = vector.load %arg5[%swap3A_1400, %swap3A_1401] : memref<8192x128xf32, #tpu.memory_space<vmem>>, vector<128x32xf32>
    tpu.vector_store %arg5[%swap3A_1400, %swap3A_1401], %dot_general3A_1399 {strides = array<i32>} : memref<8192x128xf32, #tpu.memory_space<vmem>>, vector<128x32xf32>,
    %slice3A_1403 = vector.extract_strided_slice %get3A_1162 {offsets = [0, 5120], sizes = [32, 128], strides = [1, 1]} : vector<32x8192xf32> to vector<32x128xf32>
    %dot_general3A_1404 = arith.constant dense<0.000000e+00> : vector<128x32xf32>
    %dot_general3A_1405 = tpu.matmul %select_n3A, %slice3A_1403, %dot_general3A_1404 {dimension_numbers = #tpu.dot_dimension_numbers<[1], [1], [0], [0], [0, 0, 1, 0], [], []>, transpose_lhs_hint = false} : vector<128x128xf32>, vector<32x128xf32>, vector<128x32xf32> -> vector<128x32xf32>
    %swap3A_1406 = arith.constant 5120 : index
    %swap3A_1407 = arith.constant 96 : index
    %swap3A_1408 = vector.load %arg5[%swap3A_1406, %swap3A_1407] : memref<8192x128xf32, #tpu.memory_space<vmem>>, vector<128x32xf32>
    tpu.vector_store %arg5[%swap3A_1406, %swap3A_1407], %dot_general3A_1405 {strides = array<i32>} : memref<8192x128xf32, #tpu.memory_space<vmem>>, vector<128x32xf32>,
    %slice3A_1409 = vector.extract_strided_slice %get3A_1162 {offsets = [0, 5248], sizes = [32, 128], strides = [1, 1]} : vector<32x8192xf32> to vector<32x128xf32>
    %dot_general3A_1410 = arith.constant dense<0.000000e+00> : vector<128x32xf32>
    %dot_general3A_1411 = tpu.matmul %select_n3A, %slice3A_1409, %dot_general3A_1410 {dimension_numbers = #tpu.dot_dimension_numbers<[1], [1], [0], [0], [0, 0, 1, 0], [], []>, transpose_lhs_hint = false} : vector<128x128xf32>, vector<32x128xf32>, vector<128x32xf32> -> vector<128x32xf32>
    %swap3A_1412 = arith.constant 5248 : index
    %swap3A_1413 = arith.constant 96 : index
    %swap3A_1414 = vector.load %arg5[%swap3A_1412, %swap3A_1413] : memref<8192x128xf32, #tpu.memory_space<vmem>>, vector<128x32xf32>
    tpu.vector_store %arg5[%swap3A_1412, %swap3A_1413], %dot_general3A_1411 {strides = array<i32>} : memref<8192x128xf32, #tpu.memory_space<vmem>>, vector<128x32xf32>,
    %slice3A_1415 = vector.extract_strided_slice %get3A_1162 {offsets = [0, 5376], sizes = [32, 128], strides = [1, 1]} : vector<32x8192xf32> to vector<32x128xf32>
    %dot_general3A_1416 = arith.constant dense<0.000000e+00> : vector<128x32xf32>
    %dot_general3A_1417 = tpu.matmul %select_n3A, %slice3A_1415, %dot_general3A_1416 {dimension_numbers = #tpu.dot_dimension_numbers<[1], [1], [0], [0], [0, 0, 1, 0], [], []>, transpose_lhs_hint = false} : vector<128x128xf32>, vector<32x128xf32>, vector<128x32xf32> -> vector<128x32xf32>
    %swap3A_1418 = arith.constant 5376 : index
    %swap3A_1419 = arith.constant 96 : index
    %swap3A_1420 = vector.load %arg5[%swap3A_1418, %swap3A_1419] : memref<8192x128xf32, #tpu.memory_space<vmem>>, vector<128x32xf32>
    tpu.vector_store %arg5[%swap3A_1418, %swap3A_1419], %dot_general3A_1417 {strides = array<i32>} : memref<8192x128xf32, #tpu.memory_space<vmem>>, vector<128x32xf32>,
    %slice3A_1421 = vector.extract_strided_slice %get3A_1162 {offsets = [0, 5504], sizes = [32, 128], strides = [1, 1]} : vector<32x8192xf32> to vector<32x128xf32>
    %dot_general3A_1422 = arith.constant dense<0.000000e+00> : vector<128x32xf32>
    %dot_general3A_1423 = tpu.matmul %select_n3A, %slice3A_1421, %dot_general3A_1422 {dimension_numbers = #tpu.dot_dimension_numbers<[1], [1], [0], [0], [0, 0, 1, 0], [], []>, transpose_lhs_hint = false} : vector<128x128xf32>, vector<32x128xf32>, vector<128x32xf32> -> vector<128x32xf32>
    %swap3A_1424 = arith.constant 5504 : index
    %swap3A_1425 = arith.constant 96 : index
    %swap3A_1426 = vector.load %arg5[%swap3A_1424, %swap3A_1425] : memref<8192x128xf32, #tpu.memory_space<vmem>>, vector<128x32xf32>
    tpu.vector_store %arg5[%swap3A_1424, %swap3A_1425], %dot_general3A_1423 {strides = array<i32>} : memref<8192x128xf32, #tpu.memory_space<vmem>>, vector<128x32xf32>,
    %slice3A_1427 = vector.extract_strided_slice %get3A_1162 {offsets = [0, 5632], sizes = [32, 128], strides = [1, 1]} : vector<32x8192xf32> to vector<32x128xf32>
    %dot_general3A_1428 = arith.constant dense<0.000000e+00> : vector<128x32xf32>
    %dot_general3A_1429 = tpu.matmul %select_n3A, %slice3A_1427, %dot_general3A_1428 {dimension_numbers = #tpu.dot_dimension_numbers<[1], [1], [0], [0], [0, 0, 1, 0], [], []>, transpose_lhs_hint = false} : vector<128x128xf32>, vector<32x128xf32>, vector<128x32xf32> -> vector<128x32xf32>
    %swap3A_1430 = arith.constant 5632 : index
    %swap3A_1431 = arith.constant 96 : index
    %swap3A_1432 = vector.load %arg5[%swap3A_1430, %swap3A_1431] : memref<8192x128xf32, #tpu.memory_space<vmem>>, vector<128x32xf32>
    tpu.vector_store %arg5[%swap3A_1430, %swap3A_1431], %dot_general3A_1429 {strides = array<i32>} : memref<8192x128xf32, #tpu.memory_space<vmem>>, vector<128x32xf32>,
    %slice3A_1433 = vector.extract_strided_slice %get3A_1162 {offsets = [0, 5760], sizes = [32, 128], strides = [1, 1]} : vector<32x8192xf32> to vector<32x128xf32>
    %dot_general3A_1434 = arith.constant dense<0.000000e+00> : vector<128x32xf32>
    %dot_general3A_1435 = tpu.matmul %select_n3A, %slice3A_1433, %dot_general3A_1434 {dimension_numbers = #tpu.dot_dimension_numbers<[1], [1], [0], [0], [0, 0, 1, 0], [], []>, transpose_lhs_hint = false} : vector<128x128xf32>, vector<32x128xf32>, vector<128x32xf32> -> vector<128x32xf32>
    %swap3A_1436 = arith.constant 5760 : index
    %swap3A_1437 = arith.constant 96 : index
    %swap3A_1438 = vector.load %arg5[%swap3A_1436, %swap3A_1437] : memref<8192x128xf32, #tpu.memory_space<vmem>>, vector<128x32xf32>
    tpu.vector_store %arg5[%swap3A_1436, %swap3A_1437], %dot_general3A_1435 {strides = array<i32>} : memref<8192x128xf32, #tpu.memory_space<vmem>>, vector<128x32xf32>,
    %slice3A_1439 = vector.extract_strided_slice %get3A_1162 {offsets = [0, 5888], sizes = [32, 128], strides = [1, 1]} : vector<32x8192xf32> to vector<32x128xf32>
    %dot_general3A_1440 = arith.constant dense<0.000000e+00> : vector<128x32xf32>
    %dot_general3A_1441 = tpu.matmul %select_n3A, %slice3A_1439, %dot_general3A_1440 {dimension_numbers = #tpu.dot_dimension_numbers<[1], [1], [0], [0], [0, 0, 1, 0], [], []>, transpose_lhs_hint = false} : vector<128x128xf32>, vector<32x128xf32>, vector<128x32xf32> -> vector<128x32xf32>
    %swap3A_1442 = arith.constant 5888 : index
    %swap3A_1443 = arith.constant 96 : index
    %swap3A_1444 = vector.load %arg5[%swap3A_1442, %swap3A_1443] : memref<8192x128xf32, #tpu.memory_space<vmem>>, vector<128x32xf32>
    tpu.vector_store %arg5[%swap3A_1442, %swap3A_1443], %dot_general3A_1441 {strides = array<i32>} : memref<8192x128xf32, #tpu.memory_space<vmem>>, vector<128x32xf32>,
    %slice3A_1445 = vector.extract_strided_slice %get3A_1162 {offsets = [0, 6016], sizes = [32, 128], strides = [1, 1]} : vector<32x8192xf32> to vector<32x128xf32>
    %dot_general3A_1446 = arith.constant dense<0.000000e+00> : vector<128x32xf32>
    %dot_general3A_1447 = tpu.matmul %select_n3A, %slice3A_1445, %dot_general3A_1446 {dimension_numbers = #tpu.dot_dimension_numbers<[1], [1], [0], [0], [0, 0, 1, 0], [], []>, transpose_lhs_hint = false} : vector<128x128xf32>, vector<32x128xf32>, vector<128x32xf32> -> vector<128x32xf32>
    %swap3A_1448 = arith.constant 6016 : index
    %swap3A_1449 = arith.constant 96 : index
    %swap3A_1450 = vector.load %arg5[%swap3A_1448, %swap3A_1449] : memref<8192x128xf32, #tpu.memory_space<vmem>>, vector<128x32xf32>
    tpu.vector_store %arg5[%swap3A_1448, %swap3A_1449], %dot_general3A_1447 {strides = array<i32>} : memref<8192x128xf32, #tpu.memory_space<vmem>>, vector<128x32xf32>,
    %slice3A_1451 = vector.extract_strided_slice %get3A_1162 {offsets = [0, 6144], sizes = [32, 128], strides = [1, 1]} : vector<32x8192xf32> to vector<32x128xf32>
    %dot_general3A_1452 = arith.constant dense<0.000000e+00> : vector<128x32xf32>
    %dot_general3A_1453 = tpu.matmul %select_n3A, %slice3A_1451, %dot_general3A_1452 {dimension_numbers = #tpu.dot_dimension_numbers<[1], [1], [0], [0], [0, 0, 1, 0], [], []>, transpose_lhs_hint = false} : vector<128x128xf32>, vector<32x128xf32>, vector<128x32xf32> -> vector<128x32xf32>
    %swap3A_1454 = arith.constant 6144 : index
    %swap3A_1455 = arith.constant 96 : index
    %swap3A_1456 = vector.load %arg5[%swap3A_1454, %swap3A_1455] : memref<8192x128xf32, #tpu.memory_space<vmem>>, vector<128x32xf32>
    tpu.vector_store %arg5[%swap3A_1454, %swap3A_1455], %dot_general3A_1453 {strides = array<i32>} : memref<8192x128xf32, #tpu.memory_space<vmem>>, vector<128x32xf32>,
    %slice3A_1457 = vector.extract_strided_slice %get3A_1162 {offsets = [0, 6272], sizes = [32, 128], strides = [1, 1]} : vector<32x8192xf32> to vector<32x128xf32>
    %dot_general3A_1458 = arith.constant dense<0.000000e+00> : vector<128x32xf32>
    %dot_general3A_1459 = tpu.matmul %select_n3A, %slice3A_1457, %dot_general3A_1458 {dimension_numbers = #tpu.dot_dimension_numbers<[1], [1], [0], [0], [0, 0, 1, 0], [], []>, transpose_lhs_hint = false} : vector<128x128xf32>, vector<32x128xf32>, vector<128x32xf32> -> vector<128x32xf32>
    %swap3A_1460 = arith.constant 6272 : index
    %swap3A_1461 = arith.constant 96 : index
    %swap3A_1462 = vector.load %arg5[%swap3A_1460, %swap3A_1461] : memref<8192x128xf32, #tpu.memory_space<vmem>>, vector<128x32xf32>
    tpu.vector_store %arg5[%swap3A_1460, %swap3A_1461], %dot_general3A_1459 {strides = array<i32>} : memref<8192x128xf32, #tpu.memory_space<vmem>>, vector<128x32xf32>,
    %slice3A_1463 = vector.extract_strided_slice %get3A_1162 {offsets = [0, 6400], sizes = [32, 128], strides = [1, 1]} : vector<32x8192xf32> to vector<32x128xf32>
    %dot_general3A_1464 = arith.constant dense<0.000000e+00> : vector<128x32xf32>
    %dot_general3A_1465 = tpu.matmul %select_n3A, %slice3A_1463, %dot_general3A_1464 {dimension_numbers = #tpu.dot_dimension_numbers<[1], [1], [0], [0], [0, 0, 1, 0], [], []>, transpose_lhs_hint = false} : vector<128x128xf32>, vector<32x128xf32>, vector<128x32xf32> -> vector<128x32xf32>
    %swap3A_1466 = arith.constant 6400 : index
    %swap3A_1467 = arith.constant 96 : index
    %swap3A_1468 = vector.load %arg5[%swap3A_1466, %swap3A_1467] : memref<8192x128xf32, #tpu.memory_space<vmem>>, vector<128x32xf32>
    tpu.vector_store %arg5[%swap3A_1466, %swap3A_1467], %dot_general3A_1465 {strides = array<i32>} : memref<8192x128xf32, #tpu.memory_space<vmem>>, vector<128x32xf32>,
    %slice3A_1469 = vector.extract_strided_slice %get3A_1162 {offsets = [0, 6528], sizes = [32, 128], strides = [1, 1]} : vector<32x8192xf32> to vector<32x128xf32>
    %dot_general3A_1470 = arith.constant dense<0.000000e+00> : vector<128x32xf32>
    %dot_general3A_1471 = tpu.matmul %select_n3A, %slice3A_1469, %dot_general3A_1470 {dimension_numbers = #tpu.dot_dimension_numbers<[1], [1], [0], [0], [0, 0, 1, 0], [], []>, transpose_lhs_hint = false} : vector<128x128xf32>, vector<32x128xf32>, vector<128x32xf32> -> vector<128x32xf32>
    %swap3A_1472 = arith.constant 6528 : index
    %swap3A_1473 = arith.constant 96 : index
    %swap3A_1474 = vector.load %arg5[%swap3A_1472, %swap3A_1473] : memref<8192x128xf32, #tpu.memory_space<vmem>>, vector<128x32xf32>
    tpu.vector_store %arg5[%swap3A_1472, %swap3A_1473], %dot_general3A_1471 {strides = array<i32>} : memref<8192x128xf32, #tpu.memory_space<vmem>>, vector<128x32xf32>,
    %slice3A_1475 = vector.extract_strided_slice %get3A_1162 {offsets = [0, 6656], sizes = [32, 128], strides = [1, 1]} : vector<32x8192xf32> to vector<32x128xf32>
    %dot_general3A_1476 = arith.constant dense<0.000000e+00> : vector<128x32xf32>
    %dot_general3A_1477 = tpu.matmul %select_n3A, %slice3A_1475, %dot_general3A_1476 {dimension_numbers = #tpu.dot_dimension_numbers<[1], [1], [0], [0], [0, 0, 1, 0], [], []>, transpose_lhs_hint = false} : vector<128x128xf32>, vector<32x128xf32>, vector<128x32xf32> -> vector<128x32xf32>
    %swap3A_1478 = arith.constant 6656 : index
    %swap3A_1479 = arith.constant 96 : index
    %swap3A_1480 = vector.load %arg5[%swap3A_1478, %swap3A_1479] : memref<8192x128xf32, #tpu.memory_space<vmem>>, vector<128x32xf32>
    tpu.vector_store %arg5[%swap3A_1478, %swap3A_1479], %dot_general3A_1477 {strides = array<i32>} : memref<8192x128xf32, #tpu.memory_space<vmem>>, vector<128x32xf32>,
    %slice3A_1481 = vector.extract_strided_slice %get3A_1162 {offsets = [0, 6784], sizes = [32, 128], strides = [1, 1]} : vector<32x8192xf32> to vector<32x128xf32>
    %dot_general3A_1482 = arith.constant dense<0.000000e+00> : vector<128x32xf32>
    %dot_general3A_1483 = tpu.matmul %select_n3A, %slice3A_1481, %dot_general3A_1482 {dimension_numbers = #tpu.dot_dimension_numbers<[1], [1], [0], [0], [0, 0, 1, 0], [], []>, transpose_lhs_hint = false} : vector<128x128xf32>, vector<32x128xf32>, vector<128x32xf32> -> vector<128x32xf32>
    %swap3A_1484 = arith.constant 6784 : index
    %swap3A_1485 = arith.constant 96 : index
    %swap3A_1486 = vector.load %arg5[%swap3A_1484, %swap3A_1485] : memref<8192x128xf32, #tpu.memory_space<vmem>>, vector<128x32xf32>
    tpu.vector_store %arg5[%swap3A_1484, %swap3A_1485], %dot_general3A_1483 {strides = array<i32>} : memref<8192x128xf32, #tpu.memory_space<vmem>>, vector<128x32xf32>,
    %slice3A_1487 = vector.extract_strided_slice %get3A_1162 {offsets = [0, 6912], sizes = [32, 128], strides = [1, 1]} : vector<32x8192xf32> to vector<32x128xf32>
    %dot_general3A_1488 = arith.constant dense<0.000000e+00> : vector<128x32xf32>
    %dot_general3A_1489 = tpu.matmul %select_n3A, %slice3A_1487, %dot_general3A_1488 {dimension_numbers = #tpu.dot_dimension_numbers<[1], [1], [0], [0], [0, 0, 1, 0], [], []>, transpose_lhs_hint = false} : vector<128x128xf32>, vector<32x128xf32>, vector<128x32xf32> -> vector<128x32xf32>
    %swap3A_1490 = arith.constant 6912 : index
    %swap3A_1491 = arith.constant 96 : index
    %swap3A_1492 = vector.load %arg5[%swap3A_1490, %swap3A_1491] : memref<8192x128xf32, #tpu.memory_space<vmem>>, vector<128x32xf32>
    tpu.vector_store %arg5[%swap3A_1490, %swap3A_1491], %dot_general3A_1489 {strides = array<i32>} : memref<8192x128xf32, #tpu.memory_space<vmem>>, vector<128x32xf32>,
    %slice3A_1493 = vector.extract_strided_slice %get3A_1162 {offsets = [0, 7040], sizes = [32, 128], strides = [1, 1]} : vector<32x8192xf32> to vector<32x128xf32>
    %dot_general3A_1494 = arith.constant dense<0.000000e+00> : vector<128x32xf32>
    %dot_general3A_1495 = tpu.matmul %select_n3A, %slice3A_1493, %dot_general3A_1494 {dimension_numbers = #tpu.dot_dimension_numbers<[1], [1], [0], [0], [0, 0, 1, 0], [], []>, transpose_lhs_hint = false} : vector<128x128xf32>, vector<32x128xf32>, vector<128x32xf32> -> vector<128x32xf32>
    %swap3A_1496 = arith.constant 7040 : index
    %swap3A_1497 = arith.constant 96 : index
    %swap3A_1498 = vector.load %arg5[%swap3A_1496, %swap3A_1497] : memref<8192x128xf32, #tpu.memory_space<vmem>>, vector<128x32xf32>
    tpu.vector_store %arg5[%swap3A_1496, %swap3A_1497], %dot_general3A_1495 {strides = array<i32>} : memref<8192x128xf32, #tpu.memory_space<vmem>>, vector<128x32xf32>,
    %slice3A_1499 = vector.extract_strided_slice %get3A_1162 {offsets = [0, 7168], sizes = [32, 128], strides = [1, 1]} : vector<32x8192xf32> to vector<32x128xf32>
    %dot_general3A_1500 = arith.constant dense<0.000000e+00> : vector<128x32xf32>
    %dot_general3A_1501 = tpu.matmul %select_n3A, %slice3A_1499, %dot_general3A_1500 {dimension_numbers = #tpu.dot_dimension_numbers<[1], [1], [0], [0], [0, 0, 1, 0], [], []>, transpose_lhs_hint = false} : vector<128x128xf32>, vector<32x128xf32>, vector<128x32xf32> -> vector<128x32xf32>
    %swap3A_1502 = arith.constant 7168 : index
    %swap3A_1503 = arith.constant 96 : index
    %swap3A_1504 = vector.load %arg5[%swap3A_1502, %swap3A_1503] : memref<8192x128xf32, #tpu.memory_space<vmem>>, vector<128x32xf32>
    tpu.vector_store %arg5[%swap3A_1502, %swap3A_1503], %dot_general3A_1501 {strides = array<i32>} : memref<8192x128xf32, #tpu.memory_space<vmem>>, vector<128x32xf32>,
    %slice3A_1505 = vector.extract_strided_slice %get3A_1162 {offsets = [0, 7296], sizes = [32, 128], strides = [1, 1]} : vector<32x8192xf32> to vector<32x128xf32>
    %dot_general3A_1506 = arith.constant dense<0.000000e+00> : vector<128x32xf32>
    %dot_general3A_1507 = tpu.matmul %select_n3A, %slice3A_1505, %dot_general3A_1506 {dimension_numbers = #tpu.dot_dimension_numbers<[1], [1], [0], [0], [0, 0, 1, 0], [], []>, transpose_lhs_hint = false} : vector<128x128xf32>, vector<32x128xf32>, vector<128x32xf32> -> vector<128x32xf32>
    %swap3A_1508 = arith.constant 7296 : index
    %swap3A_1509 = arith.constant 96 : index
    %swap3A_1510 = vector.load %arg5[%swap3A_1508, %swap3A_1509] : memref<8192x128xf32, #tpu.memory_space<vmem>>, vector<128x32xf32>
    tpu.vector_store %arg5[%swap3A_1508, %swap3A_1509], %dot_general3A_1507 {strides = array<i32>} : memref<8192x128xf32, #tpu.memory_space<vmem>>, vector<128x32xf32>,
    %slice3A_1511 = vector.extract_strided_slice %get3A_1162 {offsets = [0, 7424], sizes = [32, 128], strides = [1, 1]} : vector<32x8192xf32> to vector<32x128xf32>
    %dot_general3A_1512 = arith.constant dense<0.000000e+00> : vector<128x32xf32>
    %dot_general3A_1513 = tpu.matmul %select_n3A, %slice3A_1511, %dot_general3A_1512 {dimension_numbers = #tpu.dot_dimension_numbers<[1], [1], [0], [0], [0, 0, 1, 0], [], []>, transpose_lhs_hint = false} : vector<128x128xf32>, vector<32x128xf32>, vector<128x32xf32> -> vector<128x32xf32>
    %swap3A_1514 = arith.constant 7424 : index
    %swap3A_1515 = arith.constant 96 : index
    %swap3A_1516 = vector.load %arg5[%swap3A_1514, %swap3A_1515] : memref<8192x128xf32, #tpu.memory_space<vmem>>, vector<128x32xf32>
    tpu.vector_store %arg5[%swap3A_1514, %swap3A_1515], %dot_general3A_1513 {strides = array<i32>} : memref<8192x128xf32, #tpu.memory_space<vmem>>, vector<128x32xf32>,
    %slice3A_1517 = vector.extract_strided_slice %get3A_1162 {offsets = [0, 7552], sizes = [32, 128], strides = [1, 1]} : vector<32x8192xf32> to vector<32x128xf32>
    %dot_general3A_1518 = arith.constant dense<0.000000e+00> : vector<128x32xf32>
    %dot_general3A_1519 = tpu.matmul %select_n3A, %slice3A_1517, %dot_general3A_1518 {dimension_numbers = #tpu.dot_dimension_numbers<[1], [1], [0], [0], [0, 0, 1, 0], [], []>, transpose_lhs_hint = false} : vector<128x128xf32>, vector<32x128xf32>, vector<128x32xf32> -> vector<128x32xf32>
    %swap3A_1520 = arith.constant 7552 : index
    %swap3A_1521 = arith.constant 96 : index
    %swap3A_1522 = vector.load %arg5[%swap3A_1520, %swap3A_1521] : memref<8192x128xf32, #tpu.memory_space<vmem>>, vector<128x32xf32>
    tpu.vector_store %arg5[%swap3A_1520, %swap3A_1521], %dot_general3A_1519 {strides = array<i32>} : memref<8192x128xf32, #tpu.memory_space<vmem>>, vector<128x32xf32>,
    %slice3A_1523 = vector.extract_strided_slice %get3A_1162 {offsets = [0, 7680], sizes = [32, 128], strides = [1, 1]} : vector<32x8192xf32> to vector<32x128xf32>
    %dot_general3A_1524 = arith.constant dense<0.000000e+00> : vector<128x32xf32>
    %dot_general3A_1525 = tpu.matmul %select_n3A, %slice3A_1523, %dot_general3A_1524 {dimension_numbers = #tpu.dot_dimension_numbers<[1], [1], [0], [0], [0, 0, 1, 0], [], []>, transpose_lhs_hint = false} : vector<128x128xf32>, vector<32x128xf32>, vector<128x32xf32> -> vector<128x32xf32>
    %swap3A_1526 = arith.constant 7680 : index
    %swap3A_1527 = arith.constant 96 : index
    %swap3A_1528 = vector.load %arg5[%swap3A_1526, %swap3A_1527] : memref<8192x128xf32, #tpu.memory_space<vmem>>, vector<128x32xf32>
    tpu.vector_store %arg5[%swap3A_1526, %swap3A_1527], %dot_general3A_1525 {strides = array<i32>} : memref<8192x128xf32, #tpu.memory_space<vmem>>, vector<128x32xf32>,
    %slice3A_1529 = vector.extract_strided_slice %get3A_1162 {offsets = [0, 7808], sizes = [32, 128], strides = [1, 1]} : vector<32x8192xf32> to vector<32x128xf32>
    %dot_general3A_1530 = arith.constant dense<0.000000e+00> : vector<128x32xf32>
    %dot_general3A_1531 = tpu.matmul %select_n3A, %slice3A_1529, %dot_general3A_1530 {dimension_numbers = #tpu.dot_dimension_numbers<[1], [1], [0], [0], [0, 0, 1, 0], [], []>, transpose_lhs_hint = false} : vector<128x128xf32>, vector<32x128xf32>, vector<128x32xf32> -> vector<128x32xf32>
    %swap3A_1532 = arith.constant 7808 : index
    %swap3A_1533 = arith.constant 96 : index
    %swap3A_1534 = vector.load %arg5[%swap3A_1532, %swap3A_1533] : memref<8192x128xf32, #tpu.memory_space<vmem>>, vector<128x32xf32>
    tpu.vector_store %arg5[%swap3A_1532, %swap3A_1533], %dot_general3A_1531 {strides = array<i32>} : memref<8192x128xf32, #tpu.memory_space<vmem>>, vector<128x32xf32>,
    %slice3A_1535 = vector.extract_strided_slice %get3A_1162 {offsets = [0, 7936], sizes = [32, 128], strides = [1, 1]} : vector<32x8192xf32> to vector<32x128xf32>
    %dot_general3A_1536 = arith.constant dense<0.000000e+00> : vector<128x32xf32>
    %dot_general3A_1537 = tpu.matmul %select_n3A, %slice3A_1535, %dot_general3A_1536 {dimension_numbers = #tpu.dot_dimension_numbers<[1], [1], [0], [0], [0, 0, 1, 0], [], []>, transpose_lhs_hint = false} : vector<128x128xf32>, vector<32x128xf32>, vector<128x32xf32> -> vector<128x32xf32>
    %swap3A_1538 = arith.constant 7936 : index
    %swap3A_1539 = arith.constant 96 : index
    %swap3A_1540 = vector.load %arg5[%swap3A_1538, %swap3A_1539] : memref<8192x128xf32, #tpu.memory_space<vmem>>, vector<128x32xf32>
    tpu.vector_store %arg5[%swap3A_1538, %swap3A_1539], %dot_general3A_1537 {strides = array<i32>} : memref<8192x128xf32, #tpu.memory_space<vmem>>, vector<128x32xf32>,
    %slice3A_1541 = vector.extract_strided_slice %get3A_1162 {offsets = [0, 8064], sizes = [32, 128], strides = [1, 1]} : vector<32x8192xf32> to vector<32x128xf32>
    %dot_general3A_1542 = arith.constant dense<0.000000e+00> : vector<128x32xf32>
    %dot_general3A_1543 = tpu.matmul %select_n3A, %slice3A_1541, %dot_general3A_1542 {dimension_numbers = #tpu.dot_dimension_numbers<[1], [1], [0], [0], [0, 0, 1, 0], [], []>, transpose_lhs_hint = false} : vector<128x128xf32>, vector<32x128xf32>, vector<128x32xf32> -> vector<128x32xf32>
    %swap3A_1544 = arith.constant 8064 : index
    %swap3A_1545 = arith.constant 96 : index
    %swap3A_1546 = vector.load %arg5[%swap3A_1544, %swap3A_1545] : memref<8192x128xf32, #tpu.memory_space<vmem>>, vector<128x32xf32>
    tpu.vector_store %arg5[%swap3A_1544, %swap3A_1545], %dot_general3A_1543 {strides = array<i32>} : memref<8192x128xf32, #tpu.memory_space<vmem>>, vector<128x32xf32>,
    return
  }
  func.func @transform_0(%arg0: i32) -> (i32, i32) {
    %c0_i32 = arith.constant 0 : i32
    %c0_i32_0 = arith.constant 0 : i32
    return %c0_i32, %arg0 : i32, i32
  }
  func.func @transform_1(%arg0: i32) -> (i32, i32) {
    %c0_i32 = arith.constant 0 : i32
    %c0_i32_0 = arith.constant 0 : i32
    return %c0_i32, %arg0 : i32, i32
  }
  func.func @transform_2(%arg0: i32) -> (i32, i32) {
    %c0_i32 = arith.constant 0 : i32
    %c0_i32_0 = arith.constant 0 : i32
    return %c0_i32, %arg0 : i32, i32
  }
  func.func @transform_3(%arg0: i32) -> (i32, i32) {
    %c0_i32 = arith.constant 0 : i32
    %c0_i32_0 = arith.constant 0 : i32
    return %c0_i32, %arg0 : i32, i32
  }
  func.func @transform_4(%arg0: i32) -> (i32, i32) {
    %c0_i32 = arith.constant 0 : i32
    %c0_i32_0 = arith.constant 0 : i32
    return %arg0, %c0_i32 : i32, i32
  }
}

</mosaic_0001>

<sc_bundles>
// kernel: kernel.4.cloned.1.call-start
scs
__scs_entry_jumppad:
0x0: {  	(pc) =	sbr.rel $0x88, $3  }
0x1: {  	(tag) =	ssettag $0x0;
	lr =	simm.s32 $0x1  }
0x2: {  	[smem:$0x3F9C] =	sst lr;
	_ =	strace $0xD0000000  }
0x3: {  	_ = 	snop  }
0x4: {  	_ = 	snop  }
0x5: {  	_ = 	snop  }
0x6: {  	_ = 	snop  }
0x7: {  	_ = 	snop  }
__scs_overlays_trampoline_lowered:
0x8: {  	[smem:$0x3FAB] =	sst s0  }
0x9: {  	[smem:$0x3FAC] =	sst s1  }
0xa: {  	[smem:$0x3FAD] =	sst s2  }
0xb: {  	[smem:$0x3FAE] =	sst s3  }
0xc: {  	[smem:$0x3FAF] =	sst s4  }
0xd: {  	[smem:$0x3FB0] =	sst s5  }
0xe: {  	[smem:$0x3FB1] =	sst s6  }
0xf: {  	[smem:$0x3FB2] =	sst s7  }
0x10: {  	[smem:$0x3FB3] =	sst s8  }
0x11: {  	[smem:$0x3FB4] =	sst s9;
	s0 =	simm.s32 @!p0 $0x0  }
0x12: {  	s1 =	sld [smem:$0x3F9A];
	s0 =	simm.s32 @p0 $0x1  }
0x13: {  	[smem:$0x3FB5] =	sst s0;
	s0 =	simm.s32 @!p1 $0x0  }
0x14: {  	s2 =	sld [smem:$0x3F99];
	s0 =	simm.s32 @p1 $0x1  }
0x15: {  	[smem:$0x3FB6] =	sst s0;
	s0 =	simm.s32 @!p2 $0x0  }
0x16: {  	s3 =	sld [smem:$0x3FDB];
	s0 =	simm.s32 @p2 $0x1  }
0x17: {  	s4 =	simm.s32 $0x1BF5;
	[smem:$0x3FB8] =	sst s0  }
0x18: {  	s0 =	sld [smem:$0x3F9B];
	_ =	swait.ge [sflag:s4], $0x0  }
0x19: {  	s7 =	sld [smem:$0x3F9C]  }
0x1a: {  	s8 =	sadd.s32 $0xFFFFE003, lr  }
0x1b: {  	s9 =	sadd.s32 $0xFFFFFEF7, lr;
	s5 =	simm.s32 $0xFFFFFFFF;
	p2 =	slt.u32 s8, $0xFFFFF086  }
0x1c: {  	p1 =	slt.u32 s9, $0xF7A;
	s5 =	simm.s32 @!p2 $0x0  }
0x1d: {  	s5 =	simm.s32 @p1 $0x1;
	p0 =	seq.s32 s7, s2  }
0x1e: {  	s7 =	smul.u32 @!p0 $0xF7A, s2;
	p2 =	seq.s32 @!p0 s5, $0x0  }
0x1f: {  	s9 =	smul.u32 $0xF7A, s1;
	s8 =	simm.s32 @!p0 $0x1BF5;
	p2 =	por !p2, p0  }
0x20: {  	[sflag:s8] =	ssyncset.s32 @!p0 $0xFFFFF086;
	s6 =	sadd.s32 @!p0 s3, s7;
	s7 =	simm.s32 @!p0 $0x108  }
0x21: {  	s3 =	sadd.s32 s3, s9;
	s6 =	sadd.s32 @!p0 $0x88, s6;
	s7 =	simm.s32 @p2 $0x1082  }
0x22: {  	[simem:s7], [sflag:s8] =	dma.local @!p0 [hbm:s6], $0xF7A  }
0x23: {  	s9 =	sor.u32 $0xD0000000, s2;
	s6 =	simm.s32 $0x108;
	_ =	swait.ge @!p0 [sflag:s8], $0x0  }
0x24: {  	s3 =	sadd.s32 $0x88, s3;
	s6 =	simm.s32 @!p1 $0x1082;
	[sflag:s4] =	ssyncset.s32 $0xFFFFF086  }
0x25: {  	[simem:s6], [sflag:s4] =	dma.local [hbm:s3], $0xF7A  }
0x26: {  	[smem:$0x3F9C] =	sst s1;
	(tag) =	ssettag s2;
	_ =	strace s9  }
0x27: {  	s1 =	sld [smem:$0x3FAC]  }
0x28: {  	s2 =	sld [smem:$0x3FAD]  }
0x29: {  	s4 =	sld [smem:$0x3FAF]  }
0x2a: {  	p0 =	seq.s32 s5, $0x0;
	s5 =	sld [smem:$0x3FB0]  }
0x2b: {  	s6 =	sld [smem:$0x3FB1]  }
0x2c: {  	s7 =	sld [smem:$0x3FB2]  }
0x2d: {  	s3 =	simm.s32 $0x108;
	s8 =	sld [smem:$0x3FB3]  }
0x2e: {  	s3 =	simm.s32 @!p0 $0x1082;
	s9 =	sld [smem:$0x3FB4]  }
0x2f: {  	lr =	sadd.s32 s0, s3;
	s0 =	sld [smem:$0x3FAB]  }
0x30: {  	s3 =	sld [smem:$0x3FAE]  }
0x31: {  	[smem:$0x3FB7] =	sst s10  }
0x32: {  	s10 =	sld [smem:$0x3FB5];
	_ =	sdelay $0x3  }
0x33: {  	p0 =	seq.s32 s10, $0x1;
	s10 =	sld [smem:$0x3FB7];
	_ =	sdelay $0x3  }
0x34: {  	[smem:$0x3FB7] =	sst s10  }
0x35: {  	s10 =	sld [smem:$0x3FB6];
	_ =	sdelay $0x3  }
0x36: {  	p1 =	seq.s32 s10, $0x1;
	s10 =	sld [smem:$0x3FB7];
	_ =	sdelay $0x3  }
0x37: {  	[smem:$0x3FB7] =	sst s10  }
0x38: {  	s10 =	sld [smem:$0x3FB8]  }
0x39: {  	_ = 	snop;
	(pc) =	sbr.ind lr, $3  }
0x3a: {  	_ = 	snop  }
0x3b: {  	_ = 	snop  }
0x3c: {  	p2 =	seq.s32 s10, $0x1;
	s10 =	sld [smem:$0x3FB7]  }
0x3d: {  	_ =	shalt  }
0x3e: {  	_ =	shalt  }
0x3f: {  	_ =	shalt  }
0x40: {  	_ =	shalt  }
0x41: {  	_ =	shalt  }
0x42: {  	_ =	shalt  }
0x43: {  	_ =	shalt  }
0x44: {  	_ =	shalt  }
0x45: {  	_ =	shalt  }
0x46: {  	_ =	shalt  }
0x47: {  	_ =	shalt  }
0x48: {  	_ =	shalt  }
0x49: {  	_ =	shalt  }
0x4a: {  	_ =	shalt  }
0x4b: {  	_ =	shalt  }
0x4c: {  	_ =	shalt  }
0x4d: {  	_ =	shalt  }
0x4e: {  	_ =	shalt  }
0x4f: {  	_ =	shalt  }
0x50: {  	_ =	shalt  }
0x51: {  	_ =	shalt  }
0x52: {  	_ =	shalt  }
0x53: {  	_ =	shalt  }
0x54: {  	_ =	shalt  }
0x55: {  	_ =	shalt  }
0x56: {  	_ =	shalt  }
0x57: {  	_ =	shalt  }
0x58: {  	_ =	shalt  }
0x59: {  	_ =	shalt  }
0x5a: {  	_ =	shalt  }
0x5b: {  	_ =	shalt  }
0x5c: {  	_ =	shalt  }
0x5d: {  	_ =	shalt  }
0x5e: {  	_ =	shalt  }
0x5f: {  	_ =	shalt  }
0x60: {  	_ =	shalt  }
0x61: {  	_ =	shalt  }
0x62: {  	_ =	shalt  }
0x63: {  	_ =	shalt  }
0x64: {  	_ =	shalt  }
0x65: {  	_ =	shalt  }
0x66: {  	_ =	shalt  }
0x67: {  	_ =	shalt  }
0x68: {  	_ =	shalt  }
0x69: {  	_ =	shalt  }
0x6a: {  	_ =	shalt  }
0x6b: {  	_ =	shalt  }
0x6c: {  	_ =	shalt  }
0x6d: {  	_ =	shalt  }
0x6e: {  	_ =	shalt  }
0x6f: {  	_ =	shalt  }
0x70: {  	_ =	shalt  }
0x71: {  	_ =	shalt  }
0x72: {  	_ =	shalt  }
0x73: {  	_ =	shalt  }
0x74: {  	_ =	shalt  }
0x75: {  	_ =	shalt  }
0x76: {  	_ =	shalt  }
0x77: {  	_ =	shalt  }
0x78: {  	_ =	shalt  }
0x79: {  	_ =	shalt  }
0x7a: {  	_ =	shalt  }
0x7b: {  	_ =	shalt  }
0x7c: {  	_ =	shalt  }
0x7d: {  	_ =	shalt  }
0x7e: {  	_ =	shalt  }
0x7f: {  	_ =	shalt  }
0x80: {  	_ =	shalt  }
0x81: {  	_ =	shalt  }
0x82: {  	_ =	shalt  }
0x83: {  	_ =	shalt  }
0x84: {  	_ =	shalt  }
0x85: {  	_ =	shalt  }
0x86: {  	_ =	shalt  }
0x87: {  	_ =	shalt  }
.Lfunc_end0:
.L_simem_size_0:
called_computation_lowered:
.L_overlay_start_0:
0x88: {  	s2 =	sld [smem:$0x3FD9]  }
0x89: {  	s3 =	sld [smem:$0x3FFE];
	_ =	sdelay $0x1  }
0x8a: {  	s1 =	srdreg.scid  }
0x8b: {  	s0 =	sand.u32 $0x1, s1  }
0x8c: {  	s17 =	sshll.u32 s0, $0xA;
	s2 =	sadd.s32 s3, s2  }
0x8d: {  	s2 =	sadd.s32 s2, s17  }
0x8e: {  	[smem:$0x3FC3] =	sst s2  }
0x8f: {  	_ = 	snop  }
0x90: {  	s2 =	sld [smem:$0x3FC9]  }
0x91: {  	s18 =	sld [smem:$0x3FD0];
	(tm) =	ssettm $0x1  }
0x92: {  	s4 =	sld [smem:$0x3FFB];
	_ =	sdelay $0x3  }
0x93: {  	_ =	strace s4  }
0x94: {  	s4 =	sld [smem:$0x3FFC];
	_ =	sdelay $0x3  }
0x95: {  	_ =	strace s4  }
0x96: {  	s4 =	sld [smem:$0x3FFD];
	_ =	sdelay $0x3  }
0x97: {  	_ =	strace s4  }
0x98: {  	_ =	strace $0x8FFFFFFF  }
0x99: {  	s19 =	sld [smem:$0x3FDB];
	_ =	sdelay $0x1  }
0x9a: {  	s5 =	simm.s32 $_scs_section_size  }
0x9b: {  	s6 =	simm.s32 $_size__tile_overlayer_lowered;
	s7 =	simm.s32 $_tile_overlayer_lowered  }
0x9c: {  	s22 =	simm.s32 $0x1BFF;
	s21 =	sshll.u32 s7, $0x1;
	s4 =	sadd.s32 s5, s19  }
0x9d: {  	s8 =	simm.s32 $0x0;
	s20 =	sshll.u32 s6, $0x1;
	s6 =	sadd.s32 s21, s4  }
0x9e: {  	[timem:s8], [sflag:s22] =	dma.local [hbm:s6], s20  }
0x9f: {  	_ =	swait.ge [sflag:s22], s20  }
0xa0: {  	s5 =	ssub.s32 $0x0, s20;
	[sflag:s22] =	ssyncset.done $0x0  }
0xa1: {  	[sflag:s22] =	ssyncadd.s32 s5;
	_ =	sdelay $0x1  }
0xa2: {  	s23 =	simm.s32 $0x1B8B  }
0xa3: {  	_ =	swait.ge [sflag:s23], $0x1  }
0xa4: {  	[sflag:s23] =	ssyncset.done $0x0  }
0xa5: {  	s25 =	simm.s32 $0x1B8E;
	s24 =	sld [smem:$0x3FFE];
	[sflag:s23] =	ssyncadd.s32 $0xFFFFFFFF  }
0xa6: {  	s26 =	simm.s32 $execute0_lowered;
	[smem:$0x3FD2] =	sst s25  }
0xa7: {  	s6 =	sshll.u32 s26, $0x1;
	_ =	strace $0x80000046;
	[dreg:$0x1] =	wrdreg $0xFFFFFFFF  }
0xa8: {  	s28 =	simm.s32 $_size_execute0_lowered;
	s4 =	sadd.s32 s4, s6;
	[dreg:$0x0] =	wrdreg $0x0  }
0xa9: {  	s6 =	sshll.u32 s28, $0x1;
	[dreg:$0x2] =	wrdreg s4  }
0xaa: {  	[dreg:$0x3] =	wrdreg s6  }
0xab: {  	[dreg:$0x4] =	wrdreg $0xC0  }
0xac: {  	_ =	task [dreg:s8], $0x5FFFF  }
0xad: {  	[dreg:$0x1] =	wrdreg $0xFFFFFFFF  }
0xae: {  	[dreg:$0x0] =	wrdreg $0x60  }
0xaf: {  	[dreg:$0x2] =	wrdreg s2  }
0xb0: {  	[dreg:$0x3] =	wrdreg s24  }
0xb1: {  	[dreg:$0x4] =	wrdreg s18  }
0xb2: {  	[dreg:$0x5] =	wrdreg $0x9  }
0xb3: {  	_ =	task.clear_ibuf [dreg:s8], $0x6FFFF;
	_ =	strace $0x90000046  }
0xb4: {  	s29 =	simm.s32 $0x9;
	_ =	strace $0x80000048  }
0xb5: {  	_ =	swait.ge [sflag:s29], $0x1  }
0xb6: {  	[sflag:s29] =	ssyncadd.s32 $0xFFFFFFFF  }
0xb7: {  	_ =	strace $0x90000048  }
0xb8: {  	_ =	sfence  }
0xb9: {  	s30 =	sld [smem:$0x0];
	_ =	sdelay $0x2  }
0xba: {  	s31 =	sshll.u32 s1, $0xD;
	s1 =	sshrl.u32 s1, $0x2  }
0xbb: {  	s3 =	sand.u32 $0x4000, s31;
	s1 =	sadd.s32 s1, s30  }
0xbc: {  	s0 =	sor.u32 s3, s0;
	s1 =	sshll.u32 s1, $0x11  }
0xbd: {  	s0 =	sor.u32 s1, s0  }
0xbe: {  	s0 =	sadd.s32 $0x8F2B, s0  }
0xbf: {  	[sflag:s0] =	ssyncadd.remote.s32 $0x1  }
0xc0: {  	_ =	sfence.sel $0xFFFF  }
0xc1: {  	[dreg:$0x0] =	wrdreg $0xFFFFFFFF;
	(pc) =	sbr.abs _section_cstart, $3  }
0xc2: {  	[dreg:$0x1] =	wrdreg $0xFFFFFFFF  }
0xc3: {  	_ =	task.clear_ibuf [dreg:s8], $0x2FFFF;
	_ =	strace $0x9FFFFFFF  }
0xc4: {  	(tm) =	ssettm $0x7FFFFFFF  }
0xc5: {  	_ =	shalt  }
tec
execute0_lowered:
.L_overlay_start_1:
0x0: {  	(tag) =	ssettag $0x1  }
0x1: {  	s4 =	rddreg [dreg:$0x0]  }
0x2: {  	s5 =	rddreg [dreg:$0x1]  }
0x3: {  	s2 =	rddreg [dreg:$0x2];
	s3 =	srdreg.scid  }
0x4: {  	s0 =	rddreg [dreg:$0x3];
	s1 =	stileid.u32;
	s9 =	simm.s32 $0x400  }
0x5: {  	s10 =	simm.s32 $0x8000;
	s11 =	simm.s32 $0x1800;
	s12 =	simm.s32 $0x3  }
0x6: {  	s13 =	simm.s32 $0x80;
	s14 =	simm.s32 $0x1C00;
	s15 =	simm.s32 $0x1D00  }
0x7: {  	s16 =	simm.s32 $0x1C80;
	s17 =	simm.s32 $0x5D00;
	s18 =	simm.s32 $0x1  }
0x8: {  	v0 =	vlaneseq.u32;
	s19 =	simm.s32 $0x9D00;
	s20 =	simm.s32 $0x2;
	s21 =	simm.s32 $0x0  }
0x9: {  	s6 =	sand.u32 $0x1, s3;
	s3 =	simm.s32 $0x0;
	s8 =	sshll.u32 s1, $0x7;
	v0 =	vmul.u32 $0x4, v0  }
0xa: {  	s5 =	sadd.s32 $0x400, s5;
	s7 =	sshll.u32 s6, $0xB;
	s6 =	ssub.s32 $0x2, s6  }
0xb: {  	[smem:$0x7FF] =	sst s3;
	s7 =	sor.u32 s8, s7;
	s31 =	sshrl.u32 s6, $0x1;
	v1 =	vor.u32 $0x40, v0  }
0xc: {  	_ =	strace $0x80000047;
	v2 =	vor.u32 $0x1, v0;
	v3 =	vor.u32 $0x41, v0;
	v4 =	vor.u32 $0x2, v0;
	s4 =	sadd.s32 s4, s7;
	s8 =	ssub.s32 s6, s31  }
0xd: {  	v5 =	vor.u32 $0x42, v0;
	v6 =	vor.u32 $0x3, v0;
	v7 =	vor.u32 $0x43, v0;
	s7 =	sshll.u32 s7, $0x7;
	s6 =	sadd.s32 $0x6000, s4;
	s8 =	smax.u32 s8, $0x1  }
.LBB2_1:
0xe: {  	[tilespmem:s3], [sflag:$0x3] =	stream.strided.gather [hbm4b:s4+s9], $0x1800, s10, s9, $0x38;
	[tilespmem:$0xDD00] =	vst v63  }
0xf: {  	_ = 	snop  }
0x10: {  	[tilespmem:s11], [sflag:$0x3] =	stream.linear.gather [hbm4b:s6+s3], $0x100, $0x38;
	[tilespmem:$0xDD00] =	vst v63  }
0x11: {  	_ =	swait.ge [sflag:s12], $0x1900  }
0x12: {  	[sflag:s12] =	ssyncset.done $0x0  }
0x13: {  	[sflag:s12] =	ssyncadd.s32 $0xFFFFE700  }
0x14: {  	v8 =	vld [tilespmem:$0x0]  }
0x15: {  	v9 =	vld [tilespmem:$0x10]  }
0x16: {  	v10 =	vld [tilespmem:$0x20]  }
0x17: {  	v11 =	vld [tilespmem:$0x30]  }
0x18: {  	v12 =	vld [tilespmem:$0x40]  }
0x19: {  	v62 =	vld [tilespmem:$0x60];
	[tilespmem:$0x1C00] =	vst v8  }
0x1a: {  	v63 =	vld [tilespmem:$0x70];
	[tilespmem:$0x1C10] =	vst v9  }
0x1b: {  	v8 =	vld [tilespmem:$0x50];
	[tilespmem:$0x1C20] =	vst v10  }
0x1c: {  	[tilespmem:$0x1C30] =	vst v11  }
0x1d: {  	[tilespmem:$0x1C40] =	vst v12  }
0x1e: {  	[tilespmem:$0x1C60] =	vst v62  }
0x1f: {  	[tilespmem:$0x1C70] =	vst v63  }
0x20: {  	s22 =	simm.s32 $0x0;
	[tilespmem:$0x1C50] =	vst v8  }
0x21: {  	[tilespmem:s15], [sflag:$0x1] =	stream.indirect.gather [hbm4b:s5+s13], $0x80, s14, s13, $0xb8;
	[tilespmem:$0xDD00] =	vst v63  }
.LBB2_2:
0x22: {  	s23 =	sshllo.u32 s22, $0x1  }
0x23: {  	s24 =	sshll.u32 s23, $0x7  }
0x24: {  	s24 =	sand.u32 $0x3FFFFF80, s24  }
0x25: {  	v8 =	vld [tilespmem:s24+$0x0];
	_ =	sdelay $0x4  }
0x26: {  	[tilespmem:$0x1C80] =	vst v8  }
0x27: {  	v8 =	vld [tilespmem:s24+$0x10];
	_ =	sdelay $0x4  }
0x28: {  	[tilespmem:$0x1C90] =	vst v8  }
0x29: {  	v8 =	vld [tilespmem:s24+$0x20];
	_ =	sdelay $0x4  }
0x2a: {  	[tilespmem:$0x1CA0] =	vst v8  }
0x2b: {  	v8 =	vld [tilespmem:s24+$0x30];
	_ =	sdelay $0x4  }
0x2c: {  	[tilespmem:$0x1CB0] =	vst v8  }
0x2d: {  	v8 =	vld [tilespmem:s24+$0x40];
	_ =	sdelay $0x4  }
0x2e: {  	[tilespmem:$0x1CC0] =	vst v8  }
0x2f: {  	v8 =	vld [tilespmem:s24+$0x50];
	_ =	sdelay $0x4  }
0x30: {  	[tilespmem:$0x1CD0] =	vst v8  }
0x31: {  	v8 =	vld [tilespmem:s24+$0x60];
	_ =	sdelay $0x4  }
0x32: {  	[tilespmem:$0x1CE0] =	vst v8  }
0x33: {  	v8 =	vld [tilespmem:s24+$0x70];
	_ =	sdelay $0x4  }
0x34: {  	[tilespmem:$0x1CF0] =	vst v8  }
0x35: {  	[tilespmem:s17], [sflag:$0x2] =	stream.indirect.gather [hbm4b:s5+s13], $0x80, s16, s13, $0xb8;
	[tilespmem:$0xDD00] =	vst v63  }
0x36: {  	_ =	swait.ge [sflag:s18], $0x4000  }
0x37: {  	s26 =	simm.s32 $0x0;
	[sflag:s18] =	ssyncset.done $0x0  }
0x38: {  	s25 =	simm.s32 $0x2;
	s24 =	simm.s32 $0x1D80;
	[sflag:s18] =	ssyncadd.s32 $0xFFFFC000  }
.LBB2_3:
0x39: {  	p0 =	slt.u32 s25, $0x7E;
	v8 =	vld [tilespmem:s24+$0xFFFFFF80];
	v9 =	vor.u32 s26, v0;
	_ =	sdelay $0x4  }
0x3a: {  	[tilespmem:v9+s19+$0x0] =	vst.idx.msk $0xffff, v8  }
0x3b: {  	v9 =	vor.u32 s26, v1;
	v8 =	vld [tilespmem:s24+$0xFFFFFF90];
	_ =	sdelay $0x4  }
0x3c: {  	[tilespmem:v9+s19+$0x0] =	vst.idx.msk $0xffff, v8  }
0x3d: {  	v9 =	vor.u32 s26, v2;
	v8 =	vld [tilespmem:s24+$0xFFFFFFA0];
	_ =	sdelay $0x4  }
0x3e: {  	[tilespmem:v9+s19+$0x0] =	vst.idx.msk $0xffff, v8  }
0x3f: {  	v9 =	vor.u32 s26, v3;
	v8 =	vld [tilespmem:s24+$0xFFFFFFB0];
	_ =	sdelay $0x4  }
0x40: {  	[tilespmem:v9+s19+$0x0] =	vst.idx.msk $0xffff, v8  }
0x41: {  	v9 =	vor.u32 s26, v4;
	v8 =	vld [tilespmem:s24+$0xFFFFFFC0];
	_ =	sdelay $0x4  }
0x42: {  	[tilespmem:v9+s19+$0x0] =	vst.idx.msk $0xffff, v8  }
0x43: {  	v9 =	vor.u32 s26, v5;
	v8 =	vld [tilespmem:s24+$0xFFFFFFD0];
	_ =	sdelay $0x4  }
0x44: {  	[tilespmem:v9+s19+$0x0] =	vst.idx.msk $0xffff, v8  }
0x45: {  	v9 =	vor.u32 s26, v6;
	v8 =	vld [tilespmem:s24+$0xFFFFFFE0];
	_ =	sdelay $0x4  }
0x46: {  	[tilespmem:v9+s19+$0x0] =	vst.idx.msk $0xffff, v8  }
0x47: {  	v9 =	vor.u32 s26, v7;
	v8 =	vld [tilespmem:s24+$0xFFFFFFF0];
	_ =	sdelay $0x4  }
0x48: {  	s26 =	sadd.s32 $0x80, s26;
	[tilespmem:v9+s19+$0x0] =	vst.idx.msk $0xffff, v8  }
0x49: {  	v9 =	vor.u32 s26, v0;
	v8 =	vld [tilespmem:s24+$0x0];
	_ =	sdelay $0x4  }
0x4a: {  	[tilespmem:v9+s19+$0x0] =	vst.idx.msk $0xffff, v8  }
0x4b: {  	v9 =	vor.u32 s26, v1;
	v8 =	vld [tilespmem:s24+$0x10];
	_ =	sdelay $0x4  }
0x4c: {  	[tilespmem:v9+s19+$0x0] =	vst.idx.msk $0xffff, v8  }
0x4d: {  	v9 =	vor.u32 s26, v2;
	v8 =	vld [tilespmem:s24+$0x20];
	_ =	sdelay $0x4  }
0x4e: {  	[tilespmem:v9+s19+$0x0] =	vst.idx.msk $0xffff, v8  }
0x4f: {  	v9 =	vor.u32 s26, v3;
	v8 =	vld [tilespmem:s24+$0x30];
	_ =	sdelay $0x4  }
0x50: {  	[tilespmem:v9+s19+$0x0] =	vst.idx.msk $0xffff, v8  }
0x51: {  	v9 =	vor.u32 s26, v4;
	v8 =	vld [tilespmem:s24+$0x40];
	_ =	sdelay $0x4  }
0x52: {  	[tilespmem:v9+s19+$0x0] =	vst.idx.msk $0xffff, v8  }
0x53: {  	v9 =	vor.u32 s26, v5;
	v8 =	vld [tilespmem:s24+$0x50];
	_ =	sdelay $0x4  }
0x54: {  	[tilespmem:v9+s19+$0x0] =	vst.idx.msk $0xffff, v8  }
0x55: {  	v9 =	vor.u32 s26, v6;
	v8 =	vld [tilespmem:s24+$0x60];
	_ =	sdelay $0x4  }
0x56: {  	[tilespmem:v9+s19+$0x0] =	vst.idx.msk $0xffff, v8  }
0x57: {  	v9 =	vor.u32 s26, v7;
	v8 =	vld [tilespmem:s24+$0x70]  }
.Ltmp0:
0x58: {  	(pc) =	sbr.rel @p0 .LBB2_3-.Ltmp0, $2  }
0x59: {  	_ =	sdelay $0x2  }
0x5a: {  	s26 =	sshll.u32 s25, $0x7;
	s25 =	sadd.s32 $0x2, s25;
	s24 =	sadd.s32 $0x100, s24;
	[tilespmem:v9+s19+$0x0] =	vst.idx.msk $0xffff, v8  }
0x5b: {  	v8 =	vld [tilespmem:s24+$0xFFFFFF80];
	v9 =	vor.u32 s26, v0;
	_ =	sdelay $0x4  }
0x5c: {  	[tilespmem:v9+s19+$0x0] =	vst.idx.msk $0xffff, v8  }
0x5d: {  	v49 =	vor.u32 s26, v1;
	v8 =	vld [tilespmem:s24+$0xFFFFFF90];
	_ =	sdelay $0x4  }
0x5e: {  	[tilespmem:v49+s19+$0x0] =	vst.idx.msk $0xffff, v8  }
0x5f: {  	v50 =	vor.u32 s26, v2;
	v8 =	vld [tilespmem:s24+$0xFFFFFFA0];
	_ =	sdelay $0x4  }
0x60: {  	[tilespmem:v50+s19+$0x0] =	vst.idx.msk $0xffff, v8  }
0x61: {  	v51 =	vor.u32 s26, v3;
	v8 =	vld [tilespmem:s24+$0xFFFFFFB0];
	_ =	sdelay $0x4  }
0x62: {  	[tilespmem:v51+s19+$0x0] =	vst.idx.msk $0xffff, v8  }
0x63: {  	v52 =	vor.u32 s26, v4;
	v8 =	vld [tilespmem:s24+$0xFFFFFFC0];
	_ =	sdelay $0x4  }
0x64: {  	[tilespmem:v52+s19+$0x0] =	vst.idx.msk $0xffff, v8  }
0x65: {  	v53 =	vor.u32 s26, v5;
	v8 =	vld [tilespmem:s24+$0xFFFFFFD0];
	_ =	sdelay $0x4  }
0x66: {  	[tilespmem:v53+s19+$0x0] =	vst.idx.msk $0xffff, v8  }
0x67: {  	v54 =	vor.u32 s26, v6;
	v8 =	vld [tilespmem:s24+$0xFFFFFFE0];
	_ =	sdelay $0x4  }
0x68: {  	[tilespmem:v54+s19+$0x0] =	vst.idx.msk $0xffff, v8  }
0x69: {  	v55 =	vor.u32 s26, v7;
	v8 =	vld [tilespmem:s24+$0xFFFFFFF0];
	_ =	sdelay $0x4  }
0x6a: {  	s25 =	sadd.s32 $0x80, s26;
	[tilespmem:v55+s19+$0x0] =	vst.idx.msk $0xffff, v8  }
0x6b: {  	v56 =	vor.u32 s25, v0;
	v8 =	vld [tilespmem:s24+$0x0];
	_ =	sdelay $0x4  }
0x6c: {  	[tilespmem:v56+s19+$0x0] =	vst.idx.msk $0xffff, v8  }
0x6d: {  	v57 =	vor.u32 s25, v1;
	v8 =	vld [tilespmem:s24+$0x10];
	_ =	sdelay $0x4  }
0x6e: {  	[tilespmem:v57+s19+$0x0] =	vst.idx.msk $0xffff, v8  }
0x6f: {  	v58 =	vor.u32 s25, v2;
	v8 =	vld [tilespmem:s24+$0x20];
	_ =	sdelay $0x4  }
0x70: {  	[tilespmem:v58+s19+$0x0] =	vst.idx.msk $0xffff, v8  }
0x71: {  	v59 =	vor.u32 s25, v3;
	v8 =	vld [tilespmem:s24+$0x30];
	_ =	sdelay $0x4  }
0x72: {  	[tilespmem:v59+s19+$0x0] =	vst.idx.msk $0xffff, v8  }
0x73: {  	v60 =	vor.u32 s25, v4;
	v8 =	vld [tilespmem:s24+$0x40];
	_ =	sdelay $0x4  }
0x74: {  	[tilespmem:v60+s19+$0x0] =	vst.idx.msk $0xffff, v8  }
0x75: {  	v61 =	vor.u32 s25, v5;
	v8 =	vld [tilespmem:s24+$0x50];
	_ =	sdelay $0x4  }
0x76: {  	[tilespmem:v61+s19+$0x0] =	vst.idx.msk $0xffff, v8  }
0x77: {  	v62 =	vor.u32 s25, v6;
	v8 =	vld [tilespmem:s24+$0x60];
	_ =	sdelay $0x4  }
0x78: {  	[tilespmem:v62+s19+$0x0] =	vst.idx.msk $0xffff, v8  }
0x79: {  	v63 =	vor.u32 s25, v7;
	v8 =	vld [tilespmem:s24+$0x70];
	_ =	sdelay $0x1  }
0x7a: {  	s31 =	sshll.u32 s22, $0x14  }
0x7b: {  	s24 =	sor.u32 s7, s31  }
0x7c: {  	s24 =	sshrl.u32 s24, $0x3  }
0x7d: {  	s24 =	sadd.s32 s2, s24;
	[tilespmem:v63+s19+$0x0] =	vst.idx.msk $0xffff, v8  }
0x7e: {  	[hbm4b:s24+s3] =	stream.linear.scatter [tilespmem:s19], [sflag:$0x3], $0x4000, $0x38;
	[tilespmem:$0xDD00] =	vst v63  }
0x7f: {  	p0 =	seq.s32 s22, $0x18;
	_ =	swait.ge [sflag:s12], $0x4000  }
0x80: {  	s24 =	sshll.u32 @!p0 s22, $0x8;
	[sflag:s12] =	ssyncset.done $0x0  }
0x81: {  	s24 =	sand.u32 @!p0 $0x3FFFFF00, s24;
	[sflag:s12] =	ssyncadd.s32 $0xFFFFC000  }
0x82: {  	v8 =	vld @!p0 [tilespmem:s24+$0x100];
	_ =	sdelay $0x4  }
0x83: {  	[tilespmem:$0x1C00] =	vst @!p0 v8  }
0x84: {  	v8 =	vld @!p0 [tilespmem:s24+$0x110];
	_ =	sdelay $0x4  }
0x85: {  	[tilespmem:$0x1C10] =	vst @!p0 v8  }
0x86: {  	v8 =	vld @!p0 [tilespmem:s24+$0x120];
	_ =	sdelay $0x4  }
0x87: {  	[tilespmem:$0x1C20] =	vst @!p0 v8  }
0x88: {  	v8 =	vld @!p0 [tilespmem:s24+$0x130];
	_ =	sdelay $0x4  }
0x89: {  	[tilespmem:$0x1C30] =	vst @!p0 v8  }
0x8a: {  	v8 =	vld @!p0 [tilespmem:s24+$0x140];
	_ =	sdelay $0x4  }
0x8b: {  	[tilespmem:$0x1C40] =	vst @!p0 v8  }
0x8c: {  	v8 =	vld @!p0 [tilespmem:s24+$0x150];
	_ =	sdelay $0x4  }
0x8d: {  	[tilespmem:$0x1C50] =	vst @!p0 v8  }
0x8e: {  	v8 =	vld @!p0 [tilespmem:s24+$0x160];
	_ =	sdelay $0x4  }
0x8f: {  	[tilespmem:$0x1C60] =	vst @!p0 v8  }
0x90: {  	v8 =	vld @!p0 [tilespmem:s24+$0x170];
	_ =	sdelay $0x4  }
0x91: {  	s25 =	simm.s32 @!p0 $0x1C00;
	s26 =	simm.s32 @!p0 $0x1D00;
	s24 =	simm.s32 @!p0 $0x80;
	[tilespmem:$0x1C70] =	vst @!p0 v8  }
0x92: {  	[tilespmem:s26], [sflag:$0x1] =	stream.indirect.gather @!p0 [hbm4b:s5+s24], $0x80, s25, s24, $0xb8;
	[tilespmem:$0xDD00] =	vst v63  }
0x93: {  	_ =	swait.ge [sflag:s20], $0x4000  }
0x94: {  	s24 =	simm.s32 $0x5D80;
	[sflag:s20] =	ssyncset.done $0x0  }
0x95: {  	s26 =	simm.s32 $0x0;
	s25 =	simm.s32 $0x2;
	[sflag:s20] =	ssyncadd.s32 $0xFFFFC000  }
.LBB2_5:
0x96: {  	p0 =	slt.u32 s25, $0x7E;
	v8 =	vld [tilespmem:s24+$0xFFFFFF80];
	v9 =	vor.u32 s26, v0;
	_ =	sdelay $0x4  }
0x97: {  	[tilespmem:v9+s19+$0x0] =	vst.idx.msk $0xffff, v8  }
0x98: {  	v9 =	vor.u32 s26, v1;
	v8 =	vld [tilespmem:s24+$0xFFFFFF90];
	_ =	sdelay $0x4  }
0x99: {  	[tilespmem:v9+s19+$0x0] =	vst.idx.msk $0xffff, v8  }
0x9a: {  	v9 =	vor.u32 s26, v2;
	v8 =	vld [tilespmem:s24+$0xFFFFFFA0];
	_ =	sdelay $0x4  }
0x9b: {  	[tilespmem:v9+s19+$0x0] =	vst.idx.msk $0xffff, v8  }
0x9c: {  	v9 =	vor.u32 s26, v3;
	v8 =	vld [tilespmem:s24+$0xFFFFFFB0];
	_ =	sdelay $0x4  }
0x9d: {  	[tilespmem:v9+s19+$0x0] =	vst.idx.msk $0xffff, v8  }
0x9e: {  	v9 =	vor.u32 s26, v4;
	v8 =	vld [tilespmem:s24+$0xFFFFFFC0];
	_ =	sdelay $0x4  }
0x9f: {  	[tilespmem:v9+s19+$0x0] =	vst.idx.msk $0xffff, v8  }
0xa0: {  	v9 =	vor.u32 s26, v5;
	v8 =	vld [tilespmem:s24+$0xFFFFFFD0];
	_ =	sdelay $0x4  }
0xa1: {  	[tilespmem:v9+s19+$0x0] =	vst.idx.msk $0xffff, v8  }
0xa2: {  	v9 =	vor.u32 s26, v6;
	v8 =	vld [tilespmem:s24+$0xFFFFFFE0];
	_ =	sdelay $0x4  }
0xa3: {  	[tilespmem:v9+s19+$0x0] =	vst.idx.msk $0xffff, v8  }
0xa4: {  	v9 =	vor.u32 s26, v7;
	v8 =	vld [tilespmem:s24+$0xFFFFFFF0];
	_ =	sdelay $0x4  }
0xa5: {  	s26 =	sadd.s32 $0x80, s26;
	[tilespmem:v9+s19+$0x0] =	vst.idx.msk $0xffff, v8  }
0xa6: {  	v9 =	vor.u32 s26, v0;
	v8 =	vld [tilespmem:s24+$0x0];
	_ =	sdelay $0x4  }
0xa7: {  	[tilespmem:v9+s19+$0x0] =	vst.idx.msk $0xffff, v8  }
0xa8: {  	v9 =	vor.u32 s26, v1;
	v8 =	vld [tilespmem:s24+$0x10];
	_ =	sdelay $0x4  }
0xa9: {  	[tilespmem:v9+s19+$0x0] =	vst.idx.msk $0xffff, v8  }
0xaa: {  	v9 =	vor.u32 s26, v2;
	v8 =	vld [tilespmem:s24+$0x20];
	_ =	sdelay $0x4  }
0xab: {  	[tilespmem:v9+s19+$0x0] =	vst.idx.msk $0xffff, v8  }
0xac: {  	v9 =	vor.u32 s26, v3;
	v8 =	vld [tilespmem:s24+$0x30];
	_ =	sdelay $0x4  }
0xad: {  	[tilespmem:v9+s19+$0x0] =	vst.idx.msk $0xffff, v8  }
0xae: {  	v9 =	vor.u32 s26, v4;
	v8 =	vld [tilespmem:s24+$0x40];
	_ =	sdelay $0x4  }
0xaf: {  	[tilespmem:v9+s19+$0x0] =	vst.idx.msk $0xffff, v8  }
0xb0: {  	v9 =	vor.u32 s26, v5;
	v8 =	vld [tilespmem:s24+$0x50];
	_ =	sdelay $0x4  }
0xb1: {  	[tilespmem:v9+s19+$0x0] =	vst.idx.msk $0xffff, v8  }
0xb2: {  	v9 =	vor.u32 s26, v6;
	v8 =	vld [tilespmem:s24+$0x60];
	_ =	sdelay $0x4  }
0xb3: {  	[tilespmem:v9+s19+$0x0] =	vst.idx.msk $0xffff, v8  }
0xb4: {  	v9 =	vor.u32 s26, v7;
	v8 =	vld [tilespmem:s24+$0x70]  }
.Ltmp1:
0xb5: {  	(pc) =	sbr.rel @p0 .LBB2_5-.Ltmp1, $2  }
0xb6: {  	_ =	sdelay $0x2  }
0xb7: {  	s26 =	sshll.u32 s25, $0x7;
	s25 =	sadd.s32 $0x2, s25;
	s24 =	sadd.s32 $0x100, s24;
	[tilespmem:v9+s19+$0x0] =	vst.idx.msk $0xffff, v8  }
0xb8: {  	v8 =	vld [tilespmem:s24+$0xFFFFFF80];
	v9 =	vor.u32 s26, v0;
	_ =	sdelay $0x4  }
0xb9: {  	[tilespmem:v9+s19+$0x0] =	vst.idx.msk $0xffff, v8  }
0xba: {  	v49 =	vor.u32 s26, v1;
	v8 =	vld [tilespmem:s24+$0xFFFFFF90];
	_ =	sdelay $0x4  }
0xbb: {  	[tilespmem:v49+s19+$0x0] =	vst.idx.msk $0xffff, v8  }
0xbc: {  	v50 =	vor.u32 s26, v2;
	v8 =	vld [tilespmem:s24+$0xFFFFFFA0];
	_ =	sdelay $0x4  }
0xbd: {  	[tilespmem:v50+s19+$0x0] =	vst.idx.msk $0xffff, v8  }
0xbe: {  	v51 =	vor.u32 s26, v3;
	v8 =	vld [tilespmem:s24+$0xFFFFFFB0];
	_ =	sdelay $0x4  }
0xbf: {  	[tilespmem:v51+s19+$0x0] =	vst.idx.msk $0xffff, v8  }
0xc0: {  	v52 =	vor.u32 s26, v4;
	v8 =	vld [tilespmem:s24+$0xFFFFFFC0];
	_ =	sdelay $0x4  }
0xc1: {  	[tilespmem:v52+s19+$0x0] =	vst.idx.msk $0xffff, v8  }
0xc2: {  	v53 =	vor.u32 s26, v5;
	v8 =	vld [tilespmem:s24+$0xFFFFFFD0];
	_ =	sdelay $0x4  }
0xc3: {  	[tilespmem:v53+s19+$0x0] =	vst.idx.msk $0xffff, v8  }
0xc4: {  	v54 =	vor.u32 s26, v6;
	v8 =	vld [tilespmem:s24+$0xFFFFFFE0];
	_ =	sdelay $0x4  }
0xc5: {  	[tilespmem:v54+s19+$0x0] =	vst.idx.msk $0xffff, v8  }
0xc6: {  	v55 =	vor.u32 s26, v7;
	v8 =	vld [tilespmem:s24+$0xFFFFFFF0];
	_ =	sdelay $0x4  }
0xc7: {  	s25 =	sadd.s32 $0x80, s26;
	[tilespmem:v55+s19+$0x0] =	vst.idx.msk $0xffff, v8  }
0xc8: {  	v56 =	vor.u32 s25, v0;
	v8 =	vld [tilespmem:s24+$0x0];
	_ =	sdelay $0x4  }
0xc9: {  	[tilespmem:v56+s19+$0x0] =	vst.idx.msk $0xffff, v8  }
0xca: {  	v57 =	vor.u32 s25, v1;
	v8 =	vld [tilespmem:s24+$0x10];
	_ =	sdelay $0x4  }
0xcb: {  	[tilespmem:v57+s19+$0x0] =	vst.idx.msk $0xffff, v8  }
0xcc: {  	v58 =	vor.u32 s25, v2;
	v8 =	vld [tilespmem:s24+$0x20];
	_ =	sdelay $0x4  }
0xcd: {  	[tilespmem:v58+s19+$0x0] =	vst.idx.msk $0xffff, v8  }
0xce: {  	v59 =	vor.u32 s25, v3;
	v8 =	vld [tilespmem:s24+$0x30];
	_ =	sdelay $0x4  }
0xcf: {  	[tilespmem:v59+s19+$0x0] =	vst.idx.msk $0xffff, v8  }
0xd0: {  	v60 =	vor.u32 s25, v4;
	v8 =	vld [tilespmem:s24+$0x40];
	_ =	sdelay $0x4  }
0xd1: {  	[tilespmem:v60+s19+$0x0] =	vst.idx.msk $0xffff, v8  }
0xd2: {  	v61 =	vor.u32 s25, v5;
	v8 =	vld [tilespmem:s24+$0x50];
	_ =	sdelay $0x4  }
0xd3: {  	[tilespmem:v61+s19+$0x0] =	vst.idx.msk $0xffff, v8  }
0xd4: {  	v62 =	vor.u32 s25, v6;
	v8 =	vld [tilespmem:s24+$0x60];
	_ =	sdelay $0x4  }
0xd5: {  	[tilespmem:v62+s19+$0x0] =	vst.idx.msk $0xffff, v8  }
0xd6: {  	v63 =	vor.u32 s25, v7;
	v8 =	vld [tilespmem:s24+$0x70];
	_ =	sdelay $0x1  }
0xd7: {  	s23 =	sshll.u32 s23, $0x13  }
0xd8: {  	s22 =	sadd.s32 $0x1, s22;
	s23 =	sor.u32 s7, s23  }
0xd9: {  	p0 =	sne.s32 s22, $0x19;
	s23 =	sshrl.u32 s23, $0x3  }
.Ltmp2:
0xda: {  	s23 =	sadd.s32 s2, s23;
	[tilespmem:v63+s19+$0x0] =	vst.idx.msk $0xffff, v8;
	(pc) =	sbr.rel @p0 .LBB2_2-.Ltmp2, $4  }
0xdb: {  	[hbm4b:s23+s3] =	stream.linear.scatter [tilespmem:s19], [sflag:$0x3], $0x4000, $0x38;
	[tilespmem:$0xDD00] =	vst v63  }
0xdc: {  	_ =	swait.ge [sflag:s12], $0x4000  }
0xdd: {  	[sflag:s12] =	ssyncset.done $0x0  }
0xde: {  	[sflag:s12] =	ssyncadd.s32 $0xFFFFC000  }
0xdf: {  	s21 =	sadd.s32 $0x1, s21  }
0xe0: {  	p0 =	sne.s32 s21, s8  }
.Ltmp3:
0xe1: {  	_ = 	snop;
	(pc) =	sbr.rel @p0 .LBB2_1-.Ltmp3, $1  }
0xe2: {  	_ =	sdelay $0x3  }
0xe3: {  	_ =	sfence.sel $0x180000  }
0xe4: {  	[bflag:$0x0] =	sbarrier.arrive $0xFFFF  }
0xe5: {  	p0 =	sne.s32 s1, $0x0;
	_ =	strace $0x90000047  }
0xe6: {  	s0 =	sadd.s32 @!p0 $0x100000, s0;
	[bflag:$0x2] =	sbarrier.arrive $0xFFFF  }
0xe7: {  	[sflag:s0] =	ssyncadd.tile.s32 @!p0 $0x1;
	_ =	shalt  }
.Lfunc_end2:
_tile_overlayer_lowered:
.L_overlay_start_2:
0xe8: {  	(tag) =	ssettag $0x2  }
0xe9: {  	s0 =	rddreg [dreg:$0x0];
	s2 =	stileid.u32  }
0xea: {  	s1 =	rddreg [dreg:$0x1];
	p0 =	sne.s32 s2, $0x0  }
0xeb: {  	s3 =	rddreg [dreg:$0x2];
	[bflag:$0x3] =	sbarrier.arrive $0xFFFF;
	s2 =	simm.s32 @!p0 $0x1C03  }
0xec: {  	[timem:s3], [sflag:s2] =	dma.local @!p0 [hbm:s0], s1  }
0xed: {  	s0 =	simm.s32 @!p0 $0x3  }
0xee: {  	_ =	swait.ge @!p0 [sflag:s0], s1  }
0xef: {  	s1 =	ssub.s32 @!p0 $0x0, s1;
	[sflag:s0] =	ssyncset.done @!p0 $0x0  }
0xf0: {  	[sflag:s0] =	ssyncadd.s32 @!p0 s1  }
0xf1: {  	[bflag:$0x3] =	sbarrier.arrive $0xFFFF  }
0xf2: {  	_ =	shalt  }

</sc_bundles>
